<compile_context>
chip_gen: v7x
topology: tpu7x:2x2x1
jax: 0.10.2.dev20260603
libtpu: 0.0.44.dev20260713+nightly
codegen_flags: <defaults>
</compile_context>

<pallas_src>
import functools

import jax
import jax.numpy as jnp
from jax import lax
from jax.experimental import pallas as pl
from jax.experimental.pallas import tpu as pltpu
from jax.experimental.pallas import tpu_sc as plsc

_NW = 32
_CHUNK = 20480


def _sc_histogram(idx_flat, L, B, V_pad):
    mesh = plsc.VectorSubcoreMesh(core_axis_name="c", subcore_axis_name="s")
    cols_per_tile = (L + _NW - 1) // _NW
    inv_b = 1.0 / float(B)
    n_chunks = V_pad // _CHUNK

    @functools.partial(
        pl.kernel,
        out_type=jax.ShapeDtypeStruct((L * V_pad // 2,), jnp.float32),
        mesh=mesh,
        scratch_types=[
            pltpu.VMEM((V_pad,), jnp.float32),
            pltpu.VMEM((B,), jnp.int32),
            pltpu.VMEM((_CHUNK // 2,), jnp.float32),
            pltpu.SemaphoreType.DMA,
        ],
        compiler_params=pltpu.CompilerParams(needs_layout_passes=False),
    )
    def hist_kernel(idx_hbm, out_hbm, hist_v, idx_v, pack_v, sem0):
        cid = lax.axis_index("c")
        sid = lax.axis_index("s")
        wid = sid * 2 + cid
        ones = jnp.full((16,), inv_b, dtype=jnp.float32)
        zeros16 = jnp.zeros((16,), dtype=jnp.float32)

        Vh = V_pad // 2

        def permute(v):
            ishi = v >= Vh
            u = jnp.where(ishi, v - Vh, v)
            g = u & 15
            return (u - g) * 2 + g + jnp.where(ishi, 16, 0)

        for t in range(cols_per_tile):
            col = t * _NW + wid

            @pl.when(col < L)
            def _():
                icp = pltpu.async_copy(idx_hbm.at[pl.ds(col * B, B)], idx_v, sem0)

                if t == 0:
                    def zbody(i, carry):
                        hist_v[pl.ds(i * 16, 16)] = zeros16
                        return carry

                    lax.fori_loop(0, V_pad // 16, zbody, 0, unroll=8)

                icp.wait()

                def body(i, carry):
                    iv = permute(idx_v[pl.ds(i * 16, 16)])
                    plsc.addupdate_scatter(hist_v, [iv], ones)
                    return carry

                lax.fori_loop(0, B // 16, body, 0, unroll=8)

                for c in range(n_chunks):
                    def pbody(i, carry):
                        base = c * _CHUNK + i * 32
                        a = hist_v[pl.ds(base, 16)]
                        b = hist_v[pl.ds(base + 16, 16)]
                        pack_v[pl.ds(i * 16, 16)] = plsc.bitcast(
                            plsc.pack(a, b, format=plsc.PackFormat.INTERLEAVED),
                            jnp.float32)
                        return carry

                    lax.fori_loop(0, _CHUNK // 32, pbody, 0, unroll=8)
                    pltpu.sync_copy(
                        pack_v,
                        out_hbm.at[pl.ds(col * (V_pad // 2) + c * (_CHUNK // 2),
                                         _CHUNK // 2)])

                if t + 1 < cols_per_tile:
                    def zsbody(i, carry):
                        iv = permute(idx_v[pl.ds(i * 16, 16)])
                        plsc.store_scatter(hist_v, [iv], zeros16)
                        return carry

                    lax.fori_loop(0, B // 16, zsbody, 0, unroll=8)

    return hist_kernel(idx_flat)


def _tc_mean(packed, emb, L, V, E, VBw):
    Wn = packed.shape[1]
    K = Wn // VBw
    Vh = Wn
    KHI_MAX = (V - 1) // VBw

    def body(p_ref, elo_ref, ehi_ref, o_ref):
        k = pl.program_id(0)
        wi = lax.bitcast_convert_type(p_ref[...], jnp.uint32)
        lo = lax.bitcast_convert_type(wi << 16, jnp.float32)
        hi = lax.bitcast_convert_type(wi & jnp.uint32(0xFFFF0000), jnp.float32)
        elo = elo_ref[...]
        ehi = ehi_ref[...]
        row = Vh + k * VBw + lax.broadcasted_iota(jnp.int32, (VBw, E), 0)
        ehi = jnp.where(row < V, ehi, 0.0)
        acc = (lax.dot_general(lo, elo, (((1,), (0,)), ((), ())),
                               preferred_element_type=jnp.float32) +
               lax.dot_general(hi, ehi, (((1,), (0,)), ((), ())),
                               preferred_element_type=jnp.float32))

        @pl.when(k == 0)
        def _():
            o_ref[...] = jnp.zeros_like(o_ref)

        o_ref[...] += acc

    return pl.pallas_call(
        body,
        grid=(K,),
        in_specs=[
            pl.BlockSpec((L, VBw), lambda k: (0, k)),
            pl.BlockSpec((VBw, E), lambda k: (k, 0)),
            pl.BlockSpec((VBw, E), lambda k: (jnp.minimum(k + K, KHI_MAX), 0)),
        ],
        out_specs=pl.BlockSpec((L, E), lambda k: (0, 0)),
        out_shape=jax.ShapeDtypeStruct((L, E), jnp.float32),
        compiler_params=pltpu.CompilerParams(
            dimension_semantics=("arbitrary",)),
    )(packed, emb, emb)


def _tc_linear(mean, fc_w, fc_b2d, L, V, E, VB):
    K = pl.cdiv(V, VB)

    def body(m_ref, w_ref, b_ref, o_ref):
        m = m_ref[...]
        w = w_ref[...]
        b = b_ref[...]
        o_ref[...] = lax.dot_general(m, w, (((1,), (1,)), ((), ())),
                                     preferred_element_type=jnp.float32) + b

    return pl.pallas_call(
        body,
        grid=(K,),
        in_specs=[
            pl.BlockSpec((L, E), lambda k: (0, 0)),
            pl.BlockSpec((VB, E), lambda k: (k, 0)),
            pl.BlockSpec((1, VB), lambda k: (0, k)),
        ],
        out_specs=pl.BlockSpec((L, VB), lambda k: (0, k)),
        out_shape=jax.ShapeDtypeStruct((L, V), jnp.float32),
        compiler_params=pltpu.CompilerParams(
            dimension_semantics=("parallel",)),
    )(mean, fc_w, fc_b2d)


def kernel(context_word_idx, embedding, fc_w, fc_b):
    B, L = context_word_idx.shape
    V, E = embedding.shape
    VB2 = 4096
    VB3 = 16384
    V_pad = ((V + VB2 - 1) // VB2) * VB2
    idx = context_word_idx.astype(jnp.int32)
    idx_flat = idx.T.reshape(-1)
    packed = _sc_histogram(idx_flat, L, B, V_pad).reshape(L, V_pad // 2)
    mean = _tc_mean(packed, embedding, L, V, E, VB2 // 2)
    out = _tc_linear(mean, fc_w, fc_b.reshape(1, V), L, V, E, VB3)
    return out

# --- scband reference (transcript-rebuilt; emitter-appended) ---
"""Pipeline reference for scband-cbowmodel-72473278153117 (READ-ONLY COPY).

The authoritative reference and input builder live on the scoring server;
editing this copy changes nothing except your own understanding.
"""

import jax, jax.numpy as jnp
import numpy as np

VOCAB = 100000
EMBED = 64

def setup_inputs(seed: int = 0) -> dict:
    key = jax.random.key(seed)
    k1, k2, k3, k4 = jax.random.split(key, 4)
    context_word_idx = jax.random.randint(k1, (16384, 50), 0, VOCAB, dtype=jnp.int64) if jax.config.jax_enable_x64 else jax.random.randint(k1, (16384, 50), 0, VOCAB, dtype=jnp.int32)
    embedding = jax.random.normal(k2, (VOCAB, EMBED), dtype=jnp.float32)
    fc_w = jax.random.normal(k3, (VOCAB, EMBED), dtype=jnp.float32) * (1.0 / np.sqrt(EMBED))
    fc_b = jax.random.normal(k4, (VOCAB,), dtype=jnp.float32) * 0.01
    return {"context_word_idx": context_word_idx, "embedding": embedding, "fc_w": fc_w, "fc_b": fc_b}

def reference(context_word_idx, embedding, fc_w, fc_b):
    # embedding lookup (gather)
    embeddings = jnp.take(embedding, context_word_idx, axis=0)  # [B, L, E]
    # mean over dim 0 (faithful to torch code: embeddings.mean(dim=0))
    mean_embedding = embeddings.mean(axis=0)  # [L, E]
    # linear: x @ W^T + b
    output = mean_embedding @ fc_w.T + fc_b  # [L, VOCAB]
    return output

if __name__ == "__main__":
    import jax
    _d = setup_inputs()
    print(jax.jit(kernel)(*tuple(_d.values())))

</pallas_src>

<mosaic_0001>
#map = affine_map<(d0, d1) -> (0)>
module attributes {stable_mosaic.version = 14 : i64} {
  func.func @hist_kernel(%arg0: i32, %arg1: i32, %arg2: memref<819200xi32, #tpu.memory_space<hbm>>, %arg3: memref<2560000xf32, #tpu.memory_space<hbm>>, %arg4: memref<102400xf32, #tpu.memory_space<vmem>>, %arg5: memref<16384xi32, #tpu.memory_space<vmem>>, %arg6: memref<10240xf32, #tpu.memory_space<vmem>>, %arg7: memref<!tpu.dma_semaphore, #tpu.memory_space<semaphore_mem>>) attributes {dimension_semantics = [#tpu.dimension_semantics<core_parallel>, #tpu.dimension_semantics<subcore_parallel>], iteration_bounds = array<i64: 2, 16>, scalar_prefetch = 0 : i64, scratch_operands = 4 : i64, tpu.core_type = #tpu.core_type<sc_vector_subcore>, window_params = [{transform_indices = #map}, {transform_indices = #map}]} {
    %mul3A = arith.constant 2 : i32
    %mul3A_0 = arith.muli %arg1, %mul3A : i32
    %add3A = arith.addi %mul3A_0, %arg0 : i32
    %broadcast_in_dim3A = arith.constant 6.10351563E-5 : f32
    %broadcast_in_dim3A_1 = vector.broadcast %broadcast_in_dim3A : f32 to vector<16xf32>
    %broadcast_in_dim3A_2 = arith.constant 0.000000e+00 : f32
    %broadcast_in_dim3A_3 = vector.broadcast %broadcast_in_dim3A_2 : f32 to vector<16xf32>
    %add3A_4 = arith.constant 0 : i32
    %add3A_5 = arith.addi %add3A_4, %add3A : i32
    %lt3A = arith.constant 50 : i32
    %lt3A_6 = arith.cmpi slt, %add3A_5, %lt3A : i32
    %convert_element_type3A = arith.extui %lt3A_6 : i1 to i32
    %cond3A = arith.constant 0 : i32
    %cond3A_7 = arith.cmpi ne, %convert_element_type3A, %cond3A : i32
    scf.if %cond3A_7 {
      %mul3A_15 = arith.constant 16384 : i32
      %mul3A_16 = arith.muli %add3A_5, %mul3A_15 : i32
      %dma_start3A = tpu.memref_slice %arg2[%mul3A_16] : memref<819200xi32, #tpu.memory_space<hbm>> -> memref<16384xi32, #tpu.memory_space<hbm>>
      %dma_start3A_17 = tpu.memref_slice %arg2[%mul3A_16] : memref<819200xi32, #tpu.memory_space<hbm>> -> memref<16384xi32, #tpu.memory_space<hbm>>
      tpu.enqueue_dma source(%dma_start3A_17 : memref<16384xi32, #tpu.memory_space<hbm>>) target(%arg5 : memref<16384xi32, #tpu.memory_space<vmem>>) target_semaphore(%arg7 : memref<!tpu.dma_semaphore, #tpu.memory_space<semaphore_mem>>)
      %scan3A = arith.constant 0 : i32
      %scan3A_18 = arith.constant 0 : i32
      %scan3A_19 = arith.constant 6400 : i32
      %scan3A_20 = arith.addi %scan3A_18, %scan3A_19 : i32
      %scan3A_21 = arith.constant 8 : i32
      scf.for %scan3A_86 = %scan3A_18 to %scan3A_20 step %scan3A_21  : i32 {
        %mul3A_87 = arith.constant 16 : i32
        %mul3A_88 = arith.muli %scan3A_86, %mul3A_87 : i32
        %swap3A = arith.index_cast %mul3A_88 : i32 to index
        %swap3A_89 = tpu.vector_load %arg4[%swap3A] {strides = array<i32>} : memref<102400xf32, #tpu.memory_space<vmem>>, vector<16xf32>,
        tpu.vector_store %arg4[%swap3A], %broadcast_in_dim3A_3 {strides = array<i32>} : memref<102400xf32, #tpu.memory_space<vmem>>, vector<16xf32>,
        %scan3A_90 = arith.constant 1 : i32
        %scan3A_91 = arith.addi %scan3A_86, %scan3A_90 : i32
        %mul3A_92 = arith.constant 16 : i32
        %mul3A_93 = arith.muli %scan3A_91, %mul3A_92 : i32
        %swap3A_94 = arith.index_cast %mul3A_93 : i32 to index
        %swap3A_95 = tpu.vector_load %arg4[%swap3A_94] {strides = array<i32>} : memref<102400xf32, #tpu.memory_space<vmem>>, vector<16xf32>,
        tpu.vector_store %arg4[%swap3A_94], %broadcast_in_dim3A_3 {strides = array<i32>} : memref<102400xf32, #tpu.memory_space<vmem>>, vector<16xf32>,
        %scan3A_96 = arith.constant 2 : i32
        %scan3A_97 = arith.addi %scan3A_86, %scan3A_96 : i32
        %mul3A_98 = arith.constant 16 : i32
        %mul3A_99 = arith.muli %scan3A_97, %mul3A_98 : i32
        %swap3A_100 = arith.index_cast %mul3A_99 : i32 to index
        %swap3A_101 = tpu.vector_load %arg4[%swap3A_100] {strides = array<i32>} : memref<102400xf32, #tpu.memory_space<vmem>>, vector<16xf32>,
        tpu.vector_store %arg4[%swap3A_100], %broadcast_in_dim3A_3 {strides = array<i32>} : memref<102400xf32, #tpu.memory_space<vmem>>, vector<16xf32>,
        %scan3A_102 = arith.constant 3 : i32
        %scan3A_103 = arith.addi %scan3A_86, %scan3A_102 : i32
        %mul3A_104 = arith.constant 16 : i32
        %mul3A_105 = arith.muli %scan3A_103, %mul3A_104 : i32
        %swap3A_106 = arith.index_cast %mul3A_105 : i32 to index
        %swap3A_107 = tpu.vector_load %arg4[%swap3A_106] {strides = array<i32>} : memref<102400xf32, #tpu.memory_space<vmem>>, vector<16xf32>,
        tpu.vector_store %arg4[%swap3A_106], %broadcast_in_dim3A_3 {strides = array<i32>} : memref<102400xf32, #tpu.memory_space<vmem>>, vector<16xf32>,
        %scan3A_108 = arith.constant 4 : i32
        %scan3A_109 = arith.addi %scan3A_86, %scan3A_108 : i32
        %mul3A_110 = arith.constant 16 : i32
        %mul3A_111 = arith.muli %scan3A_109, %mul3A_110 : i32
        %swap3A_112 = arith.index_cast %mul3A_111 : i32 to index
        %swap3A_113 = tpu.vector_load %arg4[%swap3A_112] {strides = array<i32>} : memref<102400xf32, #tpu.memory_space<vmem>>, vector<16xf32>,
        tpu.vector_store %arg4[%swap3A_112], %broadcast_in_dim3A_3 {strides = array<i32>} : memref<102400xf32, #tpu.memory_space<vmem>>, vector<16xf32>,
        %scan3A_114 = arith.constant 5 : i32
        %scan3A_115 = arith.addi %scan3A_86, %scan3A_114 : i32
        %mul3A_116 = arith.constant 16 : i32
        %mul3A_117 = arith.muli %scan3A_115, %mul3A_116 : i32
        %swap3A_118 = arith.index_cast %mul3A_117 : i32 to index
        %swap3A_119 = tpu.vector_load %arg4[%swap3A_118] {strides = array<i32>} : memref<102400xf32, #tpu.memory_space<vmem>>, vector<16xf32>,
        tpu.vector_store %arg4[%swap3A_118], %broadcast_in_dim3A_3 {strides = array<i32>} : memref<102400xf32, #tpu.memory_space<vmem>>, vector<16xf32>,
        %scan3A_120 = arith.constant 6 : i32
        %scan3A_121 = arith.addi %scan3A_86, %scan3A_120 : i32
        %mul3A_122 = arith.constant 16 : i32
        %mul3A_123 = arith.muli %scan3A_121, %mul3A_122 : i32
        %swap3A_124 = arith.index_cast %mul3A_123 : i32 to index
        %swap3A_125 = tpu.vector_load %arg4[%swap3A_124] {strides = array<i32>} : memref<102400xf32, #tpu.memory_space<vmem>>, vector<16xf32>,
        tpu.vector_store %arg4[%swap3A_124], %broadcast_in_dim3A_3 {strides = array<i32>} : memref<102400xf32, #tpu.memory_space<vmem>>, vector<16xf32>,
        %scan3A_126 = arith.constant 7 : i32
        %scan3A_127 = arith.addi %scan3A_86, %scan3A_126 : i32
        %mul3A_128 = arith.constant 16 : i32
        %mul3A_129 = arith.muli %scan3A_127, %mul3A_128 : i32
        %swap3A_130 = arith.index_cast %mul3A_129 : i32 to index
        %swap3A_131 = tpu.vector_load %arg4[%swap3A_130] {strides = array<i32>} : memref<102400xf32, #tpu.memory_space<vmem>>, vector<16xf32>,
        tpu.vector_store %arg4[%swap3A_130], %broadcast_in_dim3A_3 {strides = array<i32>} : memref<102400xf32, #tpu.memory_space<vmem>>, vector<16xf32>,
      }
      %scan3A_22 = arith.constant 6400 : i32
      %dma_wait3A = tpu.memref_slice %arg2[%mul3A_16] : memref<819200xi32, #tpu.memory_space<hbm>> -> memref<16384xi32, #tpu.memory_space<hbm>>
      %dma_wait3A_23 = tpu.memref_slice %arg2[%mul3A_16] : memref<819200xi32, #tpu.memory_space<hbm>> -> memref<16384xi32, #tpu.memory_space<hbm>>
      tpu.wait_dma2 semaphore(%arg7 : memref<!tpu.dma_semaphore, #tpu.memory_space<semaphore_mem>>) src(%dma_wait3A_23 : memref<16384xi32, #tpu.memory_space<hbm>>) dst(%arg5 : memref<16384xi32, #tpu.memory_space<vmem>>)
      %scan3A_24 = arith.constant 0 : i32
      %scan3A_25 = arith.constant 0 : i32
      %scan3A_26 = arith.constant 1024 : i32
      %scan3A_27 = arith.addi %scan3A_25, %scan3A_26 : i32
      %scan3A_28 = arith.constant 8 : i32
      scf.for %scan3A_86 = %scan3A_25 to %scan3A_27 step %scan3A_28  : i32 {
        %mul3A_87 = arith.constant 16 : i32
        %mul3A_88 = arith.muli %scan3A_86, %mul3A_87 : i32
        %get3A = arith.index_cast %mul3A_88 : i32 to index
        %get3A_89 = tpu.vector_load %arg5[%get3A] {strides = array<i32>} : memref<16384xi32, #tpu.memory_space<vmem>>, vector<16xi32>,
        %ge3A = arith.constant 51200 : i32
        %ge3A_90 = vector.broadcast %ge3A : i32 to vector<16xi32>
        %ge3A_91 = arith.cmpi sge, %get3A_89, %ge3A_90 : vector<16xi32>
        %sub3A = arith.constant 51200 : i32
        %sub3A_92 = vector.broadcast %sub3A : i32 to vector<16xi32>
        %sub3A_93 = arith.subi %get3A_89, %sub3A_92 : vector<16xi32>
        %select_n3A = arith.select %ge3A_91, %sub3A_93, %get3A_89 : vector<16xi1>, vector<16xi32>
        %and3A = arith.constant 15 : i32
        %and3A_94 = vector.broadcast %and3A : i32 to vector<16xi32>
        %and3A_95 = arith.andi %select_n3A, %and3A_94 : vector<16xi32>
        %sub3A_96 = arith.subi %select_n3A, %and3A_95 : vector<16xi32>
        %mul3A_97 = arith.constant 2 : i32
        %mul3A_98 = vector.broadcast %mul3A_97 : i32 to vector<16xi32>
        %mul3A_99 = arith.muli %sub3A_96, %mul3A_98 : vector<16xi32>
        %add3A_100 = arith.addi %mul3A_99, %and3A_95 : vector<16xi32>
        %jit3A = arith.constant 16 : i32
        %jit3A_101 = arith.constant 0 : i32
        %broadcast_in_dim3A_102 = vector.broadcast %jit3A : i32 to vector<16xi32>
        %broadcast_in_dim3A_103 = vector.broadcast %jit3A_101 : i32 to vector<16xi32>
        %select_n3A_104 = arith.select %ge3A_91, %broadcast_in_dim3A_102, %broadcast_in_dim3A_103 : vector<16xi1>, vector<16xi32>
        %add3A_105 = arith.addi %add3A_100, %select_n3A_104 : vector<16xi32>
        tpu.vector_store_idx %arg4[%add3A_105], %broadcast_in_dim3A_1 {add = true} : memref<102400xf32, #tpu.memory_space<vmem>>[vector<16xi32>], vector<16xf32>,
        %scan3A_106 = arith.constant 1 : i32
        %scan3A_107 = arith.addi %scan3A_86, %scan3A_106 : i32
        %mul3A_108 = arith.constant 16 : i32
        %mul3A_109 = arith.muli %scan3A_107, %mul3A_108 : i32
        %get3A_110 = arith.index_cast %mul3A_109 : i32 to index
        %get3A_111 = tpu.vector_load %arg5[%get3A_110] {strides = array<i32>} : memref<16384xi32, #tpu.memory_space<vmem>>, vector<16xi32>,
        %ge3A_112 = arith.constant 51200 : i32
        %ge3A_113 = vector.broadcast %ge3A_112 : i32 to vector<16xi32>
        %ge3A_114 = arith.cmpi sge, %get3A_111, %ge3A_113 : vector<16xi32>
        %sub3A_115 = arith.constant 51200 : i32
        %sub3A_116 = vector.broadcast %sub3A_115 : i32 to vector<16xi32>
        %sub3A_117 = arith.subi %get3A_111, %sub3A_116 : vector<16xi32>
        %select_n3A_118 = arith.select %ge3A_114, %sub3A_117, %get3A_111 : vector<16xi1>, vector<16xi32>
        %and3A_119 = arith.constant 15 : i32
        %and3A_120 = vector.broadcast %and3A_119 : i32 to vector<16xi32>
        %and3A_121 = arith.andi %select_n3A_118, %and3A_120 : vector<16xi32>
        %sub3A_122 = arith.subi %select_n3A_118, %and3A_121 : vector<16xi32>
        %mul3A_123 = arith.constant 2 : i32
        %mul3A_124 = vector.broadcast %mul3A_123 : i32 to vector<16xi32>
        %mul3A_125 = arith.muli %sub3A_122, %mul3A_124 : vector<16xi32>
        %add3A_126 = arith.addi %mul3A_125, %and3A_121 : vector<16xi32>
        %jit3A_127 = arith.constant 16 : i32
        %jit3A_128 = arith.constant 0 : i32
        %broadcast_in_dim3A_129 = vector.broadcast %jit3A_127 : i32 to vector<16xi32>
        %broadcast_in_dim3A_130 = vector.broadcast %jit3A_128 : i32 to vector<16xi32>
        %select_n3A_131 = arith.select %ge3A_114, %broadcast_in_dim3A_129, %broadcast_in_dim3A_130 : vector<16xi1>, vector<16xi32>
        %add3A_132 = arith.addi %add3A_126, %select_n3A_131 : vector<16xi32>
        tpu.vector_store_idx %arg4[%add3A_132], %broadcast_in_dim3A_1 {add = true} : memref<102400xf32, #tpu.memory_space<vmem>>[vector<16xi32>], vector<16xf32>,
        %scan3A_133 = arith.constant 2 : i32
        %scan3A_134 = arith.addi %scan3A_86, %scan3A_133 : i32
        %mul3A_135 = arith.constant 16 : i32
        %mul3A_136 = arith.muli %scan3A_134, %mul3A_135 : i32
        %get3A_137 = arith.index_cast %mul3A_136 : i32 to index
        %get3A_138 = tpu.vector_load %arg5[%get3A_137] {strides = array<i32>} : memref<16384xi32, #tpu.memory_space<vmem>>, vector<16xi32>,
        %ge3A_139 = arith.constant 51200 : i32
        %ge3A_140 = vector.broadcast %ge3A_139 : i32 to vector<16xi32>
        %ge3A_141 = arith.cmpi sge, %get3A_138, %ge3A_140 : vector<16xi32>
        %sub3A_142 = arith.constant 51200 : i32
        %sub3A_143 = vector.broadcast %sub3A_142 : i32 to vector<16xi32>
        %sub3A_144 = arith.subi %get3A_138, %sub3A_143 : vector<16xi32>
        %select_n3A_145 = arith.select %ge3A_141, %sub3A_144, %get3A_138 : vector<16xi1>, vector<16xi32>
        %and3A_146 = arith.constant 15 : i32
        %and3A_147 = vector.broadcast %and3A_146 : i32 to vector<16xi32>
        %and3A_148 = arith.andi %select_n3A_145, %and3A_147 : vector<16xi32>
        %sub3A_149 = arith.subi %select_n3A_145, %and3A_148 : vector<16xi32>
        %mul3A_150 = arith.constant 2 : i32
        %mul3A_151 = vector.broadcast %mul3A_150 : i32 to vector<16xi32>
        %mul3A_152 = arith.muli %sub3A_149, %mul3A_151 : vector<16xi32>
        %add3A_153 = arith.addi %mul3A_152, %and3A_148 : vector<16xi32>
        %jit3A_154 = arith.constant 16 : i32
        %jit3A_155 = arith.constant 0 : i32
        %broadcast_in_dim3A_156 = vector.broadcast %jit3A_154 : i32 to vector<16xi32>
        %broadcast_in_dim3A_157 = vector.broadcast %jit3A_155 : i32 to vector<16xi32>
        %select_n3A_158 = arith.select %ge3A_141, %broadcast_in_dim3A_156, %broadcast_in_dim3A_157 : vector<16xi1>, vector<16xi32>
        %add3A_159 = arith.addi %add3A_153, %select_n3A_158 : vector<16xi32>
        tpu.vector_store_idx %arg4[%add3A_159], %broadcast_in_dim3A_1 {add = true} : memref<102400xf32, #tpu.memory_space<vmem>>[vector<16xi32>], vector<16xf32>,
        %scan3A_160 = arith.constant 3 : i32
        %scan3A_161 = arith.addi %scan3A_86, %scan3A_160 : i32
        %mul3A_162 = arith.constant 16 : i32
        %mul3A_163 = arith.muli %scan3A_161, %mul3A_162 : i32
        %get3A_164 = arith.index_cast %mul3A_163 : i32 to index
        %get3A_165 = tpu.vector_load %arg5[%get3A_164] {strides = array<i32>} : memref<16384xi32, #tpu.memory_space<vmem>>, vector<16xi32>,
        %ge3A_166 = arith.constant 51200 : i32
        %ge3A_167 = vector.broadcast %ge3A_166 : i32 to vector<16xi32>
        %ge3A_168 = arith.cmpi sge, %get3A_165, %ge3A_167 : vector<16xi32>
        %sub3A_169 = arith.constant 51200 : i32
        %sub3A_170 = vector.broadcast %sub3A_169 : i32 to vector<16xi32>
        %sub3A_171 = arith.subi %get3A_165, %sub3A_170 : vector<16xi32>
        %select_n3A_172 = arith.select %ge3A_168, %sub3A_171, %get3A_165 : vector<16xi1>, vector<16xi32>
        %and3A_173 = arith.constant 15 : i32
        %and3A_174 = vector.broadcast %and3A_173 : i32 to vector<16xi32>
        %and3A_175 = arith.andi %select_n3A_172, %and3A_174 : vector<16xi32>
        %sub3A_176 = arith.subi %select_n3A_172, %and3A_175 : vector<16xi32>
        %mul3A_177 = arith.constant 2 : i32
        %mul3A_178 = vector.broadcast %mul3A_177 : i32 to vector<16xi32>
        %mul3A_179 = arith.muli %sub3A_176, %mul3A_178 : vector<16xi32>
        %add3A_180 = arith.addi %mul3A_179, %and3A_175 : vector<16xi32>
        %jit3A_181 = arith.constant 16 : i32
        %jit3A_182 = arith.constant 0 : i32
        %broadcast_in_dim3A_183 = vector.broadcast %jit3A_181 : i32 to vector<16xi32>
        %broadcast_in_dim3A_184 = vector.broadcast %jit3A_182 : i32 to vector<16xi32>
        %select_n3A_185 = arith.select %ge3A_168, %broadcast_in_dim3A_183, %broadcast_in_dim3A_184 : vector<16xi1>, vector<16xi32>
        %add3A_186 = arith.addi %add3A_180, %select_n3A_185 : vector<16xi32>
        tpu.vector_store_idx %arg4[%add3A_186], %broadcast_in_dim3A_1 {add = true} : memref<102400xf32, #tpu.memory_space<vmem>>[vector<16xi32>], vector<16xf32>,
        %scan3A_187 = arith.constant 4 : i32
        %scan3A_188 = arith.addi %scan3A_86, %scan3A_187 : i32
        %mul3A_189 = arith.constant 16 : i32
        %mul3A_190 = arith.muli %scan3A_188, %mul3A_189 : i32
        %get3A_191 = arith.index_cast %mul3A_190 : i32 to index
        %get3A_192 = tpu.vector_load %arg5[%get3A_191] {strides = array<i32>} : memref<16384xi32, #tpu.memory_space<vmem>>, vector<16xi32>,
        %ge3A_193 = arith.constant 51200 : i32
        %ge3A_194 = vector.broadcast %ge3A_193 : i32 to vector<16xi32>
        %ge3A_195 = arith.cmpi sge, %get3A_192, %ge3A_194 : vector<16xi32>
        %sub3A_196 = arith.constant 51200 : i32
        %sub3A_197 = vector.broadcast %sub3A_196 : i32 to vector<16xi32>
        %sub3A_198 = arith.subi %get3A_192, %sub3A_197 : vector<16xi32>
        %select_n3A_199 = arith.select %ge3A_195, %sub3A_198, %get3A_192 : vector<16xi1>, vector<16xi32>
        %and3A_200 = arith.constant 15 : i32
        %and3A_201 = vector.broadcast %and3A_200 : i32 to vector<16xi32>
        %and3A_202 = arith.andi %select_n3A_199, %and3A_201 : vector<16xi32>
        %sub3A_203 = arith.subi %select_n3A_199, %and3A_202 : vector<16xi32>
        %mul3A_204 = arith.constant 2 : i32
        %mul3A_205 = vector.broadcast %mul3A_204 : i32 to vector<16xi32>
        %mul3A_206 = arith.muli %sub3A_203, %mul3A_205 : vector<16xi32>
        %add3A_207 = arith.addi %mul3A_206, %and3A_202 : vector<16xi32>
        %jit3A_208 = arith.constant 16 : i32
        %jit3A_209 = arith.constant 0 : i32
        %broadcast_in_dim3A_210 = vector.broadcast %jit3A_208 : i32 to vector<16xi32>
        %broadcast_in_dim3A_211 = vector.broadcast %jit3A_209 : i32 to vector<16xi32>
        %select_n3A_212 = arith.select %ge3A_195, %broadcast_in_dim3A_210, %broadcast_in_dim3A_211 : vector<16xi1>, vector<16xi32>
        %add3A_213 = arith.addi %add3A_207, %select_n3A_212 : vector<16xi32>
        tpu.vector_store_idx %arg4[%add3A_213], %broadcast_in_dim3A_1 {add = true} : memref<102400xf32, #tpu.memory_space<vmem>>[vector<16xi32>], vector<16xf32>,
        %scan3A_214 = arith.constant 5 : i32
        %scan3A_215 = arith.addi %scan3A_86, %scan3A_214 : i32
        %mul3A_216 = arith.constant 16 : i32
        %mul3A_217 = arith.muli %scan3A_215, %mul3A_216 : i32
        %get3A_218 = arith.index_cast %mul3A_217 : i32 to index
        %get3A_219 = tpu.vector_load %arg5[%get3A_218] {strides = array<i32>} : memref<16384xi32, #tpu.memory_space<vmem>>, vector<16xi32>,
        %ge3A_220 = arith.constant 51200 : i32
        %ge3A_221 = vector.broadcast %ge3A_220 : i32 to vector<16xi32>
        %ge3A_222 = arith.cmpi sge, %get3A_219, %ge3A_221 : vector<16xi32>
        %sub3A_223 = arith.constant 51200 : i32
        %sub3A_224 = vector.broadcast %sub3A_223 : i32 to vector<16xi32>
        %sub3A_225 = arith.subi %get3A_219, %sub3A_224 : vector<16xi32>
        %select_n3A_226 = arith.select %ge3A_222, %sub3A_225, %get3A_219 : vector<16xi1>, vector<16xi32>
        %and3A_227 = arith.constant 15 : i32
        %and3A_228 = vector.broadcast %and3A_227 : i32 to vector<16xi32>
        %and3A_229 = arith.andi %select_n3A_226, %and3A_228 : vector<16xi32>
        %sub3A_230 = arith.subi %select_n3A_226, %and3A_229 : vector<16xi32>
        %mul3A_231 = arith.constant 2 : i32
        %mul3A_232 = vector.broadcast %mul3A_231 : i32 to vector<16xi32>
        %mul3A_233 = arith.muli %sub3A_230, %mul3A_232 : vector<16xi32>
        %add3A_234 = arith.addi %mul3A_233, %and3A_229 : vector<16xi32>
        %jit3A_235 = arith.constant 16 : i32
        %jit3A_236 = arith.constant 0 : i32
        %broadcast_in_dim3A_237 = vector.broadcast %jit3A_235 : i32 to vector<16xi32>
        %broadcast_in_dim3A_238 = vector.broadcast %jit3A_236 : i32 to vector<16xi32>
        %select_n3A_239 = arith.select %ge3A_222, %broadcast_in_dim3A_237, %broadcast_in_dim3A_238 : vector<16xi1>, vector<16xi32>
        %add3A_240 = arith.addi %add3A_234, %select_n3A_239 : vector<16xi32>
        tpu.vector_store_idx %arg4[%add3A_240], %broadcast_in_dim3A_1 {add = true} : memref<102400xf32, #tpu.memory_space<vmem>>[vector<16xi32>], vector<16xf32>,
        %scan3A_241 = arith.constant 6 : i32
        %scan3A_242 = arith.addi %scan3A_86, %scan3A_241 : i32
        %mul3A_243 = arith.constant 16 : i32
        %mul3A_244 = arith.muli %scan3A_242, %mul3A_243 : i32
        %get3A_245 = arith.index_cast %mul3A_244 : i32 to index
        %get3A_246 = tpu.vector_load %arg5[%get3A_245] {strides = array<i32>} : memref<16384xi32, #tpu.memory_space<vmem>>, vector<16xi32>,
        %ge3A_247 = arith.constant 51200 : i32
        %ge3A_248 = vector.broadcast %ge3A_247 : i32 to vector<16xi32>
        %ge3A_249 = arith.cmpi sge, %get3A_246, %ge3A_248 : vector<16xi32>
        %sub3A_250 = arith.constant 51200 : i32
        %sub3A_251 = vector.broadcast %sub3A_250 : i32 to vector<16xi32>
        %sub3A_252 = arith.subi %get3A_246, %sub3A_251 : vector<16xi32>
        %select_n3A_253 = arith.select %ge3A_249, %sub3A_252, %get3A_246 : vector<16xi1>, vector<16xi32>
        %and3A_254 = arith.constant 15 : i32
        %and3A_255 = vector.broadcast %and3A_254 : i32 to vector<16xi32>
        %and3A_256 = arith.andi %select_n3A_253, %and3A_255 : vector<16xi32>
        %sub3A_257 = arith.subi %select_n3A_253, %and3A_256 : vector<16xi32>
        %mul3A_258 = arith.constant 2 : i32
        %mul3A_259 = vector.broadcast %mul3A_258 : i32 to vector<16xi32>
        %mul3A_260 = arith.muli %sub3A_257, %mul3A_259 : vector<16xi32>
        %add3A_261 = arith.addi %mul3A_260, %and3A_256 : vector<16xi32>
        %jit3A_262 = arith.constant 16 : i32
        %jit3A_263 = arith.constant 0 : i32
        %broadcast_in_dim3A_264 = vector.broadcast %jit3A_262 : i32 to vector<16xi32>
        %broadcast_in_dim3A_265 = vector.broadcast %jit3A_263 : i32 to vector<16xi32>
        %select_n3A_266 = arith.select %ge3A_249, %broadcast_in_dim3A_264, %broadcast_in_dim3A_265 : vector<16xi1>, vector<16xi32>
        %add3A_267 = arith.addi %add3A_261, %select_n3A_266 : vector<16xi32>
        tpu.vector_store_idx %arg4[%add3A_267], %broadcast_in_dim3A_1 {add = true} : memref<102400xf32, #tpu.memory_space<vmem>>[vector<16xi32>], vector<16xf32>,
        %scan3A_268 = arith.constant 7 : i32
        %scan3A_269 = arith.addi %scan3A_86, %scan3A_268 : i32
        %mul3A_270 = arith.constant 16 : i32
        %mul3A_271 = arith.muli %scan3A_269, %mul3A_270 : i32
        %get3A_272 = arith.index_cast %mul3A_271 : i32 to index
        %get3A_273 = tpu.vector_load %arg5[%get3A_272] {strides = array<i32>} : memref<16384xi32, #tpu.memory_space<vmem>>, vector<16xi32>,
        %ge3A_274 = arith.constant 51200 : i32
        %ge3A_275 = vector.broadcast %ge3A_274 : i32 to vector<16xi32>
        %ge3A_276 = arith.cmpi sge, %get3A_273, %ge3A_275 : vector<16xi32>
        %sub3A_277 = arith.constant 51200 : i32
        %sub3A_278 = vector.broadcast %sub3A_277 : i32 to vector<16xi32>
        %sub3A_279 = arith.subi %get3A_273, %sub3A_278 : vector<16xi32>
        %select_n3A_280 = arith.select %ge3A_276, %sub3A_279, %get3A_273 : vector<16xi1>, vector<16xi32>
        %and3A_281 = arith.constant 15 : i32
        %and3A_282 = vector.broadcast %and3A_281 : i32 to vector<16xi32>
        %and3A_283 = arith.andi %select_n3A_280, %and3A_282 : vector<16xi32>
        %sub3A_284 = arith.subi %select_n3A_280, %and3A_283 : vector<16xi32>
        %mul3A_285 = arith.constant 2 : i32
        %mul3A_286 = vector.broadcast %mul3A_285 : i32 to vector<16xi32>
        %mul3A_287 = arith.muli %sub3A_284, %mul3A_286 : vector<16xi32>
        %add3A_288 = arith.addi %mul3A_287, %and3A_283 : vector<16xi32>
        %jit3A_289 = arith.constant 16 : i32
        %jit3A_290 = arith.constant 0 : i32
        %broadcast_in_dim3A_291 = vector.broadcast %jit3A_289 : i32 to vector<16xi32>
        %broadcast_in_dim3A_292 = vector.broadcast %jit3A_290 : i32 to vector<16xi32>
        %select_n3A_293 = arith.select %ge3A_276, %broadcast_in_dim3A_291, %broadcast_in_dim3A_292 : vector<16xi1>, vector<16xi32>
        %add3A_294 = arith.addi %add3A_288, %select_n3A_293 : vector<16xi32>
        tpu.vector_store_idx %arg4[%add3A_294], %broadcast_in_dim3A_1 {add = true} : memref<102400xf32, #tpu.memory_space<vmem>>[vector<16xi32>], vector<16xf32>,
      }
      %scan3A_29 = arith.constant 1024 : i32
      %scan3A_30 = arith.constant 0 : i32
      %scan3A_31 = arith.constant 0 : i32
      %scan3A_32 = arith.constant 640 : i32
      %scan3A_33 = arith.addi %scan3A_31, %scan3A_32 : i32
      %scan3A_34 = arith.constant 8 : i32
      scf.for %scan3A_86 = %scan3A_31 to %scan3A_33 step %scan3A_34  : i32 {
        %mul3A_87 = arith.constant 32 : i32
        %mul3A_88 = arith.muli %scan3A_86, %mul3A_87 : i32
        %add3A_89 = arith.constant 0 : i32
        %add3A_90 = arith.addi %add3A_89, %mul3A_88 : i32
        %get3A = arith.index_cast %add3A_90 : i32 to index
        %get3A_91 = tpu.vector_load %arg4[%get3A] {strides = array<i32>} : memref<102400xf32, #tpu.memory_space<vmem>>, vector<16xf32>,
        %add3A_92 = arith.constant 16 : i32
        %add3A_93 = arith.addi %add3A_90, %add3A_92 : i32
        %get3A_94 = arith.index_cast %add3A_93 : i32 to index
        %get3A_95 = tpu.vector_load %arg4[%get3A_94] {strides = array<i32>} : memref<102400xf32, #tpu.memory_space<vmem>>, vector<16xf32>,
        %pack3A = tpu.pack_subelements %get3A_91, %get3A_95 {pack_format = #tpu.pack_format<interleaved>, positions = array<i32: 0, 1>} : vector<16xf32>, vector<16xf32> -> vector<32xbf16>
        %bitcast3A = vector.bitcast %pack3A : vector<32xbf16> to vector<16xf32>
        %mul3A_96 = arith.constant 16 : i32
        %mul3A_97 = arith.muli %scan3A_86, %mul3A_96 : i32
        %swap3A = arith.index_cast %mul3A_97 : i32 to index
        %swap3A_98 = tpu.vector_load %arg6[%swap3A] {strides = array<i32>} : memref<10240xf32, #tpu.memory_space<vmem>>, vector<16xf32>,
        tpu.vector_store %arg6[%swap3A], %bitcast3A {strides = array<i32>} : memref<10240xf32, #tpu.memory_space<vmem>>, vector<16xf32>,
        %scan3A_99 = arith.constant 1 : i32
        %scan3A_100 = arith.addi %scan3A_86, %scan3A_99 : i32
        %mul3A_101 = arith.constant 32 : i32
        %mul3A_102 = arith.muli %scan3A_100, %mul3A_101 : i32
        %add3A_103 = arith.constant 0 : i32
        %add3A_104 = arith.addi %add3A_103, %mul3A_102 : i32
        %get3A_105 = arith.index_cast %add3A_104 : i32 to index
        %get3A_106 = tpu.vector_load %arg4[%get3A_105] {strides = array<i32>} : memref<102400xf32, #tpu.memory_space<vmem>>, vector<16xf32>,
        %add3A_107 = arith.constant 16 : i32
        %add3A_108 = arith.addi %add3A_104, %add3A_107 : i32
        %get3A_109 = arith.index_cast %add3A_108 : i32 to index
        %get3A_110 = tpu.vector_load %arg4[%get3A_109] {strides = array<i32>} : memref<102400xf32, #tpu.memory_space<vmem>>, vector<16xf32>,
        %pack3A_111 = tpu.pack_subelements %get3A_106, %get3A_110 {pack_format = #tpu.pack_format<interleaved>, positions = array<i32: 0, 1>} : vector<16xf32>, vector<16xf32> -> vector<32xbf16>
        %bitcast3A_112 = vector.bitcast %pack3A_111 : vector<32xbf16> to vector<16xf32>
        %mul3A_113 = arith.constant 16 : i32
        %mul3A_114 = arith.muli %scan3A_100, %mul3A_113 : i32
        %swap3A_115 = arith.index_cast %mul3A_114 : i32 to index
        %swap3A_116 = tpu.vector_load %arg6[%swap3A_115] {strides = array<i32>} : memref<10240xf32, #tpu.memory_space<vmem>>, vector<16xf32>,
        tpu.vector_store %arg6[%swap3A_115], %bitcast3A_112 {strides = array<i32>} : memref<10240xf32, #tpu.memory_space<vmem>>, vector<16xf32>,
        %scan3A_117 = arith.constant 2 : i32
        %scan3A_118 = arith.addi %scan3A_86, %scan3A_117 : i32
        %mul3A_119 = arith.constant 32 : i32
        %mul3A_120 = arith.muli %scan3A_118, %mul3A_119 : i32
        %add3A_121 = arith.constant 0 : i32
        %add3A_122 = arith.addi %add3A_121, %mul3A_120 : i32
        %get3A_123 = arith.index_cast %add3A_122 : i32 to index
        %get3A_124 = tpu.vector_load %arg4[%get3A_123] {strides = array<i32>} : memref<102400xf32, #tpu.memory_space<vmem>>, vector<16xf32>,
        %add3A_125 = arith.constant 16 : i32
        %add3A_126 = arith.addi %add3A_122, %add3A_125 : i32
        %get3A_127 = arith.index_cast %add3A_126 : i32 to index
        %get3A_128 = tpu.vector_load %arg4[%get3A_127] {strides = array<i32>} : memref<102400xf32, #tpu.memory_space<vmem>>, vector<16xf32>,
        %pack3A_129 = tpu.pack_subelements %get3A_124, %get3A_128 {pack_format = #tpu.pack_format<interleaved>, positions = array<i32: 0, 1>} : vector<16xf32>, vector<16xf32> -> vector<32xbf16>
        %bitcast3A_130 = vector.bitcast %pack3A_129 : vector<32xbf16> to vector<16xf32>
        %mul3A_131 = arith.constant 16 : i32
        %mul3A_132 = arith.muli %scan3A_118, %mul3A_131 : i32
        %swap3A_133 = arith.index_cast %mul3A_132 : i32 to index
        %swap3A_134 = tpu.vector_load %arg6[%swap3A_133] {strides = array<i32>} : memref<10240xf32, #tpu.memory_space<vmem>>, vector<16xf32>,
        tpu.vector_store %arg6[%swap3A_133], %bitcast3A_130 {strides = array<i32>} : memref<10240xf32, #tpu.memory_space<vmem>>, vector<16xf32>,
        %scan3A_135 = arith.constant 3 : i32
        %scan3A_136 = arith.addi %scan3A_86, %scan3A_135 : i32
        %mul3A_137 = arith.constant 32 : i32
        %mul3A_138 = arith.muli %scan3A_136, %mul3A_137 : i32
        %add3A_139 = arith.constant 0 : i32
        %add3A_140 = arith.addi %add3A_139, %mul3A_138 : i32
        %get3A_141 = arith.index_cast %add3A_140 : i32 to index
        %get3A_142 = tpu.vector_load %arg4[%get3A_141] {strides = array<i32>} : memref<102400xf32, #tpu.memory_space<vmem>>, vector<16xf32>,
        %add3A_143 = arith.constant 16 : i32
        %add3A_144 = arith.addi %add3A_140, %add3A_143 : i32
        %get3A_145 = arith.index_cast %add3A_144 : i32 to index
        %get3A_146 = tpu.vector_load %arg4[%get3A_145] {strides = array<i32>} : memref<102400xf32, #tpu.memory_space<vmem>>, vector<16xf32>,
        %pack3A_147 = tpu.pack_subelements %get3A_142, %get3A_146 {pack_format = #tpu.pack_format<interleaved>, positions = array<i32: 0, 1>} : vector<16xf32>, vector<16xf32> -> vector<32xbf16>
        %bitcast3A_148 = vector.bitcast %pack3A_147 : vector<32xbf16> to vector<16xf32>
        %mul3A_149 = arith.constant 16 : i32
        %mul3A_150 = arith.muli %scan3A_136, %mul3A_149 : i32
        %swap3A_151 = arith.index_cast %mul3A_150 : i32 to index
        %swap3A_152 = tpu.vector_load %arg6[%swap3A_151] {strides = array<i32>} : memref<10240xf32, #tpu.memory_space<vmem>>, vector<16xf32>,
        tpu.vector_store %arg6[%swap3A_151], %bitcast3A_148 {strides = array<i32>} : memref<10240xf32, #tpu.memory_space<vmem>>, vector<16xf32>,
        %scan3A_153 = arith.constant 4 : i32
        %scan3A_154 = arith.addi %scan3A_86, %scan3A_153 : i32
        %mul3A_155 = arith.constant 32 : i32
        %mul3A_156 = arith.muli %scan3A_154, %mul3A_155 : i32
        %add3A_157 = arith.constant 0 : i32
        %add3A_158 = arith.addi %add3A_157, %mul3A_156 : i32
        %get3A_159 = arith.index_cast %add3A_158 : i32 to index
        %get3A_160 = tpu.vector_load %arg4[%get3A_159] {strides = array<i32>} : memref<102400xf32, #tpu.memory_space<vmem>>, vector<16xf32>,
        %add3A_161 = arith.constant 16 : i32
        %add3A_162 = arith.addi %add3A_158, %add3A_161 : i32
        %get3A_163 = arith.index_cast %add3A_162 : i32 to index
        %get3A_164 = tpu.vector_load %arg4[%get3A_163] {strides = array<i32>} : memref<102400xf32, #tpu.memory_space<vmem>>, vector<16xf32>,
        %pack3A_165 = tpu.pack_subelements %get3A_160, %get3A_164 {pack_format = #tpu.pack_format<interleaved>, positions = array<i32: 0, 1>} : vector<16xf32>, vector<16xf32> -> vector<32xbf16>
        %bitcast3A_166 = vector.bitcast %pack3A_165 : vector<32xbf16> to vector<16xf32>
        %mul3A_167 = arith.constant 16 : i32
        %mul3A_168 = arith.muli %scan3A_154, %mul3A_167 : i32
        %swap3A_169 = arith.index_cast %mul3A_168 : i32 to index
        %swap3A_170 = tpu.vector_load %arg6[%swap3A_169] {strides = array<i32>} : memref<10240xf32, #tpu.memory_space<vmem>>, vector<16xf32>,
        tpu.vector_store %arg6[%swap3A_169], %bitcast3A_166 {strides = array<i32>} : memref<10240xf32, #tpu.memory_space<vmem>>, vector<16xf32>,
        %scan3A_171 = arith.constant 5 : i32
        %scan3A_172 = arith.addi %scan3A_86, %scan3A_171 : i32
        %mul3A_173 = arith.constant 32 : i32
        %mul3A_174 = arith.muli %scan3A_172, %mul3A_173 : i32
        %add3A_175 = arith.constant 0 : i32
        %add3A_176 = arith.addi %add3A_175, %mul3A_174 : i32
        %get3A_177 = arith.index_cast %add3A_176 : i32 to index
        %get3A_178 = tpu.vector_load %arg4[%get3A_177] {strides = array<i32>} : memref<102400xf32, #tpu.memory_space<vmem>>, vector<16xf32>,
        %add3A_179 = arith.constant 16 : i32
        %add3A_180 = arith.addi %add3A_176, %add3A_179 : i32
        %get3A_181 = arith.index_cast %add3A_180 : i32 to index
        %get3A_182 = tpu.vector_load %arg4[%get3A_181] {strides = array<i32>} : memref<102400xf32, #tpu.memory_space<vmem>>, vector<16xf32>,
        %pack3A_183 = tpu.pack_subelements %get3A_178, %get3A_182 {pack_format = #tpu.pack_format<interleaved>, positions = array<i32: 0, 1>} : vector<16xf32>, vector<16xf32> -> vector<32xbf16>
        %bitcast3A_184 = vector.bitcast %pack3A_183 : vector<32xbf16> to vector<16xf32>
        %mul3A_185 = arith.constant 16 : i32
        %mul3A_186 = arith.muli %scan3A_172, %mul3A_185 : i32
        %swap3A_187 = arith.index_cast %mul3A_186 : i32 to index
        %swap3A_188 = tpu.vector_load %arg6[%swap3A_187] {strides = array<i32>} : memref<10240xf32, #tpu.memory_space<vmem>>, vector<16xf32>,
        tpu.vector_store %arg6[%swap3A_187], %bitcast3A_184 {strides = array<i32>} : memref<10240xf32, #tpu.memory_space<vmem>>, vector<16xf32>,
        %scan3A_189 = arith.constant 6 : i32
        %scan3A_190 = arith.addi %scan3A_86, %scan3A_189 : i32
        %mul3A_191 = arith.constant 32 : i32
        %mul3A_192 = arith.muli %scan3A_190, %mul3A_191 : i32
        %add3A_193 = arith.constant 0 : i32
        %add3A_194 = arith.addi %add3A_193, %mul3A_192 : i32
        %get3A_195 = arith.index_cast %add3A_194 : i32 to index
        %get3A_196 = tpu.vector_load %arg4[%get3A_195] {strides = array<i32>} : memref<102400xf32, #tpu.memory_space<vmem>>, vector<16xf32>,
        %add3A_197 = arith.constant 16 : i32
        %add3A_198 = arith.addi %add3A_194, %add3A_197 : i32
        %get3A_199 = arith.index_cast %add3A_198 : i32 to index
        %get3A_200 = tpu.vector_load %arg4[%get3A_199] {strides = array<i32>} : memref<102400xf32, #tpu.memory_space<vmem>>, vector<16xf32>,
        %pack3A_201 = tpu.pack_subelements %get3A_196, %get3A_200 {pack_format = #tpu.pack_format<interleaved>, positions = array<i32: 0, 1>} : vector<16xf32>, vector<16xf32> -> vector<32xbf16>
        %bitcast3A_202 = vector.bitcast %pack3A_201 : vector<32xbf16> to vector<16xf32>
        %mul3A_203 = arith.constant 16 : i32
        %mul3A_204 = arith.muli %scan3A_190, %mul3A_203 : i32
        %swap3A_205 = arith.index_cast %mul3A_204 : i32 to index
        %swap3A_206 = tpu.vector_load %arg6[%swap3A_205] {strides = array<i32>} : memref<10240xf32, #tpu.memory_space<vmem>>, vector<16xf32>,
        tpu.vector_store %arg6[%swap3A_205], %bitcast3A_202 {strides = array<i32>} : memref<10240xf32, #tpu.memory_space<vmem>>, vector<16xf32>,
        %scan3A_207 = arith.constant 7 : i32
        %scan3A_208 = arith.addi %scan3A_86, %scan3A_207 : i32
        %mul3A_209 = arith.constant 32 : i32
        %mul3A_210 = arith.muli %scan3A_208, %mul3A_209 : i32
        %add3A_211 = arith.constant 0 : i32
        %add3A_212 = arith.addi %add3A_211, %mul3A_210 : i32
        %get3A_213 = arith.index_cast %add3A_212 : i32 to index
        %get3A_214 = tpu.vector_load %arg4[%get3A_213] {strides = array<i32>} : memref<102400xf32, #tpu.memory_space<vmem>>, vector<16xf32>,
        %add3A_215 = arith.constant 16 : i32
        %add3A_216 = arith.addi %add3A_212, %add3A_215 : i32
        %get3A_217 = arith.index_cast %add3A_216 : i32 to index
        %get3A_218 = tpu.vector_load %arg4[%get3A_217] {strides = array<i32>} : memref<102400xf32, #tpu.memory_space<vmem>>, vector<16xf32>,
        %pack3A_219 = tpu.pack_subelements %get3A_214, %get3A_218 {pack_format = #tpu.pack_format<interleaved>, positions = array<i32: 0, 1>} : vector<16xf32>, vector<16xf32> -> vector<32xbf16>
        %bitcast3A_220 = vector.bitcast %pack3A_219 : vector<32xbf16> to vector<16xf32>
        %mul3A_221 = arith.constant 16 : i32
        %mul3A_222 = arith.muli %scan3A_208, %mul3A_221 : i32
        %swap3A_223 = arith.index_cast %mul3A_222 : i32 to index
        %swap3A_224 = tpu.vector_load %arg6[%swap3A_223] {strides = array<i32>} : memref<10240xf32, #tpu.memory_space<vmem>>, vector<16xf32>,
        tpu.vector_store %arg6[%swap3A_223], %bitcast3A_220 {strides = array<i32>} : memref<10240xf32, #tpu.memory_space<vmem>>, vector<16xf32>,
      }
      %scan3A_35 = arith.constant 640 : i32
      %mul3A_36 = arith.constant 51200 : i32
      %mul3A_37 = arith.muli %add3A_5, %mul3A_36 : i32
      %add3A_38 = arith.constant 0 : i32
      %add3A_39 = arith.addi %mul3A_37, %add3A_38 : i32
      "tpu.region"() ({
        %run_scoped3A = tpu.sem_alloc : memref<!tpu.dma_semaphore, #tpu.memory_space<semaphore_mem>>
        %dma_start3A_86 = tpu.memref_slice %arg3[%add3A_39] : memref<2560000xf32, #tpu.memory_space<hbm>> -> memref<10240xf32, #tpu.memory_space<hbm>>
        %dma_start3A_87 = tpu.memref_slice %arg3[%add3A_39] : memref<2560000xf32, #tpu.memory_space<hbm>> -> memref<10240xf32, #tpu.memory_space<hbm>>
        tpu.enqueue_dma source(%arg6 : memref<10240xf32, #tpu.memory_space<vmem>>) target(%dma_start3A_87 : memref<10240xf32, #tpu.memory_space<hbm>>) target_semaphore(%run_scoped3A : memref<!tpu.dma_semaphore, #tpu.memory_space<semaphore_mem>>)
        %dma_wait3A_88 = tpu.memref_slice %arg3[%add3A_39] : memref<2560000xf32, #tpu.memory_space<hbm>> -> memref<10240xf32, #tpu.memory_space<hbm>>
        %dma_wait3A_89 = tpu.memref_slice %arg3[%add3A_39] : memref<2560000xf32, #tpu.memory_space<hbm>> -> memref<10240xf32, #tpu.memory_space<hbm>>
        tpu.wait_dma2 semaphore(%run_scoped3A : memref<!tpu.dma_semaphore, #tpu.memory_space<semaphore_mem>>) src(%arg6 : memref<10240xf32, #tpu.memory_space<vmem>>) dst(%dma_wait3A_89 : memref<10240xf32, #tpu.memory_space<hbm>>)
        tpu.yield
      }) : () -> ()
      %scan3A_40 = arith.constant 0 : i32
      %scan3A_41 = arith.constant 0 : i32
      %scan3A_42 = arith.constant 640 : i32
      %scan3A_43 = arith.addi %scan3A_41, %scan3A_42 : i32
      %scan3A_44 = arith.constant 8 : i32
      scf.for %scan3A_86 = %scan3A_41 to %scan3A_43 step %scan3A_44  : i32 {
        %mul3A_87 = arith.constant 32 : i32
        %mul3A_88 = arith.muli %scan3A_86, %mul3A_87 : i32
        %add3A_89 = arith.constant 20480 : i32
        %add3A_90 = arith.addi %add3A_89, %mul3A_88 : i32
        %get3A = arith.index_cast %add3A_90 : i32 to index
        %get3A_91 = tpu.vector_load %arg4[%get3A] {strides = array<i32>} : memref<102400xf32, #tpu.memory_space<vmem>>, vector<16xf32>,
        %add3A_92 = arith.constant 16 : i32
        %add3A_93 = arith.addi %add3A_90, %add3A_92 : i32
        %get3A_94 = arith.index_cast %add3A_93 : i32 to index
        %get3A_95 = tpu.vector_load %arg4[%get3A_94] {strides = array<i32>} : memref<102400xf32, #tpu.memory_space<vmem>>, vector<16xf32>,
        %pack3A = tpu.pack_subelements %get3A_91, %get3A_95 {pack_format = #tpu.pack_format<interleaved>, positions = array<i32: 0, 1>} : vector<16xf32>, vector<16xf32> -> vector<32xbf16>
        %bitcast3A = vector.bitcast %pack3A : vector<32xbf16> to vector<16xf32>
        %mul3A_96 = arith.constant 16 : i32
        %mul3A_97 = arith.muli %scan3A_86, %mul3A_96 : i32
        %swap3A = arith.index_cast %mul3A_97 : i32 to index
        %swap3A_98 = tpu.vector_load %arg6[%swap3A] {strides = array<i32>} : memref<10240xf32, #tpu.memory_space<vmem>>, vector<16xf32>,
        tpu.vector_store %arg6[%swap3A], %bitcast3A {strides = array<i32>} : memref<10240xf32, #tpu.memory_space<vmem>>, vector<16xf32>,
        %scan3A_99 = arith.constant 1 : i32
        %scan3A_100 = arith.addi %scan3A_86, %scan3A_99 : i32
        %mul3A_101 = arith.constant 32 : i32
        %mul3A_102 = arith.muli %scan3A_100, %mul3A_101 : i32
        %add3A_103 = arith.constant 20480 : i32
        %add3A_104 = arith.addi %add3A_103, %mul3A_102 : i32
        %get3A_105 = arith.index_cast %add3A_104 : i32 to index
        %get3A_106 = tpu.vector_load %arg4[%get3A_105] {strides = array<i32>} : memref<102400xf32, #tpu.memory_space<vmem>>, vector<16xf32>,
        %add3A_107 = arith.constant 16 : i32
        %add3A_108 = arith.addi %add3A_104, %add3A_107 : i32
        %get3A_109 = arith.index_cast %add3A_108 : i32 to index
        %get3A_110 = tpu.vector_load %arg4[%get3A_109] {strides = array<i32>} : memref<102400xf32, #tpu.memory_space<vmem>>, vector<16xf32>,
        %pack3A_111 = tpu.pack_subelements %get3A_106, %get3A_110 {pack_format = #tpu.pack_format<interleaved>, positions = array<i32: 0, 1>} : vector<16xf32>, vector<16xf32> -> vector<32xbf16>
        %bitcast3A_112 = vector.bitcast %pack3A_111 : vector<32xbf16> to vector<16xf32>
        %mul3A_113 = arith.constant 16 : i32
        %mul3A_114 = arith.muli %scan3A_100, %mul3A_113 : i32
        %swap3A_115 = arith.index_cast %mul3A_114 : i32 to index
        %swap3A_116 = tpu.vector_load %arg6[%swap3A_115] {strides = array<i32>} : memref<10240xf32, #tpu.memory_space<vmem>>, vector<16xf32>,
        tpu.vector_store %arg6[%swap3A_115], %bitcast3A_112 {strides = array<i32>} : memref<10240xf32, #tpu.memory_space<vmem>>, vector<16xf32>,
        %scan3A_117 = arith.constant 2 : i32
        %scan3A_118 = arith.addi %scan3A_86, %scan3A_117 : i32
        %mul3A_119 = arith.constant 32 : i32
        %mul3A_120 = arith.muli %scan3A_118, %mul3A_119 : i32
        %add3A_121 = arith.constant 20480 : i32
        %add3A_122 = arith.addi %add3A_121, %mul3A_120 : i32
        %get3A_123 = arith.index_cast %add3A_122 : i32 to index
        %get3A_124 = tpu.vector_load %arg4[%get3A_123] {strides = array<i32>} : memref<102400xf32, #tpu.memory_space<vmem>>, vector<16xf32>,
        %add3A_125 = arith.constant 16 : i32
        %add3A_126 = arith.addi %add3A_122, %add3A_125 : i32
        %get3A_127 = arith.index_cast %add3A_126 : i32 to index
        %get3A_128 = tpu.vector_load %arg4[%get3A_127] {strides = array<i32>} : memref<102400xf32, #tpu.memory_space<vmem>>, vector<16xf32>,
        %pack3A_129 = tpu.pack_subelements %get3A_124, %get3A_128 {pack_format = #tpu.pack_format<interleaved>, positions = array<i32: 0, 1>} : vector<16xf32>, vector<16xf32> -> vector<32xbf16>
        %bitcast3A_130 = vector.bitcast %pack3A_129 : vector<32xbf16> to vector<16xf32>
        %mul3A_131 = arith.constant 16 : i32
        %mul3A_132 = arith.muli %scan3A_118, %mul3A_131 : i32
        %swap3A_133 = arith.index_cast %mul3A_132 : i32 to index
        %swap3A_134 = tpu.vector_load %arg6[%swap3A_133] {strides = array<i32>} : memref<10240xf32, #tpu.memory_space<vmem>>, vector<16xf32>,
        tpu.vector_store %arg6[%swap3A_133], %bitcast3A_130 {strides = array<i32>} : memref<10240xf32, #tpu.memory_space<vmem>>, vector<16xf32>,
        %scan3A_135 = arith.constant 3 : i32
        %scan3A_136 = arith.addi %scan3A_86, %scan3A_135 : i32
        %mul3A_137 = arith.constant 32 : i32
        %mul3A_138 = arith.muli %scan3A_136, %mul3A_137 : i32
        %add3A_139 = arith.constant 20480 : i32
        %add3A_140 = arith.addi %add3A_139, %mul3A_138 : i32
        %get3A_141 = arith.index_cast %add3A_140 : i32 to index
        %get3A_142 = tpu.vector_load %arg4[%get3A_141] {strides = array<i32>} : memref<102400xf32, #tpu.memory_space<vmem>>, vector<16xf32>,
        %add3A_143 = arith.constant 16 : i32
        %add3A_144 = arith.addi %add3A_140, %add3A_143 : i32
        %get3A_145 = arith.index_cast %add3A_144 : i32 to index
        %get3A_146 = tpu.vector_load %arg4[%get3A_145] {strides = array<i32>} : memref<102400xf32, #tpu.memory_space<vmem>>, vector<16xf32>,
        %pack3A_147 = tpu.pack_subelements %get3A_142, %get3A_146 {pack_format = #tpu.pack_format<interleaved>, positions = array<i32: 0, 1>} : vector<16xf32>, vector<16xf32> -> vector<32xbf16>
        %bitcast3A_148 = vector.bitcast %pack3A_147 : vector<32xbf16> to vector<16xf32>
        %mul3A_149 = arith.constant 16 : i32
        %mul3A_150 = arith.muli %scan3A_136, %mul3A_149 : i32
        %swap3A_151 = arith.index_cast %mul3A_150 : i32 to index
        %swap3A_152 = tpu.vector_load %arg6[%swap3A_151] {strides = array<i32>} : memref<10240xf32, #tpu.memory_space<vmem>>, vector<16xf32>,
        tpu.vector_store %arg6[%swap3A_151], %bitcast3A_148 {strides = array<i32>} : memref<10240xf32, #tpu.memory_space<vmem>>, vector<16xf32>,
        %scan3A_153 = arith.constant 4 : i32
        %scan3A_154 = arith.addi %scan3A_86, %scan3A_153 : i32
        %mul3A_155 = arith.constant 32 : i32
        %mul3A_156 = arith.muli %scan3A_154, %mul3A_155 : i32
        %add3A_157 = arith.constant 20480 : i32
        %add3A_158 = arith.addi %add3A_157, %mul3A_156 : i32
        %get3A_159 = arith.index_cast %add3A_158 : i32 to index
        %get3A_160 = tpu.vector_load %arg4[%get3A_159] {strides = array<i32>} : memref<102400xf32, #tpu.memory_space<vmem>>, vector<16xf32>,
        %add3A_161 = arith.constant 16 : i32
        %add3A_162 = arith.addi %add3A_158, %add3A_161 : i32
        %get3A_163 = arith.index_cast %add3A_162 : i32 to index
        %get3A_164 = tpu.vector_load %arg4[%get3A_163] {strides = array<i32>} : memref<102400xf32, #tpu.memory_space<vmem>>, vector<16xf32>,
        %pack3A_165 = tpu.pack_subelements %get3A_160, %get3A_164 {pack_format = #tpu.pack_format<interleaved>, positions = array<i32: 0, 1>} : vector<16xf32>, vector<16xf32> -> vector<32xbf16>
        %bitcast3A_166 = vector.bitcast %pack3A_165 : vector<32xbf16> to vector<16xf32>
        %mul3A_167 = arith.constant 16 : i32
        %mul3A_168 = arith.muli %scan3A_154, %mul3A_167 : i32
        %swap3A_169 = arith.index_cast %mul3A_168 : i32 to index
        %swap3A_170 = tpu.vector_load %arg6[%swap3A_169] {strides = array<i32>} : memref<10240xf32, #tpu.memory_space<vmem>>, vector<16xf32>,
        tpu.vector_store %arg6[%swap3A_169], %bitcast3A_166 {strides = array<i32>} : memref<10240xf32, #tpu.memory_space<vmem>>, vector<16xf32>,
        %scan3A_171 = arith.constant 5 : i32
        %scan3A_172 = arith.addi %scan3A_86, %scan3A_171 : i32
        %mul3A_173 = arith.constant 32 : i32
        %mul3A_174 = arith.muli %scan3A_172, %mul3A_173 : i32
        %add3A_175 = arith.constant 20480 : i32
        %add3A_176 = arith.addi %add3A_175, %mul3A_174 : i32
        %get3A_177 = arith.index_cast %add3A_176 : i32 to index
        %get3A_178 = tpu.vector_load %arg4[%get3A_177] {strides = array<i32>} : memref<102400xf32, #tpu.memory_space<vmem>>, vector<16xf32>,
        %add3A_179 = arith.constant 16 : i32
        %add3A_180 = arith.addi %add3A_176, %add3A_179 : i32
        %get3A_181 = arith.index_cast %add3A_180 : i32 to index
        %get3A_182 = tpu.vector_load %arg4[%get3A_181] {strides = array<i32>} : memref<102400xf32, #tpu.memory_space<vmem>>, vector<16xf32>,
        %pack3A_183 = tpu.pack_subelements %get3A_178, %get3A_182 {pack_format = #tpu.pack_format<interleaved>, positions = array<i32: 0, 1>} : vector<16xf32>, vector<16xf32> -> vector<32xbf16>
        %bitcast3A_184 = vector.bitcast %pack3A_183 : vector<32xbf16> to vector<16xf32>
        %mul3A_185 = arith.constant 16 : i32
        %mul3A_186 = arith.muli %scan3A_172, %mul3A_185 : i32
        %swap3A_187 = arith.index_cast %mul3A_186 : i32 to index
        %swap3A_188 = tpu.vector_load %arg6[%swap3A_187] {strides = array<i32>} : memref<10240xf32, #tpu.memory_space<vmem>>, vector<16xf32>,
        tpu.vector_store %arg6[%swap3A_187], %bitcast3A_184 {strides = array<i32>} : memref<10240xf32, #tpu.memory_space<vmem>>, vector<16xf32>,
        %scan3A_189 = arith.constant 6 : i32
        %scan3A_190 = arith.addi %scan3A_86, %scan3A_189 : i32
        %mul3A_191 = arith.constant 32 : i32
        %mul3A_192 = arith.muli %scan3A_190, %mul3A_191 : i32
        %add3A_193 = arith.constant 20480 : i32
        %add3A_194 = arith.addi %add3A_193, %mul3A_192 : i32
        %get3A_195 = arith.index_cast %add3A_194 : i32 to index
        %get3A_196 = tpu.vector_load %arg4[%get3A_195] {strides = array<i32>} : memref<102400xf32, #tpu.memory_space<vmem>>, vector<16xf32>,
        %add3A_197 = arith.constant 16 : i32
        %add3A_198 = arith.addi %add3A_194, %add3A_197 : i32
        %get3A_199 = arith.index_cast %add3A_198 : i32 to index
        %get3A_200 = tpu.vector_load %arg4[%get3A_199] {strides = array<i32>} : memref<102400xf32, #tpu.memory_space<vmem>>, vector<16xf32>,
        %pack3A_201 = tpu.pack_subelements %get3A_196, %get3A_200 {pack_format = #tpu.pack_format<interleaved>, positions = array<i32: 0, 1>} : vector<16xf32>, vector<16xf32> -> vector<32xbf16>
        %bitcast3A_202 = vector.bitcast %pack3A_201 : vector<32xbf16> to vector<16xf32>
        %mul3A_203 = arith.constant 16 : i32
        %mul3A_204 = arith.muli %scan3A_190, %mul3A_203 : i32
        %swap3A_205 = arith.index_cast %mul3A_204 : i32 to index
        %swap3A_206 = tpu.vector_load %arg6[%swap3A_205] {strides = array<i32>} : memref<10240xf32, #tpu.memory_space<vmem>>, vector<16xf32>,
        tpu.vector_store %arg6[%swap3A_205], %bitcast3A_202 {strides = array<i32>} : memref<10240xf32, #tpu.memory_space<vmem>>, vector<16xf32>,
        %scan3A_207 = arith.constant 7 : i32
        %scan3A_208 = arith.addi %scan3A_86, %scan3A_207 : i32
        %mul3A_209 = arith.constant 32 : i32
        %mul3A_210 = arith.muli %scan3A_208, %mul3A_209 : i32
        %add3A_211 = arith.constant 20480 : i32
        %add3A_212 = arith.addi %add3A_211, %mul3A_210 : i32
        %get3A_213 = arith.index_cast %add3A_212 : i32 to index
        %get3A_214 = tpu.vector_load %arg4[%get3A_213] {strides = array<i32>} : memref<102400xf32, #tpu.memory_space<vmem>>, vector<16xf32>,
        %add3A_215 = arith.constant 16 : i32
        %add3A_216 = arith.addi %add3A_212, %add3A_215 : i32
        %get3A_217 = arith.index_cast %add3A_216 : i32 to index
        %get3A_218 = tpu.vector_load %arg4[%get3A_217] {strides = array<i32>} : memref<102400xf32, #tpu.memory_space<vmem>>, vector<16xf32>,
        %pack3A_219 = tpu.pack_subelements %get3A_214, %get3A_218 {pack_format = #tpu.pack_format<interleaved>, positions = array<i32: 0, 1>} : vector<16xf32>, vector<16xf32> -> vector<32xbf16>
        %bitcast3A_220 = vector.bitcast %pack3A_219 : vector<32xbf16> to vector<16xf32>
        %mul3A_221 = arith.constant 16 : i32
        %mul3A_222 = arith.muli %scan3A_208, %mul3A_221 : i32
        %swap3A_223 = arith.index_cast %mul3A_222 : i32 to index
        %swap3A_224 = tpu.vector_load %arg6[%swap3A_223] {strides = array<i32>} : memref<10240xf32, #tpu.memory_space<vmem>>, vector<16xf32>,
        tpu.vector_store %arg6[%swap3A_223], %bitcast3A_220 {strides = array<i32>} : memref<10240xf32, #tpu.memory_space<vmem>>, vector<16xf32>,
      }
      %scan3A_45 = arith.constant 640 : i32
      %mul3A_46 = arith.constant 51200 : i32
      %mul3A_47 = arith.muli %add3A_5, %mul3A_46 : i32
      %add3A_48 = arith.constant 10240 : i32
      %add3A_49 = arith.addi %mul3A_47, %add3A_48 : i32
      "tpu.region"() ({
        %run_scoped3A = tpu.sem_alloc : memref<!tpu.dma_semaphore, #tpu.memory_space<semaphore_mem>>
        %dma_start3A_86 = tpu.memref_slice %arg3[%add3A_49] : memref<2560000xf32, #tpu.memory_space<hbm>> -> memref<10240xf32, #tpu.memory_space<hbm>>
        %dma_start3A_87 = tpu.memref_slice %arg3[%add3A_49] : memref<2560000xf32, #tpu.memory_space<hbm>> -> memref<10240xf32, #tpu.memory_space<hbm>>
        tpu.enqueue_dma source(%arg6 : memref<10240xf32, #tpu.memory_space<vmem>>) target(%dma_start3A_87 : memref<10240xf32, #tpu.memory_space<hbm>>) target_semaphore(%run_scoped3A : memref<!tpu.dma_semaphore, #tpu.memory_space<semaphore_mem>>)
        %dma_wait3A_88 = tpu.memref_slice %arg3[%add3A_49] : memref<2560000xf32, #tpu.memory_space<hbm>> -> memref<10240xf32, #tpu.memory_space<hbm>>
        %dma_wait3A_89 = tpu.memref_slice %arg3[%add3A_49] : memref<2560000xf32, #tpu.memory_space<hbm>> -> memref<10240xf32, #tpu.memory_space<hbm>>
        tpu.wait_dma2 semaphore(%run_scoped3A : memref<!tpu.dma_semaphore, #tpu.memory_space<semaphore_mem>>) src(%arg6 : memref<10240xf32, #tpu.memory_space<vmem>>) dst(%dma_wait3A_89 : memref<10240xf32, #tpu.memory_space<hbm>>)
        tpu.yield
      }) : () -> ()
      %scan3A_50 = arith.constant 0 : i32
      %scan3A_51 = arith.constant 0 : i32
      %scan3A_52 = arith.constant 640 : i32
      %scan3A_53 = arith.addi %scan3A_51, %scan3A_52 : i32
      %scan3A_54 = arith.constant 8 : i32
      scf.for %scan3A_86 = %scan3A_51 to %scan3A_53 step %scan3A_54  : i32 {
        %mul3A_87 = arith.constant 32 : i32
        %mul3A_88 = arith.muli %scan3A_86, %mul3A_87 : i32
        %add3A_89 = arith.constant 40960 : i32
        %add3A_90 = arith.addi %add3A_89, %mul3A_88 : i32
        %get3A = arith.index_cast %add3A_90 : i32 to index
        %get3A_91 = tpu.vector_load %arg4[%get3A] {strides = array<i32>} : memref<102400xf32, #tpu.memory_space<vmem>>, vector<16xf32>,
        %add3A_92 = arith.constant 16 : i32
        %add3A_93 = arith.addi %add3A_90, %add3A_92 : i32
        %get3A_94 = arith.index_cast %add3A_93 : i32 to index
        %get3A_95 = tpu.vector_load %arg4[%get3A_94] {strides = array<i32>} : memref<102400xf32, #tpu.memory_space<vmem>>, vector<16xf32>,
        %pack3A = tpu.pack_subelements %get3A_91, %get3A_95 {pack_format = #tpu.pack_format<interleaved>, positions = array<i32: 0, 1>} : vector<16xf32>, vector<16xf32> -> vector<32xbf16>
        %bitcast3A = vector.bitcast %pack3A : vector<32xbf16> to vector<16xf32>
        %mul3A_96 = arith.constant 16 : i32
        %mul3A_97 = arith.muli %scan3A_86, %mul3A_96 : i32
        %swap3A = arith.index_cast %mul3A_97 : i32 to index
        %swap3A_98 = tpu.vector_load %arg6[%swap3A] {strides = array<i32>} : memref<10240xf32, #tpu.memory_space<vmem>>, vector<16xf32>,
        tpu.vector_store %arg6[%swap3A], %bitcast3A {strides = array<i32>} : memref<10240xf32, #tpu.memory_space<vmem>>, vector<16xf32>,
        %scan3A_99 = arith.constant 1 : i32
        %scan3A_100 = arith.addi %scan3A_86, %scan3A_99 : i32
        %mul3A_101 = arith.constant 32 : i32
        %mul3A_102 = arith.muli %scan3A_100, %mul3A_101 : i32
        %add3A_103 = arith.constant 40960 : i32
        %add3A_104 = arith.addi %add3A_103, %mul3A_102 : i32
        %get3A_105 = arith.index_cast %add3A_104 : i32 to index
        %get3A_106 = tpu.vector_load %arg4[%get3A_105] {strides = array<i32>} : memref<102400xf32, #tpu.memory_space<vmem>>, vector<16xf32>,
        %add3A_107 = arith.constant 16 : i32
        %add3A_108 = arith.addi %add3A_104, %add3A_107 : i32
        %get3A_109 = arith.index_cast %add3A_108 : i32 to index
        %get3A_110 = tpu.vector_load %arg4[%get3A_109] {strides = array<i32>} : memref<102400xf32, #tpu.memory_space<vmem>>, vector<16xf32>,
        %pack3A_111 = tpu.pack_subelements %get3A_106, %get3A_110 {pack_format = #tpu.pack_format<interleaved>, positions = array<i32: 0, 1>} : vector<16xf32>, vector<16xf32> -> vector<32xbf16>
        %bitcast3A_112 = vector.bitcast %pack3A_111 : vector<32xbf16> to vector<16xf32>
        %mul3A_113 = arith.constant 16 : i32
        %mul3A_114 = arith.muli %scan3A_100, %mul3A_113 : i32
        %swap3A_115 = arith.index_cast %mul3A_114 : i32 to index
        %swap3A_116 = tpu.vector_load %arg6[%swap3A_115] {strides = array<i32>} : memref<10240xf32, #tpu.memory_space<vmem>>, vector<16xf32>,
        tpu.vector_store %arg6[%swap3A_115], %bitcast3A_112 {strides = array<i32>} : memref<10240xf32, #tpu.memory_space<vmem>>, vector<16xf32>,
        %scan3A_117 = arith.constant 2 : i32
        %scan3A_118 = arith.addi %scan3A_86, %scan3A_117 : i32
        %mul3A_119 = arith.constant 32 : i32
        %mul3A_120 = arith.muli %scan3A_118, %mul3A_119 : i32
        %add3A_121 = arith.constant 40960 : i32
        %add3A_122 = arith.addi %add3A_121, %mul3A_120 : i32
        %get3A_123 = arith.index_cast %add3A_122 : i32 to index
        %get3A_124 = tpu.vector_load %arg4[%get3A_123] {strides = array<i32>} : memref<102400xf32, #tpu.memory_space<vmem>>, vector<16xf32>,
        %add3A_125 = arith.constant 16 : i32
        %add3A_126 = arith.addi %add3A_122, %add3A_125 : i32
        %get3A_127 = arith.index_cast %add3A_126 : i32 to index
        %get3A_128 = tpu.vector_load %arg4[%get3A_127] {strides = array<i32>} : memref<102400xf32, #tpu.memory_space<vmem>>, vector<16xf32>,
        %pack3A_129 = tpu.pack_subelements %get3A_124, %get3A_128 {pack_format = #tpu.pack_format<interleaved>, positions = array<i32: 0, 1>} : vector<16xf32>, vector<16xf32> -> vector<32xbf16>
        %bitcast3A_130 = vector.bitcast %pack3A_129 : vector<32xbf16> to vector<16xf32>
        %mul3A_131 = arith.constant 16 : i32
        %mul3A_132 = arith.muli %scan3A_118, %mul3A_131 : i32
        %swap3A_133 = arith.index_cast %mul3A_132 : i32 to index
        %swap3A_134 = tpu.vector_load %arg6[%swap3A_133] {strides = array<i32>} : memref<10240xf32, #tpu.memory_space<vmem>>, vector<16xf32>,
        tpu.vector_store %arg6[%swap3A_133], %bitcast3A_130 {strides = array<i32>} : memref<10240xf32, #tpu.memory_space<vmem>>, vector<16xf32>,
        %scan3A_135 = arith.constant 3 : i32
        %scan3A_136 = arith.addi %scan3A_86, %scan3A_135 : i32
        %mul3A_137 = arith.constant 32 : i32
        %mul3A_138 = arith.muli %scan3A_136, %mul3A_137 : i32
        %add3A_139 = arith.constant 40960 : i32
        %add3A_140 = arith.addi %add3A_139, %mul3A_138 : i32
        %get3A_141 = arith.index_cast %add3A_140 : i32 to index
        %get3A_142 = tpu.vector_load %arg4[%get3A_141] {strides = array<i32>} : memref<102400xf32, #tpu.memory_space<vmem>>, vector<16xf32>,
        %add3A_143 = arith.constant 16 : i32
        %add3A_144 = arith.addi %add3A_140, %add3A_143 : i32
        %get3A_145 = arith.index_cast %add3A_144 : i32 to index
        %get3A_146 = tpu.vector_load %arg4[%get3A_145] {strides = array<i32>} : memref<102400xf32, #tpu.memory_space<vmem>>, vector<16xf32>,
        %pack3A_147 = tpu.pack_subelements %get3A_142, %get3A_146 {pack_format = #tpu.pack_format<interleaved>, positions = array<i32: 0, 1>} : vector<16xf32>, vector<16xf32> -> vector<32xbf16>
        %bitcast3A_148 = vector.bitcast %pack3A_147 : vector<32xbf16> to vector<16xf32>
        %mul3A_149 = arith.constant 16 : i32
        %mul3A_150 = arith.muli %scan3A_136, %mul3A_149 : i32
        %swap3A_151 = arith.index_cast %mul3A_150 : i32 to index
        %swap3A_152 = tpu.vector_load %arg6[%swap3A_151] {strides = array<i32>} : memref<10240xf32, #tpu.memory_space<vmem>>, vector<16xf32>,
        tpu.vector_store %arg6[%swap3A_151], %bitcast3A_148 {strides = array<i32>} : memref<10240xf32, #tpu.memory_space<vmem>>, vector<16xf32>,
        %scan3A_153 = arith.constant 4 : i32
        %scan3A_154 = arith.addi %scan3A_86, %scan3A_153 : i32
        %mul3A_155 = arith.constant 32 : i32
        %mul3A_156 = arith.muli %scan3A_154, %mul3A_155 : i32
        %add3A_157 = arith.constant 40960 : i32
        %add3A_158 = arith.addi %add3A_157, %mul3A_156 : i32
        %get3A_159 = arith.index_cast %add3A_158 : i32 to index
        %get3A_160 = tpu.vector_load %arg4[%get3A_159] {strides = array<i32>} : memref<102400xf32, #tpu.memory_space<vmem>>, vector<16xf32>,
        %add3A_161 = arith.constant 16 : i32
        %add3A_162 = arith.addi %add3A_158, %add3A_161 : i32
        %get3A_163 = arith.index_cast %add3A_162 : i32 to index
        %get3A_164 = tpu.vector_load %arg4[%get3A_163] {strides = array<i32>} : memref<102400xf32, #tpu.memory_space<vmem>>, vector<16xf32>,
        %pack3A_165 = tpu.pack_subelements %get3A_160, %get3A_164 {pack_format = #tpu.pack_format<interleaved>, positions = array<i32: 0, 1>} : vector<16xf32>, vector<16xf32> -> vector<32xbf16>
        %bitcast3A_166 = vector.bitcast %pack3A_165 : vector<32xbf16> to vector<16xf32>
        %mul3A_167 = arith.constant 16 : i32
        %mul3A_168 = arith.muli %scan3A_154, %mul3A_167 : i32
        %swap3A_169 = arith.index_cast %mul3A_168 : i32 to index
        %swap3A_170 = tpu.vector_load %arg6[%swap3A_169] {strides = array<i32>} : memref<10240xf32, #tpu.memory_space<vmem>>, vector<16xf32>,
        tpu.vector_store %arg6[%swap3A_169], %bitcast3A_166 {strides = array<i32>} : memref<10240xf32, #tpu.memory_space<vmem>>, vector<16xf32>,
        %scan3A_171 = arith.constant 5 : i32
        %scan3A_172 = arith.addi %scan3A_86, %scan3A_171 : i32
        %mul3A_173 = arith.constant 32 : i32
        %mul3A_174 = arith.muli %scan3A_172, %mul3A_173 : i32
        %add3A_175 = arith.constant 40960 : i32
        %add3A_176 = arith.addi %add3A_175, %mul3A_174 : i32
        %get3A_177 = arith.index_cast %add3A_176 : i32 to index
        %get3A_178 = tpu.vector_load %arg4[%get3A_177] {strides = array<i32>} : memref<102400xf32, #tpu.memory_space<vmem>>, vector<16xf32>,
        %add3A_179 = arith.constant 16 : i32
        %add3A_180 = arith.addi %add3A_176, %add3A_179 : i32
        %get3A_181 = arith.index_cast %add3A_180 : i32 to index
        %get3A_182 = tpu.vector_load %arg4[%get3A_181] {strides = array<i32>} : memref<102400xf32, #tpu.memory_space<vmem>>, vector<16xf32>,
        %pack3A_183 = tpu.pack_subelements %get3A_178, %get3A_182 {pack_format = #tpu.pack_format<interleaved>, positions = array<i32: 0, 1>} : vector<16xf32>, vector<16xf32> -> vector<32xbf16>
        %bitcast3A_184 = vector.bitcast %pack3A_183 : vector<32xbf16> to vector<16xf32>
        %mul3A_185 = arith.constant 16 : i32
        %mul3A_186 = arith.muli %scan3A_172, %mul3A_185 : i32
        %swap3A_187 = arith.index_cast %mul3A_186 : i32 to index
        %swap3A_188 = tpu.vector_load %arg6[%swap3A_187] {strides = array<i32>} : memref<10240xf32, #tpu.memory_space<vmem>>, vector<16xf32>,
        tpu.vector_store %arg6[%swap3A_187], %bitcast3A_184 {strides = array<i32>} : memref<10240xf32, #tpu.memory_space<vmem>>, vector<16xf32>,
        %scan3A_189 = arith.constant 6 : i32
        %scan3A_190 = arith.addi %scan3A_86, %scan3A_189 : i32
        %mul3A_191 = arith.constant 32 : i32
        %mul3A_192 = arith.muli %scan3A_190, %mul3A_191 : i32
        %add3A_193 = arith.constant 40960 : i32
        %add3A_194 = arith.addi %add3A_193, %mul3A_192 : i32
        %get3A_195 = arith.index_cast %add3A_194 : i32 to index
        %get3A_196 = tpu.vector_load %arg4[%get3A_195] {strides = array<i32>} : memref<102400xf32, #tpu.memory_space<vmem>>, vector<16xf32>,
        %add3A_197 = arith.constant 16 : i32
        %add3A_198 = arith.addi %add3A_194, %add3A_197 : i32
        %get3A_199 = arith.index_cast %add3A_198 : i32 to index
        %get3A_200 = tpu.vector_load %arg4[%get3A_199] {strides = array<i32>} : memref<102400xf32, #tpu.memory_space<vmem>>, vector<16xf32>,
        %pack3A_201 = tpu.pack_subelements %get3A_196, %get3A_200 {pack_format = #tpu.pack_format<interleaved>, positions = array<i32: 0, 1>} : vector<16xf32>, vector<16xf32> -> vector<32xbf16>
        %bitcast3A_202 = vector.bitcast %pack3A_201 : vector<32xbf16> to vector<16xf32>
        %mul3A_203 = arith.constant 16 : i32
        %mul3A_204 = arith.muli %scan3A_190, %mul3A_203 : i32
        %swap3A_205 = arith.index_cast %mul3A_204 : i32 to index
        %swap3A_206 = tpu.vector_load %arg6[%swap3A_205] {strides = array<i32>} : memref<10240xf32, #tpu.memory_space<vmem>>, vector<16xf32>,
        tpu.vector_store %arg6[%swap3A_205], %bitcast3A_202 {strides = array<i32>} : memref<10240xf32, #tpu.memory_space<vmem>>, vector<16xf32>,
        %scan3A_207 = arith.constant 7 : i32
        %scan3A_208 = arith.addi %scan3A_86, %scan3A_207 : i32
        %mul3A_209 = arith.constant 32 : i32
        %mul3A_210 = arith.muli %scan3A_208, %mul3A_209 : i32
        %add3A_211 = arith.constant 40960 : i32
        %add3A_212 = arith.addi %add3A_211, %mul3A_210 : i32
        %get3A_213 = arith.index_cast %add3A_212 : i32 to index
        %get3A_214 = tpu.vector_load %arg4[%get3A_213] {strides = array<i32>} : memref<102400xf32, #tpu.memory_space<vmem>>, vector<16xf32>,
        %add3A_215 = arith.constant 16 : i32
        %add3A_216 = arith.addi %add3A_212, %add3A_215 : i32
        %get3A_217 = arith.index_cast %add3A_216 : i32 to index
        %get3A_218 = tpu.vector_load %arg4[%get3A_217] {strides = array<i32>} : memref<102400xf32, #tpu.memory_space<vmem>>, vector<16xf32>,
        %pack3A_219 = tpu.pack_subelements %get3A_214, %get3A_218 {pack_format = #tpu.pack_format<interleaved>, positions = array<i32: 0, 1>} : vector<16xf32>, vector<16xf32> -> vector<32xbf16>
        %bitcast3A_220 = vector.bitcast %pack3A_219 : vector<32xbf16> to vector<16xf32>
        %mul3A_221 = arith.constant 16 : i32
        %mul3A_222 = arith.muli %scan3A_208, %mul3A_221 : i32
        %swap3A_223 = arith.index_cast %mul3A_222 : i32 to index
        %swap3A_224 = tpu.vector_load %arg6[%swap3A_223] {strides = array<i32>} : memref<10240xf32, #tpu.memory_space<vmem>>, vector<16xf32>,
        tpu.vector_store %arg6[%swap3A_223], %bitcast3A_220 {strides = array<i32>} : memref<10240xf32, #tpu.memory_space<vmem>>, vector<16xf32>,
      }
      %scan3A_55 = arith.constant 640 : i32
      %mul3A_56 = arith.constant 51200 : i32
      %mul3A_57 = arith.muli %add3A_5, %mul3A_56 : i32
      %add3A_58 = arith.constant 20480 : i32
      %add3A_59 = arith.addi %mul3A_57, %add3A_58 : i32
      "tpu.region"() ({
        %run_scoped3A = tpu.sem_alloc : memref<!tpu.dma_semaphore, #tpu.memory_space<semaphore_mem>>
        %dma_start3A_86 = tpu.memref_slice %arg3[%add3A_59] : memref<2560000xf32, #tpu.memory_space<hbm>> -> memref<10240xf32, #tpu.memory_space<hbm>>
        %dma_start3A_87 = tpu.memref_slice %arg3[%add3A_59] : memref<2560000xf32, #tpu.memory_space<hbm>> -> memref<10240xf32, #tpu.memory_space<hbm>>
        tpu.enqueue_dma source(%arg6 : memref<10240xf32, #tpu.memory_space<vmem>>) target(%dma_start3A_87 : memref<10240xf32, #tpu.memory_space<hbm>>) target_semaphore(%run_scoped3A : memref<!tpu.dma_semaphore, #tpu.memory_space<semaphore_mem>>)
        %dma_wait3A_88 = tpu.memref_slice %arg3[%add3A_59] : memref<2560000xf32, #tpu.memory_space<hbm>> -> memref<10240xf32, #tpu.memory_space<hbm>>
        %dma_wait3A_89 = tpu.memref_slice %arg3[%add3A_59] : memref<2560000xf32, #tpu.memory_space<hbm>> -> memref<10240xf32, #tpu.memory_space<hbm>>
        tpu.wait_dma2 semaphore(%run_scoped3A : memref<!tpu.dma_semaphore, #tpu.memory_space<semaphore_mem>>) src(%arg6 : memref<10240xf32, #tpu.memory_space<vmem>>) dst(%dma_wait3A_89 : memref<10240xf32, #tpu.memory_space<hbm>>)
        tpu.yield
      }) : () -> ()
      %scan3A_60 = arith.constant 0 : i32
      %scan3A_61 = arith.constant 0 : i32
      %scan3A_62 = arith.constant 640 : i32
      %scan3A_63 = arith.addi %scan3A_61, %scan3A_62 : i32
      %scan3A_64 = arith.constant 8 : i32
      scf.for %scan3A_86 = %scan3A_61 to %scan3A_63 step %scan3A_64  : i32 {
        %mul3A_87 = arith.constant 32 : i32
        %mul3A_88 = arith.muli %scan3A_86, %mul3A_87 : i32
        %add3A_89 = arith.constant 61440 : i32
        %add3A_90 = arith.addi %add3A_89, %mul3A_88 : i32
        %get3A = arith.index_cast %add3A_90 : i32 to index
        %get3A_91 = tpu.vector_load %arg4[%get3A] {strides = array<i32>} : memref<102400xf32, #tpu.memory_space<vmem>>, vector<16xf32>,
        %add3A_92 = arith.constant 16 : i32
        %add3A_93 = arith.addi %add3A_90, %add3A_92 : i32
        %get3A_94 = arith.index_cast %add3A_93 : i32 to index
        %get3A_95 = tpu.vector_load %arg4[%get3A_94] {strides = array<i32>} : memref<102400xf32, #tpu.memory_space<vmem>>, vector<16xf32>,
        %pack3A = tpu.pack_subelements %get3A_91, %get3A_95 {pack_format = #tpu.pack_format<interleaved>, positions = array<i32: 0, 1>} : vector<16xf32>, vector<16xf32> -> vector<32xbf16>
        %bitcast3A = vector.bitcast %pack3A : vector<32xbf16> to vector<16xf32>
        %mul3A_96 = arith.constant 16 : i32
        %mul3A_97 = arith.muli %scan3A_86, %mul3A_96 : i32
        %swap3A = arith.index_cast %mul3A_97 : i32 to index
        %swap3A_98 = tpu.vector_load %arg6[%swap3A] {strides = array<i32>} : memref<10240xf32, #tpu.memory_space<vmem>>, vector<16xf32>,
        tpu.vector_store %arg6[%swap3A], %bitcast3A {strides = array<i32>} : memref<10240xf32, #tpu.memory_space<vmem>>, vector<16xf32>,
        %scan3A_99 = arith.constant 1 : i32
        %scan3A_100 = arith.addi %scan3A_86, %scan3A_99 : i32
        %mul3A_101 = arith.constant 32 : i32
        %mul3A_102 = arith.muli %scan3A_100, %mul3A_101 : i32
        %add3A_103 = arith.constant 61440 : i32
        %add3A_104 = arith.addi %add3A_103, %mul3A_102 : i32
        %get3A_105 = arith.index_cast %add3A_104 : i32 to index
        %get3A_106 = tpu.vector_load %arg4[%get3A_105] {strides = array<i32>} : memref<102400xf32, #tpu.memory_space<vmem>>, vector<16xf32>,
        %add3A_107 = arith.constant 16 : i32
        %add3A_108 = arith.addi %add3A_104, %add3A_107 : i32
        %get3A_109 = arith.index_cast %add3A_108 : i32 to index
        %get3A_110 = tpu.vector_load %arg4[%get3A_109] {strides = array<i32>} : memref<102400xf32, #tpu.memory_space<vmem>>, vector<16xf32>,
        %pack3A_111 = tpu.pack_subelements %get3A_106, %get3A_110 {pack_format = #tpu.pack_format<interleaved>, positions = array<i32: 0, 1>} : vector<16xf32>, vector<16xf32> -> vector<32xbf16>
        %bitcast3A_112 = vector.bitcast %pack3A_111 : vector<32xbf16> to vector<16xf32>
        %mul3A_113 = arith.constant 16 : i32
        %mul3A_114 = arith.muli %scan3A_100, %mul3A_113 : i32
        %swap3A_115 = arith.index_cast %mul3A_114 : i32 to index
        %swap3A_116 = tpu.vector_load %arg6[%swap3A_115] {strides = array<i32>} : memref<10240xf32, #tpu.memory_space<vmem>>, vector<16xf32>,
        tpu.vector_store %arg6[%swap3A_115], %bitcast3A_112 {strides = array<i32>} : memref<10240xf32, #tpu.memory_space<vmem>>, vector<16xf32>,
        %scan3A_117 = arith.constant 2 : i32
        %scan3A_118 = arith.addi %scan3A_86, %scan3A_117 : i32
        %mul3A_119 = arith.constant 32 : i32
        %mul3A_120 = arith.muli %scan3A_118, %mul3A_119 : i32
        %add3A_121 = arith.constant 61440 : i32
        %add3A_122 = arith.addi %add3A_121, %mul3A_120 : i32
        %get3A_123 = arith.index_cast %add3A_122 : i32 to index
        %get3A_124 = tpu.vector_load %arg4[%get3A_123] {strides = array<i32>} : memref<102400xf32, #tpu.memory_space<vmem>>, vector<16xf32>,
        %add3A_125 = arith.constant 16 : i32
        %add3A_126 = arith.addi %add3A_122, %add3A_125 : i32
        %get3A_127 = arith.index_cast %add3A_126 : i32 to index
        %get3A_128 = tpu.vector_load %arg4[%get3A_127] {strides = array<i32>} : memref<102400xf32, #tpu.memory_space<vmem>>, vector<16xf32>,
        %pack3A_129 = tpu.pack_subelements %get3A_124, %get3A_128 {pack_format = #tpu.pack_format<interleaved>, positions = array<i32: 0, 1>} : vector<16xf32>, vector<16xf32> -> vector<32xbf16>
        %bitcast3A_130 = vector.bitcast %pack3A_129 : vector<32xbf16> to vector<16xf32>
        %mul3A_131 = arith.constant 16 : i32
        %mul3A_132 = arith.muli %scan3A_118, %mul3A_131 : i32
        %swap3A_133 = arith.index_cast %mul3A_132 : i32 to index
        %swap3A_134 = tpu.vector_load %arg6[%swap3A_133] {strides = array<i32>} : memref<10240xf32, #tpu.memory_space<vmem>>, vector<16xf32>,
        tpu.vector_store %arg6[%swap3A_133], %bitcast3A_130 {strides = array<i32>} : memref<10240xf32, #tpu.memory_space<vmem>>, vector<16xf32>,
        %scan3A_135 = arith.constant 3 : i32
        %scan3A_136 = arith.addi %scan3A_86, %scan3A_135 : i32
        %mul3A_137 = arith.constant 32 : i32
        %mul3A_138 = arith.muli %scan3A_136, %mul3A_137 : i32
        %add3A_139 = arith.constant 61440 : i32
        %add3A_140 = arith.addi %add3A_139, %mul3A_138 : i32
        %get3A_141 = arith.index_cast %add3A_140 : i32 to index
        %get3A_142 = tpu.vector_load %arg4[%get3A_141] {strides = array<i32>} : memref<102400xf32, #tpu.memory_space<vmem>>, vector<16xf32>,
        %add3A_143 = arith.constant 16 : i32
        %add3A_144 = arith.addi %add3A_140, %add3A_143 : i32
        %get3A_145 = arith.index_cast %add3A_144 : i32 to index
        %get3A_146 = tpu.vector_load %arg4[%get3A_145] {strides = array<i32>} : memref<102400xf32, #tpu.memory_space<vmem>>, vector<16xf32>,
        %pack3A_147 = tpu.pack_subelements %get3A_142, %get3A_146 {pack_format = #tpu.pack_format<interleaved>, positions = array<i32: 0, 1>} : vector<16xf32>, vector<16xf32> -> vector<32xbf16>
        %bitcast3A_148 = vector.bitcast %pack3A_147 : vector<32xbf16> to vector<16xf32>
        %mul3A_149 = arith.constant 16 : i32
        %mul3A_150 = arith.muli %scan3A_136, %mul3A_149 : i32
        %swap3A_151 = arith.index_cast %mul3A_150 : i32 to index
        %swap3A_152 = tpu.vector_load %arg6[%swap3A_151] {strides = array<i32>} : memref<10240xf32, #tpu.memory_space<vmem>>, vector<16xf32>,
        tpu.vector_store %arg6[%swap3A_151], %bitcast3A_148 {strides = array<i32>} : memref<10240xf32, #tpu.memory_space<vmem>>, vector<16xf32>,
        %scan3A_153 = arith.constant 4 : i32
        %scan3A_154 = arith.addi %scan3A_86, %scan3A_153 : i32
        %mul3A_155 = arith.constant 32 : i32
        %mul3A_156 = arith.muli %scan3A_154, %mul3A_155 : i32
        %add3A_157 = arith.constant 61440 : i32
        %add3A_158 = arith.addi %add3A_157, %mul3A_156 : i32
        %get3A_159 = arith.index_cast %add3A_158 : i32 to index
        %get3A_160 = tpu.vector_load %arg4[%get3A_159] {strides = array<i32>} : memref<102400xf32, #tpu.memory_space<vmem>>, vector<16xf32>,
        %add3A_161 = arith.constant 16 : i32
        %add3A_162 = arith.addi %add3A_158, %add3A_161 : i32
        %get3A_163 = arith.index_cast %add3A_162 : i32 to index
        %get3A_164 = tpu.vector_load %arg4[%get3A_163] {strides = array<i32>} : memref<102400xf32, #tpu.memory_space<vmem>>, vector<16xf32>,
        %pack3A_165 = tpu.pack_subelements %get3A_160, %get3A_164 {pack_format = #tpu.pack_format<interleaved>, positions = array<i32: 0, 1>} : vector<16xf32>, vector<16xf32> -> vector<32xbf16>
        %bitcast3A_166 = vector.bitcast %pack3A_165 : vector<32xbf16> to vector<16xf32>
        %mul3A_167 = arith.constant 16 : i32
        %mul3A_168 = arith.muli %scan3A_154, %mul3A_167 : i32
        %swap3A_169 = arith.index_cast %mul3A_168 : i32 to index
        %swap3A_170 = tpu.vector_load %arg6[%swap3A_169] {strides = array<i32>} : memref<10240xf32, #tpu.memory_space<vmem>>, vector<16xf32>,
        tpu.vector_store %arg6[%swap3A_169], %bitcast3A_166 {strides = array<i32>} : memref<10240xf32, #tpu.memory_space<vmem>>, vector<16xf32>,
        %scan3A_171 = arith.constant 5 : i32
        %scan3A_172 = arith.addi %scan3A_86, %scan3A_171 : i32
        %mul3A_173 = arith.constant 32 : i32
        %mul3A_174 = arith.muli %scan3A_172, %mul3A_173 : i32
        %add3A_175 = arith.constant 61440 : i32
        %add3A_176 = arith.addi %add3A_175, %mul3A_174 : i32
        %get3A_177 = arith.index_cast %add3A_176 : i32 to index
        %get3A_178 = tpu.vector_load %arg4[%get3A_177] {strides = array<i32>} : memref<102400xf32, #tpu.memory_space<vmem>>, vector<16xf32>,
        %add3A_179 = arith.constant 16 : i32
        %add3A_180 = arith.addi %add3A_176, %add3A_179 : i32
        %get3A_181 = arith.index_cast %add3A_180 : i32 to index
        %get3A_182 = tpu.vector_load %arg4[%get3A_181] {strides = array<i32>} : memref<102400xf32, #tpu.memory_space<vmem>>, vector<16xf32>,
        %pack3A_183 = tpu.pack_subelements %get3A_178, %get3A_182 {pack_format = #tpu.pack_format<interleaved>, positions = array<i32: 0, 1>} : vector<16xf32>, vector<16xf32> -> vector<32xbf16>
        %bitcast3A_184 = vector.bitcast %pack3A_183 : vector<32xbf16> to vector<16xf32>
        %mul3A_185 = arith.constant 16 : i32
        %mul3A_186 = arith.muli %scan3A_172, %mul3A_185 : i32
        %swap3A_187 = arith.index_cast %mul3A_186 : i32 to index
        %swap3A_188 = tpu.vector_load %arg6[%swap3A_187] {strides = array<i32>} : memref<10240xf32, #tpu.memory_space<vmem>>, vector<16xf32>,
        tpu.vector_store %arg6[%swap3A_187], %bitcast3A_184 {strides = array<i32>} : memref<10240xf32, #tpu.memory_space<vmem>>, vector<16xf32>,
        %scan3A_189 = arith.constant 6 : i32
        %scan3A_190 = arith.addi %scan3A_86, %scan3A_189 : i32
        %mul3A_191 = arith.constant 32 : i32
        %mul3A_192 = arith.muli %scan3A_190, %mul3A_191 : i32
        %add3A_193 = arith.constant 61440 : i32
        %add3A_194 = arith.addi %add3A_193, %mul3A_192 : i32
        %get3A_195 = arith.index_cast %add3A_194 : i32 to index
        %get3A_196 = tpu.vector_load %arg4[%get3A_195] {strides = array<i32>} : memref<102400xf32, #tpu.memory_space<vmem>>, vector<16xf32>,
        %add3A_197 = arith.constant 16 : i32
        %add3A_198 = arith.addi %add3A_194, %add3A_197 : i32
        %get3A_199 = arith.index_cast %add3A_198 : i32 to index
        %get3A_200 = tpu.vector_load %arg4[%get3A_199] {strides = array<i32>} : memref<102400xf32, #tpu.memory_space<vmem>>, vector<16xf32>,
        %pack3A_201 = tpu.pack_subelements %get3A_196, %get3A_200 {pack_format = #tpu.pack_format<interleaved>, positions = array<i32: 0, 1>} : vector<16xf32>, vector<16xf32> -> vector<32xbf16>
        %bitcast3A_202 = vector.bitcast %pack3A_201 : vector<32xbf16> to vector<16xf32>
        %mul3A_203 = arith.constant 16 : i32
        %mul3A_204 = arith.muli %scan3A_190, %mul3A_203 : i32
        %swap3A_205 = arith.index_cast %mul3A_204 : i32 to index
        %swap3A_206 = tpu.vector_load %arg6[%swap3A_205] {strides = array<i32>} : memref<10240xf32, #tpu.memory_space<vmem>>, vector<16xf32>,
        tpu.vector_store %arg6[%swap3A_205], %bitcast3A_202 {strides = array<i32>} : memref<10240xf32, #tpu.memory_space<vmem>>, vector<16xf32>,
        %scan3A_207 = arith.constant 7 : i32
        %scan3A_208 = arith.addi %scan3A_86, %scan3A_207 : i32
        %mul3A_209 = arith.constant 32 : i32
        %mul3A_210 = arith.muli %scan3A_208, %mul3A_209 : i32
        %add3A_211 = arith.constant 61440 : i32
        %add3A_212 = arith.addi %add3A_211, %mul3A_210 : i32
        %get3A_213 = arith.index_cast %add3A_212 : i32 to index
        %get3A_214 = tpu.vector_load %arg4[%get3A_213] {strides = array<i32>} : memref<102400xf32, #tpu.memory_space<vmem>>, vector<16xf32>,
        %add3A_215 = arith.constant 16 : i32
        %add3A_216 = arith.addi %add3A_212, %add3A_215 : i32
        %get3A_217 = arith.index_cast %add3A_216 : i32 to index
        %get3A_218 = tpu.vector_load %arg4[%get3A_217] {strides = array<i32>} : memref<102400xf32, #tpu.memory_space<vmem>>, vector<16xf32>,
        %pack3A_219 = tpu.pack_subelements %get3A_214, %get3A_218 {pack_format = #tpu.pack_format<interleaved>, positions = array<i32: 0, 1>} : vector<16xf32>, vector<16xf32> -> vector<32xbf16>
        %bitcast3A_220 = vector.bitcast %pack3A_219 : vector<32xbf16> to vector<16xf32>
        %mul3A_221 = arith.constant 16 : i32
        %mul3A_222 = arith.muli %scan3A_208, %mul3A_221 : i32
        %swap3A_223 = arith.index_cast %mul3A_222 : i32 to index
        %swap3A_224 = tpu.vector_load %arg6[%swap3A_223] {strides = array<i32>} : memref<10240xf32, #tpu.memory_space<vmem>>, vector<16xf32>,
        tpu.vector_store %arg6[%swap3A_223], %bitcast3A_220 {strides = array<i32>} : memref<10240xf32, #tpu.memory_space<vmem>>, vector<16xf32>,
      }
      %scan3A_65 = arith.constant 640 : i32
      %mul3A_66 = arith.constant 51200 : i32
      %mul3A_67 = arith.muli %add3A_5, %mul3A_66 : i32
      %add3A_68 = arith.constant 30720 : i32
      %add3A_69 = arith.addi %mul3A_67, %add3A_68 : i32
      "tpu.region"() ({
        %run_scoped3A = tpu.sem_alloc : memref<!tpu.dma_semaphore, #tpu.memory_space<semaphore_mem>>
        %dma_start3A_86 = tpu.memref_slice %arg3[%add3A_69] : memref<2560000xf32, #tpu.memory_space<hbm>> -> memref<10240xf32, #tpu.memory_space<hbm>>
        %dma_start3A_87 = tpu.memref_slice %arg3[%add3A_69] : memref<2560000xf32, #tpu.memory_space<hbm>> -> memref<10240xf32, #tpu.memory_space<hbm>>
        tpu.enqueue_dma source(%arg6 : memref<10240xf32, #tpu.memory_space<vmem>>) target(%dma_start3A_87 : memref<10240xf32, #tpu.memory_space<hbm>>) target_semaphore(%run_scoped3A : memref<!tpu.dma_semaphore, #tpu.memory_space<semaphore_mem>>)
        %dma_wait3A_88 = tpu.memref_slice %arg3[%add3A_69] : memref<2560000xf32, #tpu.memory_space<hbm>> -> memref<10240xf32, #tpu.memory_space<hbm>>
        %dma_wait3A_89 = tpu.memref_slice %arg3[%add3A_69] : memref<2560000xf32, #tpu.memory_space<hbm>> -> memref<10240xf32, #tpu.memory_space<hbm>>
        tpu.wait_dma2 semaphore(%run_scoped3A : memref<!tpu.dma_semaphore, #tpu.memory_space<semaphore_mem>>) src(%arg6 : memref<10240xf32, #tpu.memory_space<vmem>>) dst(%dma_wait3A_89 : memref<10240xf32, #tpu.memory_space<hbm>>)
        tpu.yield
      }) : () -> ()
      %scan3A_70 = arith.constant 0 : i32
      %scan3A_71 = arith.constant 0 : i32
      %scan3A_72 = arith.constant 640 : i32
      %scan3A_73 = arith.addi %scan3A_71, %scan3A_72 : i32
      %scan3A_74 = arith.constant 8 : i32
      scf.for %scan3A_86 = %scan3A_71 to %scan3A_73 step %scan3A_74  : i32 {
        %mul3A_87 = arith.constant 32 : i32
        %mul3A_88 = arith.muli %scan3A_86, %mul3A_87 : i32
        %add3A_89 = arith.constant 81920 : i32
        %add3A_90 = arith.addi %add3A_89, %mul3A_88 : i32
        %get3A = arith.index_cast %add3A_90 : i32 to index
        %get3A_91 = tpu.vector_load %arg4[%get3A] {strides = array<i32>} : memref<102400xf32, #tpu.memory_space<vmem>>, vector<16xf32>,
        %add3A_92 = arith.constant 16 : i32
        %add3A_93 = arith.addi %add3A_90, %add3A_92 : i32
        %get3A_94 = arith.index_cast %add3A_93 : i32 to index
        %get3A_95 = tpu.vector_load %arg4[%get3A_94] {strides = array<i32>} : memref<102400xf32, #tpu.memory_space<vmem>>, vector<16xf32>,
        %pack3A = tpu.pack_subelements %get3A_91, %get3A_95 {pack_format = #tpu.pack_format<interleaved>, positions = array<i32: 0, 1>} : vector<16xf32>, vector<16xf32> -> vector<32xbf16>
        %bitcast3A = vector.bitcast %pack3A : vector<32xbf16> to vector<16xf32>
        %mul3A_96 = arith.constant 16 : i32
        %mul3A_97 = arith.muli %scan3A_86, %mul3A_96 : i32
        %swap3A = arith.index_cast %mul3A_97 : i32 to index
        %swap3A_98 = tpu.vector_load %arg6[%swap3A] {strides = array<i32>} : memref<10240xf32, #tpu.memory_space<vmem>>, vector<16xf32>,
        tpu.vector_store %arg6[%swap3A], %bitcast3A {strides = array<i32>} : memref<10240xf32, #tpu.memory_space<vmem>>, vector<16xf32>,
        %scan3A_99 = arith.constant 1 : i32
        %scan3A_100 = arith.addi %scan3A_86, %scan3A_99 : i32
        %mul3A_101 = arith.constant 32 : i32
        %mul3A_102 = arith.muli %scan3A_100, %mul3A_101 : i32
        %add3A_103 = arith.constant 81920 : i32
        %add3A_104 = arith.addi %add3A_103, %mul3A_102 : i32
        %get3A_105 = arith.index_cast %add3A_104 : i32 to index
        %get3A_106 = tpu.vector_load %arg4[%get3A_105] {strides = array<i32>} : memref<102400xf32, #tpu.memory_space<vmem>>, vector<16xf32>,
        %add3A_107 = arith.constant 16 : i32
        %add3A_108 = arith.addi %add3A_104, %add3A_107 : i32
        %get3A_109 = arith.index_cast %add3A_108 : i32 to index
        %get3A_110 = tpu.vector_load %arg4[%get3A_109] {strides = array<i32>} : memref<102400xf32, #tpu.memory_space<vmem>>, vector<16xf32>,
        %pack3A_111 = tpu.pack_subelements %get3A_106, %get3A_110 {pack_format = #tpu.pack_format<interleaved>, positions = array<i32: 0, 1>} : vector<16xf32>, vector<16xf32> -> vector<32xbf16>
        %bitcast3A_112 = vector.bitcast %pack3A_111 : vector<32xbf16> to vector<16xf32>
        %mul3A_113 = arith.constant 16 : i32
        %mul3A_114 = arith.muli %scan3A_100, %mul3A_113 : i32
        %swap3A_115 = arith.index_cast %mul3A_114 : i32 to index
        %swap3A_116 = tpu.vector_load %arg6[%swap3A_115] {strides = array<i32>} : memref<10240xf32, #tpu.memory_space<vmem>>, vector<16xf32>,
        tpu.vector_store %arg6[%swap3A_115], %bitcast3A_112 {strides = array<i32>} : memref<10240xf32, #tpu.memory_space<vmem>>, vector<16xf32>,
        %scan3A_117 = arith.constant 2 : i32
        %scan3A_118 = arith.addi %scan3A_86, %scan3A_117 : i32
        %mul3A_119 = arith.constant 32 : i32
        %mul3A_120 = arith.muli %scan3A_118, %mul3A_119 : i32
        %add3A_121 = arith.constant 81920 : i32
        %add3A_122 = arith.addi %add3A_121, %mul3A_120 : i32
        %get3A_123 = arith.index_cast %add3A_122 : i32 to index
        %get3A_124 = tpu.vector_load %arg4[%get3A_123] {strides = array<i32>} : memref<102400xf32, #tpu.memory_space<vmem>>, vector<16xf32>,
        %add3A_125 = arith.constant 16 : i32
        %add3A_126 = arith.addi %add3A_122, %add3A_125 : i32
        %get3A_127 = arith.index_cast %add3A_126 : i32 to index
        %get3A_128 = tpu.vector_load %arg4[%get3A_127] {strides = array<i32>} : memref<102400xf32, #tpu.memory_space<vmem>>, vector<16xf32>,
        %pack3A_129 = tpu.pack_subelements %get3A_124, %get3A_128 {pack_format = #tpu.pack_format<interleaved>, positions = array<i32: 0, 1>} : vector<16xf32>, vector<16xf32> -> vector<32xbf16>
        %bitcast3A_130 = vector.bitcast %pack3A_129 : vector<32xbf16> to vector<16xf32>
        %mul3A_131 = arith.constant 16 : i32
        %mul3A_132 = arith.muli %scan3A_118, %mul3A_131 : i32
        %swap3A_133 = arith.index_cast %mul3A_132 : i32 to index
        %swap3A_134 = tpu.vector_load %arg6[%swap3A_133] {strides = array<i32>} : memref<10240xf32, #tpu.memory_space<vmem>>, vector<16xf32>,
        tpu.vector_store %arg6[%swap3A_133], %bitcast3A_130 {strides = array<i32>} : memref<10240xf32, #tpu.memory_space<vmem>>, vector<16xf32>,
        %scan3A_135 = arith.constant 3 : i32
        %scan3A_136 = arith.addi %scan3A_86, %scan3A_135 : i32
        %mul3A_137 = arith.constant 32 : i32
        %mul3A_138 = arith.muli %scan3A_136, %mul3A_137 : i32
        %add3A_139 = arith.constant 81920 : i32
        %add3A_140 = arith.addi %add3A_139, %mul3A_138 : i32
        %get3A_141 = arith.index_cast %add3A_140 : i32 to index
        %get3A_142 = tpu.vector_load %arg4[%get3A_141] {strides = array<i32>} : memref<102400xf32, #tpu.memory_space<vmem>>, vector<16xf32>,
        %add3A_143 = arith.constant 16 : i32
        %add3A_144 = arith.addi %add3A_140, %add3A_143 : i32
        %get3A_145 = arith.index_cast %add3A_144 : i32 to index
        %get3A_146 = tpu.vector_load %arg4[%get3A_145] {strides = array<i32>} : memref<102400xf32, #tpu.memory_space<vmem>>, vector<16xf32>,
        %pack3A_147 = tpu.pack_subelements %get3A_142, %get3A_146 {pack_format = #tpu.pack_format<interleaved>, positions = array<i32: 0, 1>} : vector<16xf32>, vector<16xf32> -> vector<32xbf16>
        %bitcast3A_148 = vector.bitcast %pack3A_147 : vector<32xbf16> to vector<16xf32>
        %mul3A_149 = arith.constant 16 : i32
        %mul3A_150 = arith.muli %scan3A_136, %mul3A_149 : i32
        %swap3A_151 = arith.index_cast %mul3A_150 : i32 to index
        %swap3A_152 = tpu.vector_load %arg6[%swap3A_151] {strides = array<i32>} : memref<10240xf32, #tpu.memory_space<vmem>>, vector<16xf32>,
        tpu.vector_store %arg6[%swap3A_151], %bitcast3A_148 {strides = array<i32>} : memref<10240xf32, #tpu.memory_space<vmem>>, vector<16xf32>,
        %scan3A_153 = arith.constant 4 : i32
        %scan3A_154 = arith.addi %scan3A_86, %scan3A_153 : i32
        %mul3A_155 = arith.constant 32 : i32
        %mul3A_156 = arith.muli %scan3A_154, %mul3A_155 : i32
        %add3A_157 = arith.constant 81920 : i32
        %add3A_158 = arith.addi %add3A_157, %mul3A_156 : i32
        %get3A_159 = arith.index_cast %add3A_158 : i32 to index
        %get3A_160 = tpu.vector_load %arg4[%get3A_159] {strides = array<i32>} : memref<102400xf32, #tpu.memory_space<vmem>>, vector<16xf32>,
        %add3A_161 = arith.constant 16 : i32
        %add3A_162 = arith.addi %add3A_158, %add3A_161 : i32
        %get3A_163 = arith.index_cast %add3A_162 : i32 to index
        %get3A_164 = tpu.vector_load %arg4[%get3A_163] {strides = array<i32>} : memref<102400xf32, #tpu.memory_space<vmem>>, vector<16xf32>,
        %pack3A_165 = tpu.pack_subelements %get3A_160, %get3A_164 {pack_format = #tpu.pack_format<interleaved>, positions = array<i32: 0, 1>} : vector<16xf32>, vector<16xf32> -> vector<32xbf16>
        %bitcast3A_166 = vector.bitcast %pack3A_165 : vector<32xbf16> to vector<16xf32>
        %mul3A_167 = arith.constant 16 : i32
        %mul3A_168 = arith.muli %scan3A_154, %mul3A_167 : i32
        %swap3A_169 = arith.index_cast %mul3A_168 : i32 to index
        %swap3A_170 = tpu.vector_load %arg6[%swap3A_169] {strides = array<i32>} : memref<10240xf32, #tpu.memory_space<vmem>>, vector<16xf32>,
        tpu.vector_store %arg6[%swap3A_169], %bitcast3A_166 {strides = array<i32>} : memref<10240xf32, #tpu.memory_space<vmem>>, vector<16xf32>,
        %scan3A_171 = arith.constant 5 : i32
        %scan3A_172 = arith.addi %scan3A_86, %scan3A_171 : i32
        %mul3A_173 = arith.constant 32 : i32
        %mul3A_174 = arith.muli %scan3A_172, %mul3A_173 : i32
        %add3A_175 = arith.constant 81920 : i32
        %add3A_176 = arith.addi %add3A_175, %mul3A_174 : i32
        %get3A_177 = arith.index_cast %add3A_176 : i32 to index
        %get3A_178 = tpu.vector_load %arg4[%get3A_177] {strides = array<i32>} : memref<102400xf32, #tpu.memory_space<vmem>>, vector<16xf32>,
        %add3A_179 = arith.constant 16 : i32
        %add3A_180 = arith.addi %add3A_176, %add3A_179 : i32
        %get3A_181 = arith.index_cast %add3A_180 : i32 to index
        %get3A_182 = tpu.vector_load %arg4[%get3A_181] {strides = array<i32>} : memref<102400xf32, #tpu.memory_space<vmem>>, vector<16xf32>,
        %pack3A_183 = tpu.pack_subelements %get3A_178, %get3A_182 {pack_format = #tpu.pack_format<interleaved>, positions = array<i32: 0, 1>} : vector<16xf32>, vector<16xf32> -> vector<32xbf16>
        %bitcast3A_184 = vector.bitcast %pack3A_183 : vector<32xbf16> to vector<16xf32>
        %mul3A_185 = arith.constant 16 : i32
        %mul3A_186 = arith.muli %scan3A_172, %mul3A_185 : i32
        %swap3A_187 = arith.index_cast %mul3A_186 : i32 to index
        %swap3A_188 = tpu.vector_load %arg6[%swap3A_187] {strides = array<i32>} : memref<10240xf32, #tpu.memory_space<vmem>>, vector<16xf32>,
        tpu.vector_store %arg6[%swap3A_187], %bitcast3A_184 {strides = array<i32>} : memref<10240xf32, #tpu.memory_space<vmem>>, vector<16xf32>,
        %scan3A_189 = arith.constant 6 : i32
        %scan3A_190 = arith.addi %scan3A_86, %scan3A_189 : i32
        %mul3A_191 = arith.constant 32 : i32
        %mul3A_192 = arith.muli %scan3A_190, %mul3A_191 : i32
        %add3A_193 = arith.constant 81920 : i32
        %add3A_194 = arith.addi %add3A_193, %mul3A_192 : i32
        %get3A_195 = arith.index_cast %add3A_194 : i32 to index
        %get3A_196 = tpu.vector_load %arg4[%get3A_195] {strides = array<i32>} : memref<102400xf32, #tpu.memory_space<vmem>>, vector<16xf32>,
        %add3A_197 = arith.constant 16 : i32
        %add3A_198 = arith.addi %add3A_194, %add3A_197 : i32
        %get3A_199 = arith.index_cast %add3A_198 : i32 to index
        %get3A_200 = tpu.vector_load %arg4[%get3A_199] {strides = array<i32>} : memref<102400xf32, #tpu.memory_space<vmem>>, vector<16xf32>,
        %pack3A_201 = tpu.pack_subelements %get3A_196, %get3A_200 {pack_format = #tpu.pack_format<interleaved>, positions = array<i32: 0, 1>} : vector<16xf32>, vector<16xf32> -> vector<32xbf16>
        %bitcast3A_202 = vector.bitcast %pack3A_201 : vector<32xbf16> to vector<16xf32>
        %mul3A_203 = arith.constant 16 : i32
        %mul3A_204 = arith.muli %scan3A_190, %mul3A_203 : i32
        %swap3A_205 = arith.index_cast %mul3A_204 : i32 to index
        %swap3A_206 = tpu.vector_load %arg6[%swap3A_205] {strides = array<i32>} : memref<10240xf32, #tpu.memory_space<vmem>>, vector<16xf32>,
        tpu.vector_store %arg6[%swap3A_205], %bitcast3A_202 {strides = array<i32>} : memref<10240xf32, #tpu.memory_space<vmem>>, vector<16xf32>,
        %scan3A_207 = arith.constant 7 : i32
        %scan3A_208 = arith.addi %scan3A_86, %scan3A_207 : i32
        %mul3A_209 = arith.constant 32 : i32
        %mul3A_210 = arith.muli %scan3A_208, %mul3A_209 : i32
        %add3A_211 = arith.constant 81920 : i32
        %add3A_212 = arith.addi %add3A_211, %mul3A_210 : i32
        %get3A_213 = arith.index_cast %add3A_212 : i32 to index
        %get3A_214 = tpu.vector_load %arg4[%get3A_213] {strides = array<i32>} : memref<102400xf32, #tpu.memory_space<vmem>>, vector<16xf32>,
        %add3A_215 = arith.constant 16 : i32
        %add3A_216 = arith.addi %add3A_212, %add3A_215 : i32
        %get3A_217 = arith.index_cast %add3A_216 : i32 to index
        %get3A_218 = tpu.vector_load %arg4[%get3A_217] {strides = array<i32>} : memref<102400xf32, #tpu.memory_space<vmem>>, vector<16xf32>,
        %pack3A_219 = tpu.pack_subelements %get3A_214, %get3A_218 {pack_format = #tpu.pack_format<interleaved>, positions = array<i32: 0, 1>} : vector<16xf32>, vector<16xf32> -> vector<32xbf16>
        %bitcast3A_220 = vector.bitcast %pack3A_219 : vector<32xbf16> to vector<16xf32>
        %mul3A_221 = arith.constant 16 : i32
        %mul3A_222 = arith.muli %scan3A_208, %mul3A_221 : i32
        %swap3A_223 = arith.index_cast %mul3A_222 : i32 to index
        %swap3A_224 = tpu.vector_load %arg6[%swap3A_223] {strides = array<i32>} : memref<10240xf32, #tpu.memory_space<vmem>>, vector<16xf32>,
        tpu.vector_store %arg6[%swap3A_223], %bitcast3A_220 {strides = array<i32>} : memref<10240xf32, #tpu.memory_space<vmem>>, vector<16xf32>,
      }
      %scan3A_75 = arith.constant 640 : i32
      %mul3A_76 = arith.constant 51200 : i32
      %mul3A_77 = arith.muli %add3A_5, %mul3A_76 : i32
      %add3A_78 = arith.constant 40960 : i32
      %add3A_79 = arith.addi %mul3A_77, %add3A_78 : i32
      "tpu.region"() ({
        %run_scoped3A = tpu.sem_alloc : memref<!tpu.dma_semaphore, #tpu.memory_space<semaphore_mem>>
        %dma_start3A_86 = tpu.memref_slice %arg3[%add3A_79] : memref<2560000xf32, #tpu.memory_space<hbm>> -> memref<10240xf32, #tpu.memory_space<hbm>>
        %dma_start3A_87 = tpu.memref_slice %arg3[%add3A_79] : memref<2560000xf32, #tpu.memory_space<hbm>> -> memref<10240xf32, #tpu.memory_space<hbm>>
        tpu.enqueue_dma source(%arg6 : memref<10240xf32, #tpu.memory_space<vmem>>) target(%dma_start3A_87 : memref<10240xf32, #tpu.memory_space<hbm>>) target_semaphore(%run_scoped3A : memref<!tpu.dma_semaphore, #tpu.memory_space<semaphore_mem>>)
        %dma_wait3A_88 = tpu.memref_slice %arg3[%add3A_79] : memref<2560000xf32, #tpu.memory_space<hbm>> -> memref<10240xf32, #tpu.memory_space<hbm>>
        %dma_wait3A_89 = tpu.memref_slice %arg3[%add3A_79] : memref<2560000xf32, #tpu.memory_space<hbm>> -> memref<10240xf32, #tpu.memory_space<hbm>>
        tpu.wait_dma2 semaphore(%run_scoped3A : memref<!tpu.dma_semaphore, #tpu.memory_space<semaphore_mem>>) src(%arg6 : memref<10240xf32, #tpu.memory_space<vmem>>) dst(%dma_wait3A_89 : memref<10240xf32, #tpu.memory_space<hbm>>)
        tpu.yield
      }) : () -> ()
      %scan3A_80 = arith.constant 0 : i32
      %scan3A_81 = arith.constant 0 : i32
      %scan3A_82 = arith.constant 1024 : i32
      %scan3A_83 = arith.addi %scan3A_81, %scan3A_82 : i32
      %scan3A_84 = arith.constant 8 : i32
      scf.for %scan3A_86 = %scan3A_81 to %scan3A_83 step %scan3A_84  : i32 {
        %mul3A_87 = arith.constant 16 : i32
        %mul3A_88 = arith.muli %scan3A_86, %mul3A_87 : i32
        %get3A = arith.index_cast %mul3A_88 : i32 to index
        %get3A_89 = tpu.vector_load %arg5[%get3A] {strides = array<i32>} : memref<16384xi32, #tpu.memory_space<vmem>>, vector<16xi32>,
        %ge3A = arith.constant 51200 : i32
        %ge3A_90 = vector.broadcast %ge3A : i32 to vector<16xi32>
        %ge3A_91 = arith.cmpi sge, %get3A_89, %ge3A_90 : vector<16xi32>
        %sub3A = arith.constant 51200 : i32
        %sub3A_92 = vector.broadcast %sub3A : i32 to vector<16xi32>
        %sub3A_93 = arith.subi %get3A_89, %sub3A_92 : vector<16xi32>
        %select_n3A = arith.select %ge3A_91, %sub3A_93, %get3A_89 : vector<16xi1>, vector<16xi32>
        %and3A = arith.constant 15 : i32
        %and3A_94 = vector.broadcast %and3A : i32 to vector<16xi32>
        %and3A_95 = arith.andi %select_n3A, %and3A_94 : vector<16xi32>
        %sub3A_96 = arith.subi %select_n3A, %and3A_95 : vector<16xi32>
        %mul3A_97 = arith.constant 2 : i32
        %mul3A_98 = vector.broadcast %mul3A_97 : i32 to vector<16xi32>
        %mul3A_99 = arith.muli %sub3A_96, %mul3A_98 : vector<16xi32>
        %add3A_100 = arith.addi %mul3A_99, %and3A_95 : vector<16xi32>
        %jit3A = arith.constant 16 : i32
        %jit3A_101 = arith.constant 0 : i32
        %broadcast_in_dim3A_102 = vector.broadcast %jit3A : i32 to vector<16xi32>
        %broadcast_in_dim3A_103 = vector.broadcast %jit3A_101 : i32 to vector<16xi32>
        %select_n3A_104 = arith.select %ge3A_91, %broadcast_in_dim3A_102, %broadcast_in_dim3A_103 : vector<16xi1>, vector<16xi32>
        %add3A_105 = arith.addi %add3A_100, %select_n3A_104 : vector<16xi32>
        tpu.vector_store_idx %arg4[%add3A_105], %broadcast_in_dim3A_3 : memref<102400xf32, #tpu.memory_space<vmem>>[vector<16xi32>], vector<16xf32>,
        %scan3A_106 = arith.constant 1 : i32
        %scan3A_107 = arith.addi %scan3A_86, %scan3A_106 : i32
        %mul3A_108 = arith.constant 16 : i32
        %mul3A_109 = arith.muli %scan3A_107, %mul3A_108 : i32
        %get3A_110 = arith.index_cast %mul3A_109 : i32 to index
        %get3A_111 = tpu.vector_load %arg5[%get3A_110] {strides = array<i32>} : memref<16384xi32, #tpu.memory_space<vmem>>, vector<16xi32>,
        %ge3A_112 = arith.constant 51200 : i32
        %ge3A_113 = vector.broadcast %ge3A_112 : i32 to vector<16xi32>
        %ge3A_114 = arith.cmpi sge, %get3A_111, %ge3A_113 : vector<16xi32>
        %sub3A_115 = arith.constant 51200 : i32
        %sub3A_116 = vector.broadcast %sub3A_115 : i32 to vector<16xi32>
        %sub3A_117 = arith.subi %get3A_111, %sub3A_116 : vector<16xi32>
        %select_n3A_118 = arith.select %ge3A_114, %sub3A_117, %get3A_111 : vector<16xi1>, vector<16xi32>
        %and3A_119 = arith.constant 15 : i32
        %and3A_120 = vector.broadcast %and3A_119 : i32 to vector<16xi32>
        %and3A_121 = arith.andi %select_n3A_118, %and3A_120 : vector<16xi32>
        %sub3A_122 = arith.subi %select_n3A_118, %and3A_121 : vector<16xi32>
        %mul3A_123 = arith.constant 2 : i32
        %mul3A_124 = vector.broadcast %mul3A_123 : i32 to vector<16xi32>
        %mul3A_125 = arith.muli %sub3A_122, %mul3A_124 : vector<16xi32>
        %add3A_126 = arith.addi %mul3A_125, %and3A_121 : vector<16xi32>
        %jit3A_127 = arith.constant 16 : i32
        %jit3A_128 = arith.constant 0 : i32
        %broadcast_in_dim3A_129 = vector.broadcast %jit3A_127 : i32 to vector<16xi32>
        %broadcast_in_dim3A_130 = vector.broadcast %jit3A_128 : i32 to vector<16xi32>
        %select_n3A_131 = arith.select %ge3A_114, %broadcast_in_dim3A_129, %broadcast_in_dim3A_130 : vector<16xi1>, vector<16xi32>
        %add3A_132 = arith.addi %add3A_126, %select_n3A_131 : vector<16xi32>
        tpu.vector_store_idx %arg4[%add3A_132], %broadcast_in_dim3A_3 : memref<102400xf32, #tpu.memory_space<vmem>>[vector<16xi32>], vector<16xf32>,
        %scan3A_133 = arith.constant 2 : i32
        %scan3A_134 = arith.addi %scan3A_86, %scan3A_133 : i32
        %mul3A_135 = arith.constant 16 : i32
        %mul3A_136 = arith.muli %scan3A_134, %mul3A_135 : i32
        %get3A_137 = arith.index_cast %mul3A_136 : i32 to index
        %get3A_138 = tpu.vector_load %arg5[%get3A_137] {strides = array<i32>} : memref<16384xi32, #tpu.memory_space<vmem>>, vector<16xi32>,
        %ge3A_139 = arith.constant 51200 : i32
        %ge3A_140 = vector.broadcast %ge3A_139 : i32 to vector<16xi32>
        %ge3A_141 = arith.cmpi sge, %get3A_138, %ge3A_140 : vector<16xi32>
        %sub3A_142 = arith.constant 51200 : i32
        %sub3A_143 = vector.broadcast %sub3A_142 : i32 to vector<16xi32>
        %sub3A_144 = arith.subi %get3A_138, %sub3A_143 : vector<16xi32>
        %select_n3A_145 = arith.select %ge3A_141, %sub3A_144, %get3A_138 : vector<16xi1>, vector<16xi32>
        %and3A_146 = arith.constant 15 : i32
        %and3A_147 = vector.broadcast %and3A_146 : i32 to vector<16xi32>
        %and3A_148 = arith.andi %select_n3A_145, %and3A_147 : vector<16xi32>
        %sub3A_149 = arith.subi %select_n3A_145, %and3A_148 : vector<16xi32>
        %mul3A_150 = arith.constant 2 : i32
        %mul3A_151 = vector.broadcast %mul3A_150 : i32 to vector<16xi32>
        %mul3A_152 = arith.muli %sub3A_149, %mul3A_151 : vector<16xi32>
        %add3A_153 = arith.addi %mul3A_152, %and3A_148 : vector<16xi32>
        %jit3A_154 = arith.constant 16 : i32
        %jit3A_155 = arith.constant 0 : i32
        %broadcast_in_dim3A_156 = vector.broadcast %jit3A_154 : i32 to vector<16xi32>
        %broadcast_in_dim3A_157 = vector.broadcast %jit3A_155 : i32 to vector<16xi32>
        %select_n3A_158 = arith.select %ge3A_141, %broadcast_in_dim3A_156, %broadcast_in_dim3A_157 : vector<16xi1>, vector<16xi32>
        %add3A_159 = arith.addi %add3A_153, %select_n3A_158 : vector<16xi32>
        tpu.vector_store_idx %arg4[%add3A_159], %broadcast_in_dim3A_3 : memref<102400xf32, #tpu.memory_space<vmem>>[vector<16xi32>], vector<16xf32>,
        %scan3A_160 = arith.constant 3 : i32
        %scan3A_161 = arith.addi %scan3A_86, %scan3A_160 : i32
        %mul3A_162 = arith.constant 16 : i32
        %mul3A_163 = arith.muli %scan3A_161, %mul3A_162 : i32
        %get3A_164 = arith.index_cast %mul3A_163 : i32 to index
        %get3A_165 = tpu.vector_load %arg5[%get3A_164] {strides = array<i32>} : memref<16384xi32, #tpu.memory_space<vmem>>, vector<16xi32>,
        %ge3A_166 = arith.constant 51200 : i32
        %ge3A_167 = vector.broadcast %ge3A_166 : i32 to vector<16xi32>
        %ge3A_168 = arith.cmpi sge, %get3A_165, %ge3A_167 : vector<16xi32>
        %sub3A_169 = arith.constant 51200 : i32
        %sub3A_170 = vector.broadcast %sub3A_169 : i32 to vector<16xi32>
        %sub3A_171 = arith.subi %get3A_165, %sub3A_170 : vector<16xi32>
        %select_n3A_172 = arith.select %ge3A_168, %sub3A_171, %get3A_165 : vector<16xi1>, vector<16xi32>
        %and3A_173 = arith.constant 15 : i32
        %and3A_174 = vector.broadcast %and3A_173 : i32 to vector<16xi32>
        %and3A_175 = arith.andi %select_n3A_172, %and3A_174 : vector<16xi32>
        %sub3A_176 = arith.subi %select_n3A_172, %and3A_175 : vector<16xi32>
        %mul3A_177 = arith.constant 2 : i32
        %mul3A_178 = vector.broadcast %mul3A_177 : i32 to vector<16xi32>
        %mul3A_179 = arith.muli %sub3A_176, %mul3A_178 : vector<16xi32>
        %add3A_180 = arith.addi %mul3A_179, %and3A_175 : vector<16xi32>
        %jit3A_181 = arith.constant 16 : i32
        %jit3A_182 = arith.constant 0 : i32
        %broadcast_in_dim3A_183 = vector.broadcast %jit3A_181 : i32 to vector<16xi32>
        %broadcast_in_dim3A_184 = vector.broadcast %jit3A_182 : i32 to vector<16xi32>
        %select_n3A_185 = arith.select %ge3A_168, %broadcast_in_dim3A_183, %broadcast_in_dim3A_184 : vector<16xi1>, vector<16xi32>
        %add3A_186 = arith.addi %add3A_180, %select_n3A_185 : vector<16xi32>
        tpu.vector_store_idx %arg4[%add3A_186], %broadcast_in_dim3A_3 : memref<102400xf32, #tpu.memory_space<vmem>>[vector<16xi32>], vector<16xf32>,
        %scan3A_187 = arith.constant 4 : i32
        %scan3A_188 = arith.addi %scan3A_86, %scan3A_187 : i32
        %mul3A_189 = arith.constant 16 : i32
        %mul3A_190 = arith.muli %scan3A_188, %mul3A_189 : i32
        %get3A_191 = arith.index_cast %mul3A_190 : i32 to index
        %get3A_192 = tpu.vector_load %arg5[%get3A_191] {strides = array<i32>} : memref<16384xi32, #tpu.memory_space<vmem>>, vector<16xi32>,
        %ge3A_193 = arith.constant 51200 : i32
        %ge3A_194 = vector.broadcast %ge3A_193 : i32 to vector<16xi32>
        %ge3A_195 = arith.cmpi sge, %get3A_192, %ge3A_194 : vector<16xi32>
        %sub3A_196 = arith.constant 51200 : i32
        %sub3A_197 = vector.broadcast %sub3A_196 : i32 to vector<16xi32>
        %sub3A_198 = arith.subi %get3A_192, %sub3A_197 : vector<16xi32>
        %select_n3A_199 = arith.select %ge3A_195, %sub3A_198, %get3A_192 : vector<16xi1>, vector<16xi32>
        %and3A_200 = arith.constant 15 : i32
        %and3A_201 = vector.broadcast %and3A_200 : i32 to vector<16xi32>
        %and3A_202 = arith.andi %select_n3A_199, %and3A_201 : vector<16xi32>
        %sub3A_203 = arith.subi %select_n3A_199, %and3A_202 : vector<16xi32>
        %mul3A_204 = arith.constant 2 : i32
        %mul3A_205 = vector.broadcast %mul3A_204 : i32 to vector<16xi32>
        %mul3A_206 = arith.muli %sub3A_203, %mul3A_205 : vector<16xi32>
        %add3A_207 = arith.addi %mul3A_206, %and3A_202 : vector<16xi32>
        %jit3A_208 = arith.constant 16 : i32
        %jit3A_209 = arith.constant 0 : i32
        %broadcast_in_dim3A_210 = vector.broadcast %jit3A_208 : i32 to vector<16xi32>
        %broadcast_in_dim3A_211 = vector.broadcast %jit3A_209 : i32 to vector<16xi32>
        %select_n3A_212 = arith.select %ge3A_195, %broadcast_in_dim3A_210, %broadcast_in_dim3A_211 : vector<16xi1>, vector<16xi32>
        %add3A_213 = arith.addi %add3A_207, %select_n3A_212 : vector<16xi32>
        tpu.vector_store_idx %arg4[%add3A_213], %broadcast_in_dim3A_3 : memref<102400xf32, #tpu.memory_space<vmem>>[vector<16xi32>], vector<16xf32>,
        %scan3A_214 = arith.constant 5 : i32
        %scan3A_215 = arith.addi %scan3A_86, %scan3A_214 : i32
        %mul3A_216 = arith.constant 16 : i32
        %mul3A_217 = arith.muli %scan3A_215, %mul3A_216 : i32
        %get3A_218 = arith.index_cast %mul3A_217 : i32 to index
        %get3A_219 = tpu.vector_load %arg5[%get3A_218] {strides = array<i32>} : memref<16384xi32, #tpu.memory_space<vmem>>, vector<16xi32>,
        %ge3A_220 = arith.constant 51200 : i32
        %ge3A_221 = vector.broadcast %ge3A_220 : i32 to vector<16xi32>
        %ge3A_222 = arith.cmpi sge, %get3A_219, %ge3A_221 : vector<16xi32>
        %sub3A_223 = arith.constant 51200 : i32
        %sub3A_224 = vector.broadcast %sub3A_223 : i32 to vector<16xi32>
        %sub3A_225 = arith.subi %get3A_219, %sub3A_224 : vector<16xi32>
        %select_n3A_226 = arith.select %ge3A_222, %sub3A_225, %get3A_219 : vector<16xi1>, vector<16xi32>
        %and3A_227 = arith.constant 15 : i32
        %and3A_228 = vector.broadcast %and3A_227 : i32 to vector<16xi32>
        %and3A_229 = arith.andi %select_n3A_226, %and3A_228 : vector<16xi32>
        %sub3A_230 = arith.subi %select_n3A_226, %and3A_229 : vector<16xi32>
        %mul3A_231 = arith.constant 2 : i32
        %mul3A_232 = vector.broadcast %mul3A_231 : i32 to vector<16xi32>
        %mul3A_233 = arith.muli %sub3A_230, %mul3A_232 : vector<16xi32>
        %add3A_234 = arith.addi %mul3A_233, %and3A_229 : vector<16xi32>
        %jit3A_235 = arith.constant 16 : i32
        %jit3A_236 = arith.constant 0 : i32
        %broadcast_in_dim3A_237 = vector.broadcast %jit3A_235 : i32 to vector<16xi32>
        %broadcast_in_dim3A_238 = vector.broadcast %jit3A_236 : i32 to vector<16xi32>
        %select_n3A_239 = arith.select %ge3A_222, %broadcast_in_dim3A_237, %broadcast_in_dim3A_238 : vector<16xi1>, vector<16xi32>
        %add3A_240 = arith.addi %add3A_234, %select_n3A_239 : vector<16xi32>
        tpu.vector_store_idx %arg4[%add3A_240], %broadcast_in_dim3A_3 : memref<102400xf32, #tpu.memory_space<vmem>>[vector<16xi32>], vector<16xf32>,
        %scan3A_241 = arith.constant 6 : i32
        %scan3A_242 = arith.addi %scan3A_86, %scan3A_241 : i32
        %mul3A_243 = arith.constant 16 : i32
        %mul3A_244 = arith.muli %scan3A_242, %mul3A_243 : i32
        %get3A_245 = arith.index_cast %mul3A_244 : i32 to index
        %get3A_246 = tpu.vector_load %arg5[%get3A_245] {strides = array<i32>} : memref<16384xi32, #tpu.memory_space<vmem>>, vector<16xi32>,
        %ge3A_247 = arith.constant 51200 : i32
        %ge3A_248 = vector.broadcast %ge3A_247 : i32 to vector<16xi32>
        %ge3A_249 = arith.cmpi sge, %get3A_246, %ge3A_248 : vector<16xi32>
        %sub3A_250 = arith.constant 51200 : i32
        %sub3A_251 = vector.broadcast %sub3A_250 : i32 to vector<16xi32>
        %sub3A_252 = arith.subi %get3A_246, %sub3A_251 : vector<16xi32>
        %select_n3A_253 = arith.select %ge3A_249, %sub3A_252, %get3A_246 : vector<16xi1>, vector<16xi32>
        %and3A_254 = arith.constant 15 : i32
        %and3A_255 = vector.broadcast %and3A_254 : i32 to vector<16xi32>
        %and3A_256 = arith.andi %select_n3A_253, %and3A_255 : vector<16xi32>
        %sub3A_257 = arith.subi %select_n3A_253, %and3A_256 : vector<16xi32>
        %mul3A_258 = arith.constant 2 : i32
        %mul3A_259 = vector.broadcast %mul3A_258 : i32 to vector<16xi32>
        %mul3A_260 = arith.muli %sub3A_257, %mul3A_259 : vector<16xi32>
        %add3A_261 = arith.addi %mul3A_260, %and3A_256 : vector<16xi32>
        %jit3A_262 = arith.constant 16 : i32
        %jit3A_263 = arith.constant 0 : i32
        %broadcast_in_dim3A_264 = vector.broadcast %jit3A_262 : i32 to vector<16xi32>
        %broadcast_in_dim3A_265 = vector.broadcast %jit3A_263 : i32 to vector<16xi32>
        %select_n3A_266 = arith.select %ge3A_249, %broadcast_in_dim3A_264, %broadcast_in_dim3A_265 : vector<16xi1>, vector<16xi32>
        %add3A_267 = arith.addi %add3A_261, %select_n3A_266 : vector<16xi32>
        tpu.vector_store_idx %arg4[%add3A_267], %broadcast_in_dim3A_3 : memref<102400xf32, #tpu.memory_space<vmem>>[vector<16xi32>], vector<16xf32>,
        %scan3A_268 = arith.constant 7 : i32
        %scan3A_269 = arith.addi %scan3A_86, %scan3A_268 : i32
        %mul3A_270 = arith.constant 16 : i32
        %mul3A_271 = arith.muli %scan3A_269, %mul3A_270 : i32
        %get3A_272 = arith.index_cast %mul3A_271 : i32 to index
        %get3A_273 = tpu.vector_load %arg5[%get3A_272] {strides = array<i32>} : memref<16384xi32, #tpu.memory_space<vmem>>, vector<16xi32>,
        %ge3A_274 = arith.constant 51200 : i32
        %ge3A_275 = vector.broadcast %ge3A_274 : i32 to vector<16xi32>
        %ge3A_276 = arith.cmpi sge, %get3A_273, %ge3A_275 : vector<16xi32>
        %sub3A_277 = arith.constant 51200 : i32
        %sub3A_278 = vector.broadcast %sub3A_277 : i32 to vector<16xi32>
        %sub3A_279 = arith.subi %get3A_273, %sub3A_278 : vector<16xi32>
        %select_n3A_280 = arith.select %ge3A_276, %sub3A_279, %get3A_273 : vector<16xi1>, vector<16xi32>
        %and3A_281 = arith.constant 15 : i32
        %and3A_282 = vector.broadcast %and3A_281 : i32 to vector<16xi32>
        %and3A_283 = arith.andi %select_n3A_280, %and3A_282 : vector<16xi32>
        %sub3A_284 = arith.subi %select_n3A_280, %and3A_283 : vector<16xi32>
        %mul3A_285 = arith.constant 2 : i32
        %mul3A_286 = vector.broadcast %mul3A_285 : i32 to vector<16xi32>
        %mul3A_287 = arith.muli %sub3A_284, %mul3A_286 : vector<16xi32>
        %add3A_288 = arith.addi %mul3A_287, %and3A_283 : vector<16xi32>
        %jit3A_289 = arith.constant 16 : i32
        %jit3A_290 = arith.constant 0 : i32
        %broadcast_in_dim3A_291 = vector.broadcast %jit3A_289 : i32 to vector<16xi32>
        %broadcast_in_dim3A_292 = vector.broadcast %jit3A_290 : i32 to vector<16xi32>
        %select_n3A_293 = arith.select %ge3A_276, %broadcast_in_dim3A_291, %broadcast_in_dim3A_292 : vector<16xi1>, vector<16xi32>
        %add3A_294 = arith.addi %add3A_288, %select_n3A_293 : vector<16xi32>
        tpu.vector_store_idx %arg4[%add3A_294], %broadcast_in_dim3A_3 : memref<102400xf32, #tpu.memory_space<vmem>>[vector<16xi32>], vector<16xf32>,
      }
      %scan3A_85 = arith.constant 1024 : i32
    } else {
    }
    %add3A_8 = arith.constant 32 : i32
    %add3A_9 = arith.addi %add3A_8, %add3A : i32
    %lt3A_10 = arith.constant 50 : i32
    %lt3A_11 = arith.cmpi slt, %add3A_9, %lt3A_10 : i32
    %convert_element_type3A_12 = arith.extui %lt3A_11 : i1 to i32
    %cond3A_13 = arith.constant 0 : i32
    %cond3A_14 = arith.cmpi ne, %convert_element_type3A_12, %cond3A_13 : i32
    scf.if %cond3A_14 {
      %mul3A_15 = arith.constant 16384 : i32
      %mul3A_16 = arith.muli %add3A_9, %mul3A_15 : i32
      %dma_start3A = tpu.memref_slice %arg2[%mul3A_16] : memref<819200xi32, #tpu.memory_space<hbm>> -> memref<16384xi32, #tpu.memory_space<hbm>>
      %dma_start3A_17 = tpu.memref_slice %arg2[%mul3A_16] : memref<819200xi32, #tpu.memory_space<hbm>> -> memref<16384xi32, #tpu.memory_space<hbm>>
      tpu.enqueue_dma source(%dma_start3A_17 : memref<16384xi32, #tpu.memory_space<hbm>>) target(%arg5 : memref<16384xi32, #tpu.memory_space<vmem>>) target_semaphore(%arg7 : memref<!tpu.dma_semaphore, #tpu.memory_space<semaphore_mem>>)
      %dma_wait3A = tpu.memref_slice %arg2[%mul3A_16] : memref<819200xi32, #tpu.memory_space<hbm>> -> memref<16384xi32, #tpu.memory_space<hbm>>
      %dma_wait3A_18 = tpu.memref_slice %arg2[%mul3A_16] : memref<819200xi32, #tpu.memory_space<hbm>> -> memref<16384xi32, #tpu.memory_space<hbm>>
      tpu.wait_dma2 semaphore(%arg7 : memref<!tpu.dma_semaphore, #tpu.memory_space<semaphore_mem>>) src(%dma_wait3A_18 : memref<16384xi32, #tpu.memory_space<hbm>>) dst(%arg5 : memref<16384xi32, #tpu.memory_space<vmem>>)
      %scan3A = arith.constant 0 : i32
      %scan3A_19 = arith.constant 0 : i32
      %scan3A_20 = arith.constant 1024 : i32
      %scan3A_21 = arith.addi %scan3A_19, %scan3A_20 : i32
      %scan3A_22 = arith.constant 8 : i32
      scf.for %scan3A_74 = %scan3A_19 to %scan3A_21 step %scan3A_22  : i32 {
        %mul3A_75 = arith.constant 16 : i32
        %mul3A_76 = arith.muli %scan3A_74, %mul3A_75 : i32
        %get3A = arith.index_cast %mul3A_76 : i32 to index
        %get3A_77 = tpu.vector_load %arg5[%get3A] {strides = array<i32>} : memref<16384xi32, #tpu.memory_space<vmem>>, vector<16xi32>,
        %ge3A = arith.constant 51200 : i32
        %ge3A_78 = vector.broadcast %ge3A : i32 to vector<16xi32>
        %ge3A_79 = arith.cmpi sge, %get3A_77, %ge3A_78 : vector<16xi32>
        %sub3A = arith.constant 51200 : i32
        %sub3A_80 = vector.broadcast %sub3A : i32 to vector<16xi32>
        %sub3A_81 = arith.subi %get3A_77, %sub3A_80 : vector<16xi32>
        %select_n3A = arith.select %ge3A_79, %sub3A_81, %get3A_77 : vector<16xi1>, vector<16xi32>
        %and3A = arith.constant 15 : i32
        %and3A_82 = vector.broadcast %and3A : i32 to vector<16xi32>
        %and3A_83 = arith.andi %select_n3A, %and3A_82 : vector<16xi32>
        %sub3A_84 = arith.subi %select_n3A, %and3A_83 : vector<16xi32>
        %mul3A_85 = arith.constant 2 : i32
        %mul3A_86 = vector.broadcast %mul3A_85 : i32 to vector<16xi32>
        %mul3A_87 = arith.muli %sub3A_84, %mul3A_86 : vector<16xi32>
        %add3A_88 = arith.addi %mul3A_87, %and3A_83 : vector<16xi32>
        %jit3A = arith.constant 16 : i32
        %jit3A_89 = arith.constant 0 : i32
        %broadcast_in_dim3A_90 = vector.broadcast %jit3A : i32 to vector<16xi32>
        %broadcast_in_dim3A_91 = vector.broadcast %jit3A_89 : i32 to vector<16xi32>
        %select_n3A_92 = arith.select %ge3A_79, %broadcast_in_dim3A_90, %broadcast_in_dim3A_91 : vector<16xi1>, vector<16xi32>
        %add3A_93 = arith.addi %add3A_88, %select_n3A_92 : vector<16xi32>
        tpu.vector_store_idx %arg4[%add3A_93], %broadcast_in_dim3A_1 {add = true} : memref<102400xf32, #tpu.memory_space<vmem>>[vector<16xi32>], vector<16xf32>,
        %scan3A_94 = arith.constant 1 : i32
        %scan3A_95 = arith.addi %scan3A_74, %scan3A_94 : i32
        %mul3A_96 = arith.constant 16 : i32
        %mul3A_97 = arith.muli %scan3A_95, %mul3A_96 : i32
        %get3A_98 = arith.index_cast %mul3A_97 : i32 to index
        %get3A_99 = tpu.vector_load %arg5[%get3A_98] {strides = array<i32>} : memref<16384xi32, #tpu.memory_space<vmem>>, vector<16xi32>,
        %ge3A_100 = arith.constant 51200 : i32
        %ge3A_101 = vector.broadcast %ge3A_100 : i32 to vector<16xi32>
        %ge3A_102 = arith.cmpi sge, %get3A_99, %ge3A_101 : vector<16xi32>
        %sub3A_103 = arith.constant 51200 : i32
        %sub3A_104 = vector.broadcast %sub3A_103 : i32 to vector<16xi32>
        %sub3A_105 = arith.subi %get3A_99, %sub3A_104 : vector<16xi32>
        %select_n3A_106 = arith.select %ge3A_102, %sub3A_105, %get3A_99 : vector<16xi1>, vector<16xi32>
        %and3A_107 = arith.constant 15 : i32
        %and3A_108 = vector.broadcast %and3A_107 : i32 to vector<16xi32>
        %and3A_109 = arith.andi %select_n3A_106, %and3A_108 : vector<16xi32>
        %sub3A_110 = arith.subi %select_n3A_106, %and3A_109 : vector<16xi32>
        %mul3A_111 = arith.constant 2 : i32
        %mul3A_112 = vector.broadcast %mul3A_111 : i32 to vector<16xi32>
        %mul3A_113 = arith.muli %sub3A_110, %mul3A_112 : vector<16xi32>
        %add3A_114 = arith.addi %mul3A_113, %and3A_109 : vector<16xi32>
        %jit3A_115 = arith.constant 16 : i32
        %jit3A_116 = arith.constant 0 : i32
        %broadcast_in_dim3A_117 = vector.broadcast %jit3A_115 : i32 to vector<16xi32>
        %broadcast_in_dim3A_118 = vector.broadcast %jit3A_116 : i32 to vector<16xi32>
        %select_n3A_119 = arith.select %ge3A_102, %broadcast_in_dim3A_117, %broadcast_in_dim3A_118 : vector<16xi1>, vector<16xi32>
        %add3A_120 = arith.addi %add3A_114, %select_n3A_119 : vector<16xi32>
        tpu.vector_store_idx %arg4[%add3A_120], %broadcast_in_dim3A_1 {add = true} : memref<102400xf32, #tpu.memory_space<vmem>>[vector<16xi32>], vector<16xf32>,
        %scan3A_121 = arith.constant 2 : i32
        %scan3A_122 = arith.addi %scan3A_74, %scan3A_121 : i32
        %mul3A_123 = arith.constant 16 : i32
        %mul3A_124 = arith.muli %scan3A_122, %mul3A_123 : i32
        %get3A_125 = arith.index_cast %mul3A_124 : i32 to index
        %get3A_126 = tpu.vector_load %arg5[%get3A_125] {strides = array<i32>} : memref<16384xi32, #tpu.memory_space<vmem>>, vector<16xi32>,
        %ge3A_127 = arith.constant 51200 : i32
        %ge3A_128 = vector.broadcast %ge3A_127 : i32 to vector<16xi32>
        %ge3A_129 = arith.cmpi sge, %get3A_126, %ge3A_128 : vector<16xi32>
        %sub3A_130 = arith.constant 51200 : i32
        %sub3A_131 = vector.broadcast %sub3A_130 : i32 to vector<16xi32>
        %sub3A_132 = arith.subi %get3A_126, %sub3A_131 : vector<16xi32>
        %select_n3A_133 = arith.select %ge3A_129, %sub3A_132, %get3A_126 : vector<16xi1>, vector<16xi32>
        %and3A_134 = arith.constant 15 : i32
        %and3A_135 = vector.broadcast %and3A_134 : i32 to vector<16xi32>
        %and3A_136 = arith.andi %select_n3A_133, %and3A_135 : vector<16xi32>
        %sub3A_137 = arith.subi %select_n3A_133, %and3A_136 : vector<16xi32>
        %mul3A_138 = arith.constant 2 : i32
        %mul3A_139 = vector.broadcast %mul3A_138 : i32 to vector<16xi32>
        %mul3A_140 = arith.muli %sub3A_137, %mul3A_139 : vector<16xi32>
        %add3A_141 = arith.addi %mul3A_140, %and3A_136 : vector<16xi32>
        %jit3A_142 = arith.constant 16 : i32
        %jit3A_143 = arith.constant 0 : i32
        %broadcast_in_dim3A_144 = vector.broadcast %jit3A_142 : i32 to vector<16xi32>
        %broadcast_in_dim3A_145 = vector.broadcast %jit3A_143 : i32 to vector<16xi32>
        %select_n3A_146 = arith.select %ge3A_129, %broadcast_in_dim3A_144, %broadcast_in_dim3A_145 : vector<16xi1>, vector<16xi32>
        %add3A_147 = arith.addi %add3A_141, %select_n3A_146 : vector<16xi32>
        tpu.vector_store_idx %arg4[%add3A_147], %broadcast_in_dim3A_1 {add = true} : memref<102400xf32, #tpu.memory_space<vmem>>[vector<16xi32>], vector<16xf32>,
        %scan3A_148 = arith.constant 3 : i32
        %scan3A_149 = arith.addi %scan3A_74, %scan3A_148 : i32
        %mul3A_150 = arith.constant 16 : i32
        %mul3A_151 = arith.muli %scan3A_149, %mul3A_150 : i32
        %get3A_152 = arith.index_cast %mul3A_151 : i32 to index
        %get3A_153 = tpu.vector_load %arg5[%get3A_152] {strides = array<i32>} : memref<16384xi32, #tpu.memory_space<vmem>>, vector<16xi32>,
        %ge3A_154 = arith.constant 51200 : i32
        %ge3A_155 = vector.broadcast %ge3A_154 : i32 to vector<16xi32>
        %ge3A_156 = arith.cmpi sge, %get3A_153, %ge3A_155 : vector<16xi32>
        %sub3A_157 = arith.constant 51200 : i32
        %sub3A_158 = vector.broadcast %sub3A_157 : i32 to vector<16xi32>
        %sub3A_159 = arith.subi %get3A_153, %sub3A_158 : vector<16xi32>
        %select_n3A_160 = arith.select %ge3A_156, %sub3A_159, %get3A_153 : vector<16xi1>, vector<16xi32>
        %and3A_161 = arith.constant 15 : i32
        %and3A_162 = vector.broadcast %and3A_161 : i32 to vector<16xi32>
        %and3A_163 = arith.andi %select_n3A_160, %and3A_162 : vector<16xi32>
        %sub3A_164 = arith.subi %select_n3A_160, %and3A_163 : vector<16xi32>
        %mul3A_165 = arith.constant 2 : i32
        %mul3A_166 = vector.broadcast %mul3A_165 : i32 to vector<16xi32>
        %mul3A_167 = arith.muli %sub3A_164, %mul3A_166 : vector<16xi32>
        %add3A_168 = arith.addi %mul3A_167, %and3A_163 : vector<16xi32>
        %jit3A_169 = arith.constant 16 : i32
        %jit3A_170 = arith.constant 0 : i32
        %broadcast_in_dim3A_171 = vector.broadcast %jit3A_169 : i32 to vector<16xi32>
        %broadcast_in_dim3A_172 = vector.broadcast %jit3A_170 : i32 to vector<16xi32>
        %select_n3A_173 = arith.select %ge3A_156, %broadcast_in_dim3A_171, %broadcast_in_dim3A_172 : vector<16xi1>, vector<16xi32>
        %add3A_174 = arith.addi %add3A_168, %select_n3A_173 : vector<16xi32>
        tpu.vector_store_idx %arg4[%add3A_174], %broadcast_in_dim3A_1 {add = true} : memref<102400xf32, #tpu.memory_space<vmem>>[vector<16xi32>], vector<16xf32>,
        %scan3A_175 = arith.constant 4 : i32
        %scan3A_176 = arith.addi %scan3A_74, %scan3A_175 : i32
        %mul3A_177 = arith.constant 16 : i32
        %mul3A_178 = arith.muli %scan3A_176, %mul3A_177 : i32
        %get3A_179 = arith.index_cast %mul3A_178 : i32 to index
        %get3A_180 = tpu.vector_load %arg5[%get3A_179] {strides = array<i32>} : memref<16384xi32, #tpu.memory_space<vmem>>, vector<16xi32>,
        %ge3A_181 = arith.constant 51200 : i32
        %ge3A_182 = vector.broadcast %ge3A_181 : i32 to vector<16xi32>
        %ge3A_183 = arith.cmpi sge, %get3A_180, %ge3A_182 : vector<16xi32>
        %sub3A_184 = arith.constant 51200 : i32
        %sub3A_185 = vector.broadcast %sub3A_184 : i32 to vector<16xi32>
        %sub3A_186 = arith.subi %get3A_180, %sub3A_185 : vector<16xi32>
        %select_n3A_187 = arith.select %ge3A_183, %sub3A_186, %get3A_180 : vector<16xi1>, vector<16xi32>
        %and3A_188 = arith.constant 15 : i32
        %and3A_189 = vector.broadcast %and3A_188 : i32 to vector<16xi32>
        %and3A_190 = arith.andi %select_n3A_187, %and3A_189 : vector<16xi32>
        %sub3A_191 = arith.subi %select_n3A_187, %and3A_190 : vector<16xi32>
        %mul3A_192 = arith.constant 2 : i32
        %mul3A_193 = vector.broadcast %mul3A_192 : i32 to vector<16xi32>
        %mul3A_194 = arith.muli %sub3A_191, %mul3A_193 : vector<16xi32>
        %add3A_195 = arith.addi %mul3A_194, %and3A_190 : vector<16xi32>
        %jit3A_196 = arith.constant 16 : i32
        %jit3A_197 = arith.constant 0 : i32
        %broadcast_in_dim3A_198 = vector.broadcast %jit3A_196 : i32 to vector<16xi32>
        %broadcast_in_dim3A_199 = vector.broadcast %jit3A_197 : i32 to vector<16xi32>
        %select_n3A_200 = arith.select %ge3A_183, %broadcast_in_dim3A_198, %broadcast_in_dim3A_199 : vector<16xi1>, vector<16xi32>
        %add3A_201 = arith.addi %add3A_195, %select_n3A_200 : vector<16xi32>
        tpu.vector_store_idx %arg4[%add3A_201], %broadcast_in_dim3A_1 {add = true} : memref<102400xf32, #tpu.memory_space<vmem>>[vector<16xi32>], vector<16xf32>,
        %scan3A_202 = arith.constant 5 : i32
        %scan3A_203 = arith.addi %scan3A_74, %scan3A_202 : i32
        %mul3A_204 = arith.constant 16 : i32
        %mul3A_205 = arith.muli %scan3A_203, %mul3A_204 : i32
        %get3A_206 = arith.index_cast %mul3A_205 : i32 to index
        %get3A_207 = tpu.vector_load %arg5[%get3A_206] {strides = array<i32>} : memref<16384xi32, #tpu.memory_space<vmem>>, vector<16xi32>,
        %ge3A_208 = arith.constant 51200 : i32
        %ge3A_209 = vector.broadcast %ge3A_208 : i32 to vector<16xi32>
        %ge3A_210 = arith.cmpi sge, %get3A_207, %ge3A_209 : vector<16xi32>
        %sub3A_211 = arith.constant 51200 : i32
        %sub3A_212 = vector.broadcast %sub3A_211 : i32 to vector<16xi32>
        %sub3A_213 = arith.subi %get3A_207, %sub3A_212 : vector<16xi32>
        %select_n3A_214 = arith.select %ge3A_210, %sub3A_213, %get3A_207 : vector<16xi1>, vector<16xi32>
        %and3A_215 = arith.constant 15 : i32
        %and3A_216 = vector.broadcast %and3A_215 : i32 to vector<16xi32>
        %and3A_217 = arith.andi %select_n3A_214, %and3A_216 : vector<16xi32>
        %sub3A_218 = arith.subi %select_n3A_214, %and3A_217 : vector<16xi32>
        %mul3A_219 = arith.constant 2 : i32
        %mul3A_220 = vector.broadcast %mul3A_219 : i32 to vector<16xi32>
        %mul3A_221 = arith.muli %sub3A_218, %mul3A_220 : vector<16xi32>
        %add3A_222 = arith.addi %mul3A_221, %and3A_217 : vector<16xi32>
        %jit3A_223 = arith.constant 16 : i32
        %jit3A_224 = arith.constant 0 : i32
        %broadcast_in_dim3A_225 = vector.broadcast %jit3A_223 : i32 to vector<16xi32>
        %broadcast_in_dim3A_226 = vector.broadcast %jit3A_224 : i32 to vector<16xi32>
        %select_n3A_227 = arith.select %ge3A_210, %broadcast_in_dim3A_225, %broadcast_in_dim3A_226 : vector<16xi1>, vector<16xi32>
        %add3A_228 = arith.addi %add3A_222, %select_n3A_227 : vector<16xi32>
        tpu.vector_store_idx %arg4[%add3A_228], %broadcast_in_dim3A_1 {add = true} : memref<102400xf32, #tpu.memory_space<vmem>>[vector<16xi32>], vector<16xf32>,
        %scan3A_229 = arith.constant 6 : i32
        %scan3A_230 = arith.addi %scan3A_74, %scan3A_229 : i32
        %mul3A_231 = arith.constant 16 : i32
        %mul3A_232 = arith.muli %scan3A_230, %mul3A_231 : i32
        %get3A_233 = arith.index_cast %mul3A_232 : i32 to index
        %get3A_234 = tpu.vector_load %arg5[%get3A_233] {strides = array<i32>} : memref<16384xi32, #tpu.memory_space<vmem>>, vector<16xi32>,
        %ge3A_235 = arith.constant 51200 : i32
        %ge3A_236 = vector.broadcast %ge3A_235 : i32 to vector<16xi32>
        %ge3A_237 = arith.cmpi sge, %get3A_234, %ge3A_236 : vector<16xi32>
        %sub3A_238 = arith.constant 51200 : i32
        %sub3A_239 = vector.broadcast %sub3A_238 : i32 to vector<16xi32>
        %sub3A_240 = arith.subi %get3A_234, %sub3A_239 : vector<16xi32>
        %select_n3A_241 = arith.select %ge3A_237, %sub3A_240, %get3A_234 : vector<16xi1>, vector<16xi32>
        %and3A_242 = arith.constant 15 : i32
        %and3A_243 = vector.broadcast %and3A_242 : i32 to vector<16xi32>
        %and3A_244 = arith.andi %select_n3A_241, %and3A_243 : vector<16xi32>
        %sub3A_245 = arith.subi %select_n3A_241, %and3A_244 : vector<16xi32>
        %mul3A_246 = arith.constant 2 : i32
        %mul3A_247 = vector.broadcast %mul3A_246 : i32 to vector<16xi32>
        %mul3A_248 = arith.muli %sub3A_245, %mul3A_247 : vector<16xi32>
        %add3A_249 = arith.addi %mul3A_248, %and3A_244 : vector<16xi32>
        %jit3A_250 = arith.constant 16 : i32
        %jit3A_251 = arith.constant 0 : i32
        %broadcast_in_dim3A_252 = vector.broadcast %jit3A_250 : i32 to vector<16xi32>
        %broadcast_in_dim3A_253 = vector.broadcast %jit3A_251 : i32 to vector<16xi32>
        %select_n3A_254 = arith.select %ge3A_237, %broadcast_in_dim3A_252, %broadcast_in_dim3A_253 : vector<16xi1>, vector<16xi32>
        %add3A_255 = arith.addi %add3A_249, %select_n3A_254 : vector<16xi32>
        tpu.vector_store_idx %arg4[%add3A_255], %broadcast_in_dim3A_1 {add = true} : memref<102400xf32, #tpu.memory_space<vmem>>[vector<16xi32>], vector<16xf32>,
        %scan3A_256 = arith.constant 7 : i32
        %scan3A_257 = arith.addi %scan3A_74, %scan3A_256 : i32
        %mul3A_258 = arith.constant 16 : i32
        %mul3A_259 = arith.muli %scan3A_257, %mul3A_258 : i32
        %get3A_260 = arith.index_cast %mul3A_259 : i32 to index
        %get3A_261 = tpu.vector_load %arg5[%get3A_260] {strides = array<i32>} : memref<16384xi32, #tpu.memory_space<vmem>>, vector<16xi32>,
        %ge3A_262 = arith.constant 51200 : i32
        %ge3A_263 = vector.broadcast %ge3A_262 : i32 to vector<16xi32>
        %ge3A_264 = arith.cmpi sge, %get3A_261, %ge3A_263 : vector<16xi32>
        %sub3A_265 = arith.constant 51200 : i32
        %sub3A_266 = vector.broadcast %sub3A_265 : i32 to vector<16xi32>
        %sub3A_267 = arith.subi %get3A_261, %sub3A_266 : vector<16xi32>
        %select_n3A_268 = arith.select %ge3A_264, %sub3A_267, %get3A_261 : vector<16xi1>, vector<16xi32>
        %and3A_269 = arith.constant 15 : i32
        %and3A_270 = vector.broadcast %and3A_269 : i32 to vector<16xi32>
        %and3A_271 = arith.andi %select_n3A_268, %and3A_270 : vector<16xi32>
        %sub3A_272 = arith.subi %select_n3A_268, %and3A_271 : vector<16xi32>
        %mul3A_273 = arith.constant 2 : i32
        %mul3A_274 = vector.broadcast %mul3A_273 : i32 to vector<16xi32>
        %mul3A_275 = arith.muli %sub3A_272, %mul3A_274 : vector<16xi32>
        %add3A_276 = arith.addi %mul3A_275, %and3A_271 : vector<16xi32>
        %jit3A_277 = arith.constant 16 : i32
        %jit3A_278 = arith.constant 0 : i32
        %broadcast_in_dim3A_279 = vector.broadcast %jit3A_277 : i32 to vector<16xi32>
        %broadcast_in_dim3A_280 = vector.broadcast %jit3A_278 : i32 to vector<16xi32>
        %select_n3A_281 = arith.select %ge3A_264, %broadcast_in_dim3A_279, %broadcast_in_dim3A_280 : vector<16xi1>, vector<16xi32>
        %add3A_282 = arith.addi %add3A_276, %select_n3A_281 : vector<16xi32>
        tpu.vector_store_idx %arg4[%add3A_282], %broadcast_in_dim3A_1 {add = true} : memref<102400xf32, #tpu.memory_space<vmem>>[vector<16xi32>], vector<16xf32>,
      }
      %scan3A_23 = arith.constant 1024 : i32
      %scan3A_24 = arith.constant 0 : i32
      %scan3A_25 = arith.constant 0 : i32
      %scan3A_26 = arith.constant 640 : i32
      %scan3A_27 = arith.addi %scan3A_25, %scan3A_26 : i32
      %scan3A_28 = arith.constant 8 : i32
      scf.for %scan3A_74 = %scan3A_25 to %scan3A_27 step %scan3A_28  : i32 {
        %mul3A_75 = arith.constant 32 : i32
        %mul3A_76 = arith.muli %scan3A_74, %mul3A_75 : i32
        %add3A_77 = arith.constant 0 : i32
        %add3A_78 = arith.addi %add3A_77, %mul3A_76 : i32
        %get3A = arith.index_cast %add3A_78 : i32 to index
        %get3A_79 = tpu.vector_load %arg4[%get3A] {strides = array<i32>} : memref<102400xf32, #tpu.memory_space<vmem>>, vector<16xf32>,
        %add3A_80 = arith.constant 16 : i32
        %add3A_81 = arith.addi %add3A_78, %add3A_80 : i32
        %get3A_82 = arith.index_cast %add3A_81 : i32 to index
        %get3A_83 = tpu.vector_load %arg4[%get3A_82] {strides = array<i32>} : memref<102400xf32, #tpu.memory_space<vmem>>, vector<16xf32>,
        %pack3A = tpu.pack_subelements %get3A_79, %get3A_83 {pack_format = #tpu.pack_format<interleaved>, positions = array<i32: 0, 1>} : vector<16xf32>, vector<16xf32> -> vector<32xbf16>
        %bitcast3A = vector.bitcast %pack3A : vector<32xbf16> to vector<16xf32>
        %mul3A_84 = arith.constant 16 : i32
        %mul3A_85 = arith.muli %scan3A_74, %mul3A_84 : i32
        %swap3A = arith.index_cast %mul3A_85 : i32 to index
        %swap3A_86 = tpu.vector_load %arg6[%swap3A] {strides = array<i32>} : memref<10240xf32, #tpu.memory_space<vmem>>, vector<16xf32>,
        tpu.vector_store %arg6[%swap3A], %bitcast3A {strides = array<i32>} : memref<10240xf32, #tpu.memory_space<vmem>>, vector<16xf32>,
        %scan3A_87 = arith.constant 1 : i32
        %scan3A_88 = arith.addi %scan3A_74, %scan3A_87 : i32
        %mul3A_89 = arith.constant 32 : i32
        %mul3A_90 = arith.muli %scan3A_88, %mul3A_89 : i32
        %add3A_91 = arith.constant 0 : i32
        %add3A_92 = arith.addi %add3A_91, %mul3A_90 : i32
        %get3A_93 = arith.index_cast %add3A_92 : i32 to index
        %get3A_94 = tpu.vector_load %arg4[%get3A_93] {strides = array<i32>} : memref<102400xf32, #tpu.memory_space<vmem>>, vector<16xf32>,
        %add3A_95 = arith.constant 16 : i32
        %add3A_96 = arith.addi %add3A_92, %add3A_95 : i32
        %get3A_97 = arith.index_cast %add3A_96 : i32 to index
        %get3A_98 = tpu.vector_load %arg4[%get3A_97] {strides = array<i32>} : memref<102400xf32, #tpu.memory_space<vmem>>, vector<16xf32>,
        %pack3A_99 = tpu.pack_subelements %get3A_94, %get3A_98 {pack_format = #tpu.pack_format<interleaved>, positions = array<i32: 0, 1>} : vector<16xf32>, vector<16xf32> -> vector<32xbf16>
        %bitcast3A_100 = vector.bitcast %pack3A_99 : vector<32xbf16> to vector<16xf32>
        %mul3A_101 = arith.constant 16 : i32
        %mul3A_102 = arith.muli %scan3A_88, %mul3A_101 : i32
        %swap3A_103 = arith.index_cast %mul3A_102 : i32 to index
        %swap3A_104 = tpu.vector_load %arg6[%swap3A_103] {strides = array<i32>} : memref<10240xf32, #tpu.memory_space<vmem>>, vector<16xf32>,
        tpu.vector_store %arg6[%swap3A_103], %bitcast3A_100 {strides = array<i32>} : memref<10240xf32, #tpu.memory_space<vmem>>, vector<16xf32>,
        %scan3A_105 = arith.constant 2 : i32
        %scan3A_106 = arith.addi %scan3A_74, %scan3A_105 : i32
        %mul3A_107 = arith.constant 32 : i32
        %mul3A_108 = arith.muli %scan3A_106, %mul3A_107 : i32
        %add3A_109 = arith.constant 0 : i32
        %add3A_110 = arith.addi %add3A_109, %mul3A_108 : i32
        %get3A_111 = arith.index_cast %add3A_110 : i32 to index
        %get3A_112 = tpu.vector_load %arg4[%get3A_111] {strides = array<i32>} : memref<102400xf32, #tpu.memory_space<vmem>>, vector<16xf32>,
        %add3A_113 = arith.constant 16 : i32
        %add3A_114 = arith.addi %add3A_110, %add3A_113 : i32
        %get3A_115 = arith.index_cast %add3A_114 : i32 to index
        %get3A_116 = tpu.vector_load %arg4[%get3A_115] {strides = array<i32>} : memref<102400xf32, #tpu.memory_space<vmem>>, vector<16xf32>,
        %pack3A_117 = tpu.pack_subelements %get3A_112, %get3A_116 {pack_format = #tpu.pack_format<interleaved>, positions = array<i32: 0, 1>} : vector<16xf32>, vector<16xf32> -> vector<32xbf16>
        %bitcast3A_118 = vector.bitcast %pack3A_117 : vector<32xbf16> to vector<16xf32>
        %mul3A_119 = arith.constant 16 : i32
        %mul3A_120 = arith.muli %scan3A_106, %mul3A_119 : i32
        %swap3A_121 = arith.index_cast %mul3A_120 : i32 to index
        %swap3A_122 = tpu.vector_load %arg6[%swap3A_121] {strides = array<i32>} : memref<10240xf32, #tpu.memory_space<vmem>>, vector<16xf32>,
        tpu.vector_store %arg6[%swap3A_121], %bitcast3A_118 {strides = array<i32>} : memref<10240xf32, #tpu.memory_space<vmem>>, vector<16xf32>,
        %scan3A_123 = arith.constant 3 : i32
        %scan3A_124 = arith.addi %scan3A_74, %scan3A_123 : i32
        %mul3A_125 = arith.constant 32 : i32
        %mul3A_126 = arith.muli %scan3A_124, %mul3A_125 : i32
        %add3A_127 = arith.constant 0 : i32
        %add3A_128 = arith.addi %add3A_127, %mul3A_126 : i32
        %get3A_129 = arith.index_cast %add3A_128 : i32 to index
        %get3A_130 = tpu.vector_load %arg4[%get3A_129] {strides = array<i32>} : memref<102400xf32, #tpu.memory_space<vmem>>, vector<16xf32>,
        %add3A_131 = arith.constant 16 : i32
        %add3A_132 = arith.addi %add3A_128, %add3A_131 : i32
        %get3A_133 = arith.index_cast %add3A_132 : i32 to index
        %get3A_134 = tpu.vector_load %arg4[%get3A_133] {strides = array<i32>} : memref<102400xf32, #tpu.memory_space<vmem>>, vector<16xf32>,
        %pack3A_135 = tpu.pack_subelements %get3A_130, %get3A_134 {pack_format = #tpu.pack_format<interleaved>, positions = array<i32: 0, 1>} : vector<16xf32>, vector<16xf32> -> vector<32xbf16>
        %bitcast3A_136 = vector.bitcast %pack3A_135 : vector<32xbf16> to vector<16xf32>
        %mul3A_137 = arith.constant 16 : i32
        %mul3A_138 = arith.muli %scan3A_124, %mul3A_137 : i32
        %swap3A_139 = arith.index_cast %mul3A_138 : i32 to index
        %swap3A_140 = tpu.vector_load %arg6[%swap3A_139] {strides = array<i32>} : memref<10240xf32, #tpu.memory_space<vmem>>, vector<16xf32>,
        tpu.vector_store %arg6[%swap3A_139], %bitcast3A_136 {strides = array<i32>} : memref<10240xf32, #tpu.memory_space<vmem>>, vector<16xf32>,
        %scan3A_141 = arith.constant 4 : i32
        %scan3A_142 = arith.addi %scan3A_74, %scan3A_141 : i32
        %mul3A_143 = arith.constant 32 : i32
        %mul3A_144 = arith.muli %scan3A_142, %mul3A_143 : i32
        %add3A_145 = arith.constant 0 : i32
        %add3A_146 = arith.addi %add3A_145, %mul3A_144 : i32
        %get3A_147 = arith.index_cast %add3A_146 : i32 to index
        %get3A_148 = tpu.vector_load %arg4[%get3A_147] {strides = array<i32>} : memref<102400xf32, #tpu.memory_space<vmem>>, vector<16xf32>,
        %add3A_149 = arith.constant 16 : i32
        %add3A_150 = arith.addi %add3A_146, %add3A_149 : i32
        %get3A_151 = arith.index_cast %add3A_150 : i32 to index
        %get3A_152 = tpu.vector_load %arg4[%get3A_151] {strides = array<i32>} : memref<102400xf32, #tpu.memory_space<vmem>>, vector<16xf32>,
        %pack3A_153 = tpu.pack_subelements %get3A_148, %get3A_152 {pack_format = #tpu.pack_format<interleaved>, positions = array<i32: 0, 1>} : vector<16xf32>, vector<16xf32> -> vector<32xbf16>
        %bitcast3A_154 = vector.bitcast %pack3A_153 : vector<32xbf16> to vector<16xf32>
        %mul3A_155 = arith.constant 16 : i32
        %mul3A_156 = arith.muli %scan3A_142, %mul3A_155 : i32
        %swap3A_157 = arith.index_cast %mul3A_156 : i32 to index
        %swap3A_158 = tpu.vector_load %arg6[%swap3A_157] {strides = array<i32>} : memref<10240xf32, #tpu.memory_space<vmem>>, vector<16xf32>,
        tpu.vector_store %arg6[%swap3A_157], %bitcast3A_154 {strides = array<i32>} : memref<10240xf32, #tpu.memory_space<vmem>>, vector<16xf32>,
        %scan3A_159 = arith.constant 5 : i32
        %scan3A_160 = arith.addi %scan3A_74, %scan3A_159 : i32
        %mul3A_161 = arith.constant 32 : i32
        %mul3A_162 = arith.muli %scan3A_160, %mul3A_161 : i32
        %add3A_163 = arith.constant 0 : i32
        %add3A_164 = arith.addi %add3A_163, %mul3A_162 : i32
        %get3A_165 = arith.index_cast %add3A_164 : i32 to index
        %get3A_166 = tpu.vector_load %arg4[%get3A_165] {strides = array<i32>} : memref<102400xf32, #tpu.memory_space<vmem>>, vector<16xf32>,
        %add3A_167 = arith.constant 16 : i32
        %add3A_168 = arith.addi %add3A_164, %add3A_167 : i32
        %get3A_169 = arith.index_cast %add3A_168 : i32 to index
        %get3A_170 = tpu.vector_load %arg4[%get3A_169] {strides = array<i32>} : memref<102400xf32, #tpu.memory_space<vmem>>, vector<16xf32>,
        %pack3A_171 = tpu.pack_subelements %get3A_166, %get3A_170 {pack_format = #tpu.pack_format<interleaved>, positions = array<i32: 0, 1>} : vector<16xf32>, vector<16xf32> -> vector<32xbf16>
        %bitcast3A_172 = vector.bitcast %pack3A_171 : vector<32xbf16> to vector<16xf32>
        %mul3A_173 = arith.constant 16 : i32
        %mul3A_174 = arith.muli %scan3A_160, %mul3A_173 : i32
        %swap3A_175 = arith.index_cast %mul3A_174 : i32 to index
        %swap3A_176 = tpu.vector_load %arg6[%swap3A_175] {strides = array<i32>} : memref<10240xf32, #tpu.memory_space<vmem>>, vector<16xf32>,
        tpu.vector_store %arg6[%swap3A_175], %bitcast3A_172 {strides = array<i32>} : memref<10240xf32, #tpu.memory_space<vmem>>, vector<16xf32>,
        %scan3A_177 = arith.constant 6 : i32
        %scan3A_178 = arith.addi %scan3A_74, %scan3A_177 : i32
        %mul3A_179 = arith.constant 32 : i32
        %mul3A_180 = arith.muli %scan3A_178, %mul3A_179 : i32
        %add3A_181 = arith.constant 0 : i32
        %add3A_182 = arith.addi %add3A_181, %mul3A_180 : i32
        %get3A_183 = arith.index_cast %add3A_182 : i32 to index
        %get3A_184 = tpu.vector_load %arg4[%get3A_183] {strides = array<i32>} : memref<102400xf32, #tpu.memory_space<vmem>>, vector<16xf32>,
        %add3A_185 = arith.constant 16 : i32
        %add3A_186 = arith.addi %add3A_182, %add3A_185 : i32
        %get3A_187 = arith.index_cast %add3A_186 : i32 to index
        %get3A_188 = tpu.vector_load %arg4[%get3A_187] {strides = array<i32>} : memref<102400xf32, #tpu.memory_space<vmem>>, vector<16xf32>,
        %pack3A_189 = tpu.pack_subelements %get3A_184, %get3A_188 {pack_format = #tpu.pack_format<interleaved>, positions = array<i32: 0, 1>} : vector<16xf32>, vector<16xf32> -> vector<32xbf16>
        %bitcast3A_190 = vector.bitcast %pack3A_189 : vector<32xbf16> to vector<16xf32>
        %mul3A_191 = arith.constant 16 : i32
        %mul3A_192 = arith.muli %scan3A_178, %mul3A_191 : i32
        %swap3A_193 = arith.index_cast %mul3A_192 : i32 to index
        %swap3A_194 = tpu.vector_load %arg6[%swap3A_193] {strides = array<i32>} : memref<10240xf32, #tpu.memory_space<vmem>>, vector<16xf32>,
        tpu.vector_store %arg6[%swap3A_193], %bitcast3A_190 {strides = array<i32>} : memref<10240xf32, #tpu.memory_space<vmem>>, vector<16xf32>,
        %scan3A_195 = arith.constant 7 : i32
        %scan3A_196 = arith.addi %scan3A_74, %scan3A_195 : i32
        %mul3A_197 = arith.constant 32 : i32
        %mul3A_198 = arith.muli %scan3A_196, %mul3A_197 : i32
        %add3A_199 = arith.constant 0 : i32
        %add3A_200 = arith.addi %add3A_199, %mul3A_198 : i32
        %get3A_201 = arith.index_cast %add3A_200 : i32 to index
        %get3A_202 = tpu.vector_load %arg4[%get3A_201] {strides = array<i32>} : memref<102400xf32, #tpu.memory_space<vmem>>, vector<16xf32>,
        %add3A_203 = arith.constant 16 : i32
        %add3A_204 = arith.addi %add3A_200, %add3A_203 : i32
        %get3A_205 = arith.index_cast %add3A_204 : i32 to index
        %get3A_206 = tpu.vector_load %arg4[%get3A_205] {strides = array<i32>} : memref<102400xf32, #tpu.memory_space<vmem>>, vector<16xf32>,
        %pack3A_207 = tpu.pack_subelements %get3A_202, %get3A_206 {pack_format = #tpu.pack_format<interleaved>, positions = array<i32: 0, 1>} : vector<16xf32>, vector<16xf32> -> vector<32xbf16>
        %bitcast3A_208 = vector.bitcast %pack3A_207 : vector<32xbf16> to vector<16xf32>
        %mul3A_209 = arith.constant 16 : i32
        %mul3A_210 = arith.muli %scan3A_196, %mul3A_209 : i32
        %swap3A_211 = arith.index_cast %mul3A_210 : i32 to index
        %swap3A_212 = tpu.vector_load %arg6[%swap3A_211] {strides = array<i32>} : memref<10240xf32, #tpu.memory_space<vmem>>, vector<16xf32>,
        tpu.vector_store %arg6[%swap3A_211], %bitcast3A_208 {strides = array<i32>} : memref<10240xf32, #tpu.memory_space<vmem>>, vector<16xf32>,
      }
      %scan3A_29 = arith.constant 640 : i32
      %mul3A_30 = arith.constant 51200 : i32
      %mul3A_31 = arith.muli %add3A_9, %mul3A_30 : i32
      %add3A_32 = arith.constant 0 : i32
      %add3A_33 = arith.addi %mul3A_31, %add3A_32 : i32
      "tpu.region"() ({
        %run_scoped3A = tpu.sem_alloc : memref<!tpu.dma_semaphore, #tpu.memory_space<semaphore_mem>>
        %dma_start3A_74 = tpu.memref_slice %arg3[%add3A_33] : memref<2560000xf32, #tpu.memory_space<hbm>> -> memref<10240xf32, #tpu.memory_space<hbm>>
        %dma_start3A_75 = tpu.memref_slice %arg3[%add3A_33] : memref<2560000xf32, #tpu.memory_space<hbm>> -> memref<10240xf32, #tpu.memory_space<hbm>>
        tpu.enqueue_dma source(%arg6 : memref<10240xf32, #tpu.memory_space<vmem>>) target(%dma_start3A_75 : memref<10240xf32, #tpu.memory_space<hbm>>) target_semaphore(%run_scoped3A : memref<!tpu.dma_semaphore, #tpu.memory_space<semaphore_mem>>)
        %dma_wait3A_76 = tpu.memref_slice %arg3[%add3A_33] : memref<2560000xf32, #tpu.memory_space<hbm>> -> memref<10240xf32, #tpu.memory_space<hbm>>
        %dma_wait3A_77 = tpu.memref_slice %arg3[%add3A_33] : memref<2560000xf32, #tpu.memory_space<hbm>> -> memref<10240xf32, #tpu.memory_space<hbm>>
        tpu.wait_dma2 semaphore(%run_scoped3A : memref<!tpu.dma_semaphore, #tpu.memory_space<semaphore_mem>>) src(%arg6 : memref<10240xf32, #tpu.memory_space<vmem>>) dst(%dma_wait3A_77 : memref<10240xf32, #tpu.memory_space<hbm>>)
        tpu.yield
      }) : () -> ()
      %scan3A_34 = arith.constant 0 : i32
      %scan3A_35 = arith.constant 0 : i32
      %scan3A_36 = arith.constant 640 : i32
      %scan3A_37 = arith.addi %scan3A_35, %scan3A_36 : i32
      %scan3A_38 = arith.constant 8 : i32
      scf.for %scan3A_74 = %scan3A_35 to %scan3A_37 step %scan3A_38  : i32 {
        %mul3A_75 = arith.constant 32 : i32
        %mul3A_76 = arith.muli %scan3A_74, %mul3A_75 : i32
        %add3A_77 = arith.constant 20480 : i32
        %add3A_78 = arith.addi %add3A_77, %mul3A_76 : i32
        %get3A = arith.index_cast %add3A_78 : i32 to index
        %get3A_79 = tpu.vector_load %arg4[%get3A] {strides = array<i32>} : memref<102400xf32, #tpu.memory_space<vmem>>, vector<16xf32>,
        %add3A_80 = arith.constant 16 : i32
        %add3A_81 = arith.addi %add3A_78, %add3A_80 : i32
        %get3A_82 = arith.index_cast %add3A_81 : i32 to index
        %get3A_83 = tpu.vector_load %arg4[%get3A_82] {strides = array<i32>} : memref<102400xf32, #tpu.memory_space<vmem>>, vector<16xf32>,
        %pack3A = tpu.pack_subelements %get3A_79, %get3A_83 {pack_format = #tpu.pack_format<interleaved>, positions = array<i32: 0, 1>} : vector<16xf32>, vector<16xf32> -> vector<32xbf16>
        %bitcast3A = vector.bitcast %pack3A : vector<32xbf16> to vector<16xf32>
        %mul3A_84 = arith.constant 16 : i32
        %mul3A_85 = arith.muli %scan3A_74, %mul3A_84 : i32
        %swap3A = arith.index_cast %mul3A_85 : i32 to index
        %swap3A_86 = tpu.vector_load %arg6[%swap3A] {strides = array<i32>} : memref<10240xf32, #tpu.memory_space<vmem>>, vector<16xf32>,
        tpu.vector_store %arg6[%swap3A], %bitcast3A {strides = array<i32>} : memref<10240xf32, #tpu.memory_space<vmem>>, vector<16xf32>,
        %scan3A_87 = arith.constant 1 : i32
        %scan3A_88 = arith.addi %scan3A_74, %scan3A_87 : i32
        %mul3A_89 = arith.constant 32 : i32
        %mul3A_90 = arith.muli %scan3A_88, %mul3A_89 : i32
        %add3A_91 = arith.constant 20480 : i32
        %add3A_92 = arith.addi %add3A_91, %mul3A_90 : i32
        %get3A_93 = arith.index_cast %add3A_92 : i32 to index
        %get3A_94 = tpu.vector_load %arg4[%get3A_93] {strides = array<i32>} : memref<102400xf32, #tpu.memory_space<vmem>>, vector<16xf32>,
        %add3A_95 = arith.constant 16 : i32
        %add3A_96 = arith.addi %add3A_92, %add3A_95 : i32
        %get3A_97 = arith.index_cast %add3A_96 : i32 to index
        %get3A_98 = tpu.vector_load %arg4[%get3A_97] {strides = array<i32>} : memref<102400xf32, #tpu.memory_space<vmem>>, vector<16xf32>,
        %pack3A_99 = tpu.pack_subelements %get3A_94, %get3A_98 {pack_format = #tpu.pack_format<interleaved>, positions = array<i32: 0, 1>} : vector<16xf32>, vector<16xf32> -> vector<32xbf16>
        %bitcast3A_100 = vector.bitcast %pack3A_99 : vector<32xbf16> to vector<16xf32>
        %mul3A_101 = arith.constant 16 : i32
        %mul3A_102 = arith.muli %scan3A_88, %mul3A_101 : i32
        %swap3A_103 = arith.index_cast %mul3A_102 : i32 to index
        %swap3A_104 = tpu.vector_load %arg6[%swap3A_103] {strides = array<i32>} : memref<10240xf32, #tpu.memory_space<vmem>>, vector<16xf32>,
        tpu.vector_store %arg6[%swap3A_103], %bitcast3A_100 {strides = array<i32>} : memref<10240xf32, #tpu.memory_space<vmem>>, vector<16xf32>,
        %scan3A_105 = arith.constant 2 : i32
        %scan3A_106 = arith.addi %scan3A_74, %scan3A_105 : i32
        %mul3A_107 = arith.constant 32 : i32
        %mul3A_108 = arith.muli %scan3A_106, %mul3A_107 : i32
        %add3A_109 = arith.constant 20480 : i32
        %add3A_110 = arith.addi %add3A_109, %mul3A_108 : i32
        %get3A_111 = arith.index_cast %add3A_110 : i32 to index
        %get3A_112 = tpu.vector_load %arg4[%get3A_111] {strides = array<i32>} : memref<102400xf32, #tpu.memory_space<vmem>>, vector<16xf32>,
        %add3A_113 = arith.constant 16 : i32
        %add3A_114 = arith.addi %add3A_110, %add3A_113 : i32
        %get3A_115 = arith.index_cast %add3A_114 : i32 to index
        %get3A_116 = tpu.vector_load %arg4[%get3A_115] {strides = array<i32>} : memref<102400xf32, #tpu.memory_space<vmem>>, vector<16xf32>,
        %pack3A_117 = tpu.pack_subelements %get3A_112, %get3A_116 {pack_format = #tpu.pack_format<interleaved>, positions = array<i32: 0, 1>} : vector<16xf32>, vector<16xf32> -> vector<32xbf16>
        %bitcast3A_118 = vector.bitcast %pack3A_117 : vector<32xbf16> to vector<16xf32>
        %mul3A_119 = arith.constant 16 : i32
        %mul3A_120 = arith.muli %scan3A_106, %mul3A_119 : i32
        %swap3A_121 = arith.index_cast %mul3A_120 : i32 to index
        %swap3A_122 = tpu.vector_load %arg6[%swap3A_121] {strides = array<i32>} : memref<10240xf32, #tpu.memory_space<vmem>>, vector<16xf32>,
        tpu.vector_store %arg6[%swap3A_121], %bitcast3A_118 {strides = array<i32>} : memref<10240xf32, #tpu.memory_space<vmem>>, vector<16xf32>,
        %scan3A_123 = arith.constant 3 : i32
        %scan3A_124 = arith.addi %scan3A_74, %scan3A_123 : i32
        %mul3A_125 = arith.constant 32 : i32
        %mul3A_126 = arith.muli %scan3A_124, %mul3A_125 : i32
        %add3A_127 = arith.constant 20480 : i32
        %add3A_128 = arith.addi %add3A_127, %mul3A_126 : i32
        %get3A_129 = arith.index_cast %add3A_128 : i32 to index
        %get3A_130 = tpu.vector_load %arg4[%get3A_129] {strides = array<i32>} : memref<102400xf32, #tpu.memory_space<vmem>>, vector<16xf32>,
        %add3A_131 = arith.constant 16 : i32
        %add3A_132 = arith.addi %add3A_128, %add3A_131 : i32
        %get3A_133 = arith.index_cast %add3A_132 : i32 to index
        %get3A_134 = tpu.vector_load %arg4[%get3A_133] {strides = array<i32>} : memref<102400xf32, #tpu.memory_space<vmem>>, vector<16xf32>,
        %pack3A_135 = tpu.pack_subelements %get3A_130, %get3A_134 {pack_format = #tpu.pack_format<interleaved>, positions = array<i32: 0, 1>} : vector<16xf32>, vector<16xf32> -> vector<32xbf16>
        %bitcast3A_136 = vector.bitcast %pack3A_135 : vector<32xbf16> to vector<16xf32>
        %mul3A_137 = arith.constant 16 : i32
        %mul3A_138 = arith.muli %scan3A_124, %mul3A_137 : i32
        %swap3A_139 = arith.index_cast %mul3A_138 : i32 to index
        %swap3A_140 = tpu.vector_load %arg6[%swap3A_139] {strides = array<i32>} : memref<10240xf32, #tpu.memory_space<vmem>>, vector<16xf32>,
        tpu.vector_store %arg6[%swap3A_139], %bitcast3A_136 {strides = array<i32>} : memref<10240xf32, #tpu.memory_space<vmem>>, vector<16xf32>,
        %scan3A_141 = arith.constant 4 : i32
        %scan3A_142 = arith.addi %scan3A_74, %scan3A_141 : i32
        %mul3A_143 = arith.constant 32 : i32
        %mul3A_144 = arith.muli %scan3A_142, %mul3A_143 : i32
        %add3A_145 = arith.constant 20480 : i32
        %add3A_146 = arith.addi %add3A_145, %mul3A_144 : i32
        %get3A_147 = arith.index_cast %add3A_146 : i32 to index
        %get3A_148 = tpu.vector_load %arg4[%get3A_147] {strides = array<i32>} : memref<102400xf32, #tpu.memory_space<vmem>>, vector<16xf32>,
        %add3A_149 = arith.constant 16 : i32
        %add3A_150 = arith.addi %add3A_146, %add3A_149 : i32
        %get3A_151 = arith.index_cast %add3A_150 : i32 to index
        %get3A_152 = tpu.vector_load %arg4[%get3A_151] {strides = array<i32>} : memref<102400xf32, #tpu.memory_space<vmem>>, vector<16xf32>,
        %pack3A_153 = tpu.pack_subelements %get3A_148, %get3A_152 {pack_format = #tpu.pack_format<interleaved>, positions = array<i32: 0, 1>} : vector<16xf32>, vector<16xf32> -> vector<32xbf16>
        %bitcast3A_154 = vector.bitcast %pack3A_153 : vector<32xbf16> to vector<16xf32>
        %mul3A_155 = arith.constant 16 : i32
        %mul3A_156 = arith.muli %scan3A_142, %mul3A_155 : i32
        %swap3A_157 = arith.index_cast %mul3A_156 : i32 to index
        %swap3A_158 = tpu.vector_load %arg6[%swap3A_157] {strides = array<i32>} : memref<10240xf32, #tpu.memory_space<vmem>>, vector<16xf32>,
        tpu.vector_store %arg6[%swap3A_157], %bitcast3A_154 {strides = array<i32>} : memref<10240xf32, #tpu.memory_space<vmem>>, vector<16xf32>,
        %scan3A_159 = arith.constant 5 : i32
        %scan3A_160 = arith.addi %scan3A_74, %scan3A_159 : i32
        %mul3A_161 = arith.constant 32 : i32
        %mul3A_162 = arith.muli %scan3A_160, %mul3A_161 : i32
        %add3A_163 = arith.constant 20480 : i32
        %add3A_164 = arith.addi %add3A_163, %mul3A_162 : i32
        %get3A_165 = arith.index_cast %add3A_164 : i32 to index
        %get3A_166 = tpu.vector_load %arg4[%get3A_165] {strides = array<i32>} : memref<102400xf32, #tpu.memory_space<vmem>>, vector<16xf32>,
        %add3A_167 = arith.constant 16 : i32
        %add3A_168 = arith.addi %add3A_164, %add3A_167 : i32
        %get3A_169 = arith.index_cast %add3A_168 : i32 to index
        %get3A_170 = tpu.vector_load %arg4[%get3A_169] {strides = array<i32>} : memref<102400xf32, #tpu.memory_space<vmem>>, vector<16xf32>,
        %pack3A_171 = tpu.pack_subelements %get3A_166, %get3A_170 {pack_format = #tpu.pack_format<interleaved>, positions = array<i32: 0, 1>} : vector<16xf32>, vector<16xf32> -> vector<32xbf16>
        %bitcast3A_172 = vector.bitcast %pack3A_171 : vector<32xbf16> to vector<16xf32>
        %mul3A_173 = arith.constant 16 : i32
        %mul3A_174 = arith.muli %scan3A_160, %mul3A_173 : i32
        %swap3A_175 = arith.index_cast %mul3A_174 : i32 to index
        %swap3A_176 = tpu.vector_load %arg6[%swap3A_175] {strides = array<i32>} : memref<10240xf32, #tpu.memory_space<vmem>>, vector<16xf32>,
        tpu.vector_store %arg6[%swap3A_175], %bitcast3A_172 {strides = array<i32>} : memref<10240xf32, #tpu.memory_space<vmem>>, vector<16xf32>,
        %scan3A_177 = arith.constant 6 : i32
        %scan3A_178 = arith.addi %scan3A_74, %scan3A_177 : i32
        %mul3A_179 = arith.constant 32 : i32
        %mul3A_180 = arith.muli %scan3A_178, %mul3A_179 : i32
        %add3A_181 = arith.constant 20480 : i32
        %add3A_182 = arith.addi %add3A_181, %mul3A_180 : i32
        %get3A_183 = arith.index_cast %add3A_182 : i32 to index
        %get3A_184 = tpu.vector_load %arg4[%get3A_183] {strides = array<i32>} : memref<102400xf32, #tpu.memory_space<vmem>>, vector<16xf32>,
        %add3A_185 = arith.constant 16 : i32
        %add3A_186 = arith.addi %add3A_182, %add3A_185 : i32
        %get3A_187 = arith.index_cast %add3A_186 : i32 to index
        %get3A_188 = tpu.vector_load %arg4[%get3A_187] {strides = array<i32>} : memref<102400xf32, #tpu.memory_space<vmem>>, vector<16xf32>,
        %pack3A_189 = tpu.pack_subelements %get3A_184, %get3A_188 {pack_format = #tpu.pack_format<interleaved>, positions = array<i32: 0, 1>} : vector<16xf32>, vector<16xf32> -> vector<32xbf16>
        %bitcast3A_190 = vector.bitcast %pack3A_189 : vector<32xbf16> to vector<16xf32>
        %mul3A_191 = arith.constant 16 : i32
        %mul3A_192 = arith.muli %scan3A_178, %mul3A_191 : i32
        %swap3A_193 = arith.index_cast %mul3A_192 : i32 to index
        %swap3A_194 = tpu.vector_load %arg6[%swap3A_193] {strides = array<i32>} : memref<10240xf32, #tpu.memory_space<vmem>>, vector<16xf32>,
        tpu.vector_store %arg6[%swap3A_193], %bitcast3A_190 {strides = array<i32>} : memref<10240xf32, #tpu.memory_space<vmem>>, vector<16xf32>,
        %scan3A_195 = arith.constant 7 : i32
        %scan3A_196 = arith.addi %scan3A_74, %scan3A_195 : i32
        %mul3A_197 = arith.constant 32 : i32
        %mul3A_198 = arith.muli %scan3A_196, %mul3A_197 : i32
        %add3A_199 = arith.constant 20480 : i32
        %add3A_200 = arith.addi %add3A_199, %mul3A_198 : i32
        %get3A_201 = arith.index_cast %add3A_200 : i32 to index
        %get3A_202 = tpu.vector_load %arg4[%get3A_201] {strides = array<i32>} : memref<102400xf32, #tpu.memory_space<vmem>>, vector<16xf32>,
        %add3A_203 = arith.constant 16 : i32
        %add3A_204 = arith.addi %add3A_200, %add3A_203 : i32
        %get3A_205 = arith.index_cast %add3A_204 : i32 to index
        %get3A_206 = tpu.vector_load %arg4[%get3A_205] {strides = array<i32>} : memref<102400xf32, #tpu.memory_space<vmem>>, vector<16xf32>,
        %pack3A_207 = tpu.pack_subelements %get3A_202, %get3A_206 {pack_format = #tpu.pack_format<interleaved>, positions = array<i32: 0, 1>} : vector<16xf32>, vector<16xf32> -> vector<32xbf16>
        %bitcast3A_208 = vector.bitcast %pack3A_207 : vector<32xbf16> to vector<16xf32>
        %mul3A_209 = arith.constant 16 : i32
        %mul3A_210 = arith.muli %scan3A_196, %mul3A_209 : i32
        %swap3A_211 = arith.index_cast %mul3A_210 : i32 to index
        %swap3A_212 = tpu.vector_load %arg6[%swap3A_211] {strides = array<i32>} : memref<10240xf32, #tpu.memory_space<vmem>>, vector<16xf32>,
        tpu.vector_store %arg6[%swap3A_211], %bitcast3A_208 {strides = array<i32>} : memref<10240xf32, #tpu.memory_space<vmem>>, vector<16xf32>,
      }
      %scan3A_39 = arith.constant 640 : i32
      %mul3A_40 = arith.constant 51200 : i32
      %mul3A_41 = arith.muli %add3A_9, %mul3A_40 : i32
      %add3A_42 = arith.constant 10240 : i32
      %add3A_43 = arith.addi %mul3A_41, %add3A_42 : i32
      "tpu.region"() ({
        %run_scoped3A = tpu.sem_alloc : memref<!tpu.dma_semaphore, #tpu.memory_space<semaphore_mem>>
        %dma_start3A_74 = tpu.memref_slice %arg3[%add3A_43] : memref<2560000xf32, #tpu.memory_space<hbm>> -> memref<10240xf32, #tpu.memory_space<hbm>>
        %dma_start3A_75 = tpu.memref_slice %arg3[%add3A_43] : memref<2560000xf32, #tpu.memory_space<hbm>> -> memref<10240xf32, #tpu.memory_space<hbm>>
        tpu.enqueue_dma source(%arg6 : memref<10240xf32, #tpu.memory_space<vmem>>) target(%dma_start3A_75 : memref<10240xf32, #tpu.memory_space<hbm>>) target_semaphore(%run_scoped3A : memref<!tpu.dma_semaphore, #tpu.memory_space<semaphore_mem>>)
        %dma_wait3A_76 = tpu.memref_slice %arg3[%add3A_43] : memref<2560000xf32, #tpu.memory_space<hbm>> -> memref<10240xf32, #tpu.memory_space<hbm>>
        %dma_wait3A_77 = tpu.memref_slice %arg3[%add3A_43] : memref<2560000xf32, #tpu.memory_space<hbm>> -> memref<10240xf32, #tpu.memory_space<hbm>>
        tpu.wait_dma2 semaphore(%run_scoped3A : memref<!tpu.dma_semaphore, #tpu.memory_space<semaphore_mem>>) src(%arg6 : memref<10240xf32, #tpu.memory_space<vmem>>) dst(%dma_wait3A_77 : memref<10240xf32, #tpu.memory_space<hbm>>)
        tpu.yield
      }) : () -> ()
      %scan3A_44 = arith.constant 0 : i32
      %scan3A_45 = arith.constant 0 : i32
      %scan3A_46 = arith.constant 640 : i32
      %scan3A_47 = arith.addi %scan3A_45, %scan3A_46 : i32
      %scan3A_48 = arith.constant 8 : i32
      scf.for %scan3A_74 = %scan3A_45 to %scan3A_47 step %scan3A_48  : i32 {
        %mul3A_75 = arith.constant 32 : i32
        %mul3A_76 = arith.muli %scan3A_74, %mul3A_75 : i32
        %add3A_77 = arith.constant 40960 : i32
        %add3A_78 = arith.addi %add3A_77, %mul3A_76 : i32
        %get3A = arith.index_cast %add3A_78 : i32 to index
        %get3A_79 = tpu.vector_load %arg4[%get3A] {strides = array<i32>} : memref<102400xf32, #tpu.memory_space<vmem>>, vector<16xf32>,
        %add3A_80 = arith.constant 16 : i32
        %add3A_81 = arith.addi %add3A_78, %add3A_80 : i32
        %get3A_82 = arith.index_cast %add3A_81 : i32 to index
        %get3A_83 = tpu.vector_load %arg4[%get3A_82] {strides = array<i32>} : memref<102400xf32, #tpu.memory_space<vmem>>, vector<16xf32>,
        %pack3A = tpu.pack_subelements %get3A_79, %get3A_83 {pack_format = #tpu.pack_format<interleaved>, positions = array<i32: 0, 1>} : vector<16xf32>, vector<16xf32> -> vector<32xbf16>
        %bitcast3A = vector.bitcast %pack3A : vector<32xbf16> to vector<16xf32>
        %mul3A_84 = arith.constant 16 : i32
        %mul3A_85 = arith.muli %scan3A_74, %mul3A_84 : i32
        %swap3A = arith.index_cast %mul3A_85 : i32 to index
        %swap3A_86 = tpu.vector_load %arg6[%swap3A] {strides = array<i32>} : memref<10240xf32, #tpu.memory_space<vmem>>, vector<16xf32>,
        tpu.vector_store %arg6[%swap3A], %bitcast3A {strides = array<i32>} : memref<10240xf32, #tpu.memory_space<vmem>>, vector<16xf32>,
        %scan3A_87 = arith.constant 1 : i32
        %scan3A_88 = arith.addi %scan3A_74, %scan3A_87 : i32
        %mul3A_89 = arith.constant 32 : i32
        %mul3A_90 = arith.muli %scan3A_88, %mul3A_89 : i32
        %add3A_91 = arith.constant 40960 : i32
        %add3A_92 = arith.addi %add3A_91, %mul3A_90 : i32
        %get3A_93 = arith.index_cast %add3A_92 : i32 to index
        %get3A_94 = tpu.vector_load %arg4[%get3A_93] {strides = array<i32>} : memref<102400xf32, #tpu.memory_space<vmem>>, vector<16xf32>,
        %add3A_95 = arith.constant 16 : i32
        %add3A_96 = arith.addi %add3A_92, %add3A_95 : i32
        %get3A_97 = arith.index_cast %add3A_96 : i32 to index
        %get3A_98 = tpu.vector_load %arg4[%get3A_97] {strides = array<i32>} : memref<102400xf32, #tpu.memory_space<vmem>>, vector<16xf32>,
        %pack3A_99 = tpu.pack_subelements %get3A_94, %get3A_98 {pack_format = #tpu.pack_format<interleaved>, positions = array<i32: 0, 1>} : vector<16xf32>, vector<16xf32> -> vector<32xbf16>
        %bitcast3A_100 = vector.bitcast %pack3A_99 : vector<32xbf16> to vector<16xf32>
        %mul3A_101 = arith.constant 16 : i32
        %mul3A_102 = arith.muli %scan3A_88, %mul3A_101 : i32
        %swap3A_103 = arith.index_cast %mul3A_102 : i32 to index
        %swap3A_104 = tpu.vector_load %arg6[%swap3A_103] {strides = array<i32>} : memref<10240xf32, #tpu.memory_space<vmem>>, vector<16xf32>,
        tpu.vector_store %arg6[%swap3A_103], %bitcast3A_100 {strides = array<i32>} : memref<10240xf32, #tpu.memory_space<vmem>>, vector<16xf32>,
        %scan3A_105 = arith.constant 2 : i32
        %scan3A_106 = arith.addi %scan3A_74, %scan3A_105 : i32
        %mul3A_107 = arith.constant 32 : i32
        %mul3A_108 = arith.muli %scan3A_106, %mul3A_107 : i32
        %add3A_109 = arith.constant 40960 : i32
        %add3A_110 = arith.addi %add3A_109, %mul3A_108 : i32
        %get3A_111 = arith.index_cast %add3A_110 : i32 to index
        %get3A_112 = tpu.vector_load %arg4[%get3A_111] {strides = array<i32>} : memref<102400xf32, #tpu.memory_space<vmem>>, vector<16xf32>,
        %add3A_113 = arith.constant 16 : i32
        %add3A_114 = arith.addi %add3A_110, %add3A_113 : i32
        %get3A_115 = arith.index_cast %add3A_114 : i32 to index
        %get3A_116 = tpu.vector_load %arg4[%get3A_115] {strides = array<i32>} : memref<102400xf32, #tpu.memory_space<vmem>>, vector<16xf32>,
        %pack3A_117 = tpu.pack_subelements %get3A_112, %get3A_116 {pack_format = #tpu.pack_format<interleaved>, positions = array<i32: 0, 1>} : vector<16xf32>, vector<16xf32> -> vector<32xbf16>
        %bitcast3A_118 = vector.bitcast %pack3A_117 : vector<32xbf16> to vector<16xf32>
        %mul3A_119 = arith.constant 16 : i32
        %mul3A_120 = arith.muli %scan3A_106, %mul3A_119 : i32
        %swap3A_121 = arith.index_cast %mul3A_120 : i32 to index
        %swap3A_122 = tpu.vector_load %arg6[%swap3A_121] {strides = array<i32>} : memref<10240xf32, #tpu.memory_space<vmem>>, vector<16xf32>,
        tpu.vector_store %arg6[%swap3A_121], %bitcast3A_118 {strides = array<i32>} : memref<10240xf32, #tpu.memory_space<vmem>>, vector<16xf32>,
        %scan3A_123 = arith.constant 3 : i32
        %scan3A_124 = arith.addi %scan3A_74, %scan3A_123 : i32
        %mul3A_125 = arith.constant 32 : i32
        %mul3A_126 = arith.muli %scan3A_124, %mul3A_125 : i32
        %add3A_127 = arith.constant 40960 : i32
        %add3A_128 = arith.addi %add3A_127, %mul3A_126 : i32
        %get3A_129 = arith.index_cast %add3A_128 : i32 to index
        %get3A_130 = tpu.vector_load %arg4[%get3A_129] {strides = array<i32>} : memref<102400xf32, #tpu.memory_space<vmem>>, vector<16xf32>,
        %add3A_131 = arith.constant 16 : i32
        %add3A_132 = arith.addi %add3A_128, %add3A_131 : i32
        %get3A_133 = arith.index_cast %add3A_132 : i32 to index
        %get3A_134 = tpu.vector_load %arg4[%get3A_133] {strides = array<i32>} : memref<102400xf32, #tpu.memory_space<vmem>>, vector<16xf32>,
        %pack3A_135 = tpu.pack_subelements %get3A_130, %get3A_134 {pack_format = #tpu.pack_format<interleaved>, positions = array<i32: 0, 1>} : vector<16xf32>, vector<16xf32> -> vector<32xbf16>
        %bitcast3A_136 = vector.bitcast %pack3A_135 : vector<32xbf16> to vector<16xf32>
        %mul3A_137 = arith.constant 16 : i32
        %mul3A_138 = arith.muli %scan3A_124, %mul3A_137 : i32
        %swap3A_139 = arith.index_cast %mul3A_138 : i32 to index
        %swap3A_140 = tpu.vector_load %arg6[%swap3A_139] {strides = array<i32>} : memref<10240xf32, #tpu.memory_space<vmem>>, vector<16xf32>,
        tpu.vector_store %arg6[%swap3A_139], %bitcast3A_136 {strides = array<i32>} : memref<10240xf32, #tpu.memory_space<vmem>>, vector<16xf32>,
        %scan3A_141 = arith.constant 4 : i32
        %scan3A_142 = arith.addi %scan3A_74, %scan3A_141 : i32
        %mul3A_143 = arith.constant 32 : i32
        %mul3A_144 = arith.muli %scan3A_142, %mul3A_143 : i32
        %add3A_145 = arith.constant 40960 : i32
        %add3A_146 = arith.addi %add3A_145, %mul3A_144 : i32
        %get3A_147 = arith.index_cast %add3A_146 : i32 to index
        %get3A_148 = tpu.vector_load %arg4[%get3A_147] {strides = array<i32>} : memref<102400xf32, #tpu.memory_space<vmem>>, vector<16xf32>,
        %add3A_149 = arith.constant 16 : i32
        %add3A_150 = arith.addi %add3A_146, %add3A_149 : i32
        %get3A_151 = arith.index_cast %add3A_150 : i32 to index
        %get3A_152 = tpu.vector_load %arg4[%get3A_151] {strides = array<i32>} : memref<102400xf32, #tpu.memory_space<vmem>>, vector<16xf32>,
        %pack3A_153 = tpu.pack_subelements %get3A_148, %get3A_152 {pack_format = #tpu.pack_format<interleaved>, positions = array<i32: 0, 1>} : vector<16xf32>, vector<16xf32> -> vector<32xbf16>
        %bitcast3A_154 = vector.bitcast %pack3A_153 : vector<32xbf16> to vector<16xf32>
        %mul3A_155 = arith.constant 16 : i32
        %mul3A_156 = arith.muli %scan3A_142, %mul3A_155 : i32
        %swap3A_157 = arith.index_cast %mul3A_156 : i32 to index
        %swap3A_158 = tpu.vector_load %arg6[%swap3A_157] {strides = array<i32>} : memref<10240xf32, #tpu.memory_space<vmem>>, vector<16xf32>,
        tpu.vector_store %arg6[%swap3A_157], %bitcast3A_154 {strides = array<i32>} : memref<10240xf32, #tpu.memory_space<vmem>>, vector<16xf32>,
        %scan3A_159 = arith.constant 5 : i32
        %scan3A_160 = arith.addi %scan3A_74, %scan3A_159 : i32
        %mul3A_161 = arith.constant 32 : i32
        %mul3A_162 = arith.muli %scan3A_160, %mul3A_161 : i32
        %add3A_163 = arith.constant 40960 : i32
        %add3A_164 = arith.addi %add3A_163, %mul3A_162 : i32
        %get3A_165 = arith.index_cast %add3A_164 : i32 to index
        %get3A_166 = tpu.vector_load %arg4[%get3A_165] {strides = array<i32>} : memref<102400xf32, #tpu.memory_space<vmem>>, vector<16xf32>,
        %add3A_167 = arith.constant 16 : i32
        %add3A_168 = arith.addi %add3A_164, %add3A_167 : i32
        %get3A_169 = arith.index_cast %add3A_168 : i32 to index
        %get3A_170 = tpu.vector_load %arg4[%get3A_169] {strides = array<i32>} : memref<102400xf32, #tpu.memory_space<vmem>>, vector<16xf32>,
        %pack3A_171 = tpu.pack_subelements %get3A_166, %get3A_170 {pack_format = #tpu.pack_format<interleaved>, positions = array<i32: 0, 1>} : vector<16xf32>, vector<16xf32> -> vector<32xbf16>
        %bitcast3A_172 = vector.bitcast %pack3A_171 : vector<32xbf16> to vector<16xf32>
        %mul3A_173 = arith.constant 16 : i32
        %mul3A_174 = arith.muli %scan3A_160, %mul3A_173 : i32
        %swap3A_175 = arith.index_cast %mul3A_174 : i32 to index
        %swap3A_176 = tpu.vector_load %arg6[%swap3A_175] {strides = array<i32>} : memref<10240xf32, #tpu.memory_space<vmem>>, vector<16xf32>,
        tpu.vector_store %arg6[%swap3A_175], %bitcast3A_172 {strides = array<i32>} : memref<10240xf32, #tpu.memory_space<vmem>>, vector<16xf32>,
        %scan3A_177 = arith.constant 6 : i32
        %scan3A_178 = arith.addi %scan3A_74, %scan3A_177 : i32
        %mul3A_179 = arith.constant 32 : i32
        %mul3A_180 = arith.muli %scan3A_178, %mul3A_179 : i32
        %add3A_181 = arith.constant 40960 : i32
        %add3A_182 = arith.addi %add3A_181, %mul3A_180 : i32
        %get3A_183 = arith.index_cast %add3A_182 : i32 to index
        %get3A_184 = tpu.vector_load %arg4[%get3A_183] {strides = array<i32>} : memref<102400xf32, #tpu.memory_space<vmem>>, vector<16xf32>,
        %add3A_185 = arith.constant 16 : i32
        %add3A_186 = arith.addi %add3A_182, %add3A_185 : i32
        %get3A_187 = arith.index_cast %add3A_186 : i32 to index
        %get3A_188 = tpu.vector_load %arg4[%get3A_187] {strides = array<i32>} : memref<102400xf32, #tpu.memory_space<vmem>>, vector<16xf32>,
        %pack3A_189 = tpu.pack_subelements %get3A_184, %get3A_188 {pack_format = #tpu.pack_format<interleaved>, positions = array<i32: 0, 1>} : vector<16xf32>, vector<16xf32> -> vector<32xbf16>
        %bitcast3A_190 = vector.bitcast %pack3A_189 : vector<32xbf16> to vector<16xf32>
        %mul3A_191 = arith.constant 16 : i32
        %mul3A_192 = arith.muli %scan3A_178, %mul3A_191 : i32
        %swap3A_193 = arith.index_cast %mul3A_192 : i32 to index
        %swap3A_194 = tpu.vector_load %arg6[%swap3A_193] {strides = array<i32>} : memref<10240xf32, #tpu.memory_space<vmem>>, vector<16xf32>,
        tpu.vector_store %arg6[%swap3A_193], %bitcast3A_190 {strides = array<i32>} : memref<10240xf32, #tpu.memory_space<vmem>>, vector<16xf32>,
        %scan3A_195 = arith.constant 7 : i32
        %scan3A_196 = arith.addi %scan3A_74, %scan3A_195 : i32
        %mul3A_197 = arith.constant 32 : i32
        %mul3A_198 = arith.muli %scan3A_196, %mul3A_197 : i32
        %add3A_199 = arith.constant 40960 : i32
        %add3A_200 = arith.addi %add3A_199, %mul3A_198 : i32
        %get3A_201 = arith.index_cast %add3A_200 : i32 to index
        %get3A_202 = tpu.vector_load %arg4[%get3A_201] {strides = array<i32>} : memref<102400xf32, #tpu.memory_space<vmem>>, vector<16xf32>,
        %add3A_203 = arith.constant 16 : i32
        %add3A_204 = arith.addi %add3A_200, %add3A_203 : i32
        %get3A_205 = arith.index_cast %add3A_204 : i32 to index
        %get3A_206 = tpu.vector_load %arg4[%get3A_205] {strides = array<i32>} : memref<102400xf32, #tpu.memory_space<vmem>>, vector<16xf32>,
        %pack3A_207 = tpu.pack_subelements %get3A_202, %get3A_206 {pack_format = #tpu.pack_format<interleaved>, positions = array<i32: 0, 1>} : vector<16xf32>, vector<16xf32> -> vector<32xbf16>
        %bitcast3A_208 = vector.bitcast %pack3A_207 : vector<32xbf16> to vector<16xf32>
        %mul3A_209 = arith.constant 16 : i32
        %mul3A_210 = arith.muli %scan3A_196, %mul3A_209 : i32
        %swap3A_211 = arith.index_cast %mul3A_210 : i32 to index
        %swap3A_212 = tpu.vector_load %arg6[%swap3A_211] {strides = array<i32>} : memref<10240xf32, #tpu.memory_space<vmem>>, vector<16xf32>,
        tpu.vector_store %arg6[%swap3A_211], %bitcast3A_208 {strides = array<i32>} : memref<10240xf32, #tpu.memory_space<vmem>>, vector<16xf32>,
      }
      %scan3A_49 = arith.constant 640 : i32
      %mul3A_50 = arith.constant 51200 : i32
      %mul3A_51 = arith.muli %add3A_9, %mul3A_50 : i32
      %add3A_52 = arith.constant 20480 : i32
      %add3A_53 = arith.addi %mul3A_51, %add3A_52 : i32
      "tpu.region"() ({
        %run_scoped3A = tpu.sem_alloc : memref<!tpu.dma_semaphore, #tpu.memory_space<semaphore_mem>>
        %dma_start3A_74 = tpu.memref_slice %arg3[%add3A_53] : memref<2560000xf32, #tpu.memory_space<hbm>> -> memref<10240xf32, #tpu.memory_space<hbm>>
        %dma_start3A_75 = tpu.memref_slice %arg3[%add3A_53] : memref<2560000xf32, #tpu.memory_space<hbm>> -> memref<10240xf32, #tpu.memory_space<hbm>>
        tpu.enqueue_dma source(%arg6 : memref<10240xf32, #tpu.memory_space<vmem>>) target(%dma_start3A_75 : memref<10240xf32, #tpu.memory_space<hbm>>) target_semaphore(%run_scoped3A : memref<!tpu.dma_semaphore, #tpu.memory_space<semaphore_mem>>)
        %dma_wait3A_76 = tpu.memref_slice %arg3[%add3A_53] : memref<2560000xf32, #tpu.memory_space<hbm>> -> memref<10240xf32, #tpu.memory_space<hbm>>
        %dma_wait3A_77 = tpu.memref_slice %arg3[%add3A_53] : memref<2560000xf32, #tpu.memory_space<hbm>> -> memref<10240xf32, #tpu.memory_space<hbm>>
        tpu.wait_dma2 semaphore(%run_scoped3A : memref<!tpu.dma_semaphore, #tpu.memory_space<semaphore_mem>>) src(%arg6 : memref<10240xf32, #tpu.memory_space<vmem>>) dst(%dma_wait3A_77 : memref<10240xf32, #tpu.memory_space<hbm>>)
        tpu.yield
      }) : () -> ()
      %scan3A_54 = arith.constant 0 : i32
      %scan3A_55 = arith.constant 0 : i32
      %scan3A_56 = arith.constant 640 : i32
      %scan3A_57 = arith.addi %scan3A_55, %scan3A_56 : i32
      %scan3A_58 = arith.constant 8 : i32
      scf.for %scan3A_74 = %scan3A_55 to %scan3A_57 step %scan3A_58  : i32 {
        %mul3A_75 = arith.constant 32 : i32
        %mul3A_76 = arith.muli %scan3A_74, %mul3A_75 : i32
        %add3A_77 = arith.constant 61440 : i32
        %add3A_78 = arith.addi %add3A_77, %mul3A_76 : i32
        %get3A = arith.index_cast %add3A_78 : i32 to index
        %get3A_79 = tpu.vector_load %arg4[%get3A] {strides = array<i32>} : memref<102400xf32, #tpu.memory_space<vmem>>, vector<16xf32>,
        %add3A_80 = arith.constant 16 : i32
        %add3A_81 = arith.addi %add3A_78, %add3A_80 : i32
        %get3A_82 = arith.index_cast %add3A_81 : i32 to index
        %get3A_83 = tpu.vector_load %arg4[%get3A_82] {strides = array<i32>} : memref<102400xf32, #tpu.memory_space<vmem>>, vector<16xf32>,
        %pack3A = tpu.pack_subelements %get3A_79, %get3A_83 {pack_format = #tpu.pack_format<interleaved>, positions = array<i32: 0, 1>} : vector<16xf32>, vector<16xf32> -> vector<32xbf16>
        %bitcast3A = vector.bitcast %pack3A : vector<32xbf16> to vector<16xf32>
        %mul3A_84 = arith.constant 16 : i32
        %mul3A_85 = arith.muli %scan3A_74, %mul3A_84 : i32
        %swap3A = arith.index_cast %mul3A_85 : i32 to index
        %swap3A_86 = tpu.vector_load %arg6[%swap3A] {strides = array<i32>} : memref<10240xf32, #tpu.memory_space<vmem>>, vector<16xf32>,
        tpu.vector_store %arg6[%swap3A], %bitcast3A {strides = array<i32>} : memref<10240xf32, #tpu.memory_space<vmem>>, vector<16xf32>,
        %scan3A_87 = arith.constant 1 : i32
        %scan3A_88 = arith.addi %scan3A_74, %scan3A_87 : i32
        %mul3A_89 = arith.constant 32 : i32
        %mul3A_90 = arith.muli %scan3A_88, %mul3A_89 : i32
        %add3A_91 = arith.constant 61440 : i32
        %add3A_92 = arith.addi %add3A_91, %mul3A_90 : i32
        %get3A_93 = arith.index_cast %add3A_92 : i32 to index
        %get3A_94 = tpu.vector_load %arg4[%get3A_93] {strides = array<i32>} : memref<102400xf32, #tpu.memory_space<vmem>>, vector<16xf32>,
        %add3A_95 = arith.constant 16 : i32
        %add3A_96 = arith.addi %add3A_92, %add3A_95 : i32
        %get3A_97 = arith.index_cast %add3A_96 : i32 to index
        %get3A_98 = tpu.vector_load %arg4[%get3A_97] {strides = array<i32>} : memref<102400xf32, #tpu.memory_space<vmem>>, vector<16xf32>,
        %pack3A_99 = tpu.pack_subelements %get3A_94, %get3A_98 {pack_format = #tpu.pack_format<interleaved>, positions = array<i32: 0, 1>} : vector<16xf32>, vector<16xf32> -> vector<32xbf16>
        %bitcast3A_100 = vector.bitcast %pack3A_99 : vector<32xbf16> to vector<16xf32>
        %mul3A_101 = arith.constant 16 : i32
        %mul3A_102 = arith.muli %scan3A_88, %mul3A_101 : i32
        %swap3A_103 = arith.index_cast %mul3A_102 : i32 to index
        %swap3A_104 = tpu.vector_load %arg6[%swap3A_103] {strides = array<i32>} : memref<10240xf32, #tpu.memory_space<vmem>>, vector<16xf32>,
        tpu.vector_store %arg6[%swap3A_103], %bitcast3A_100 {strides = array<i32>} : memref<10240xf32, #tpu.memory_space<vmem>>, vector<16xf32>,
        %scan3A_105 = arith.constant 2 : i32
        %scan3A_106 = arith.addi %scan3A_74, %scan3A_105 : i32
        %mul3A_107 = arith.constant 32 : i32
        %mul3A_108 = arith.muli %scan3A_106, %mul3A_107 : i32
        %add3A_109 = arith.constant 61440 : i32
        %add3A_110 = arith.addi %add3A_109, %mul3A_108 : i32
        %get3A_111 = arith.index_cast %add3A_110 : i32 to index
        %get3A_112 = tpu.vector_load %arg4[%get3A_111] {strides = array<i32>} : memref<102400xf32, #tpu.memory_space<vmem>>, vector<16xf32>,
        %add3A_113 = arith.constant 16 : i32
        %add3A_114 = arith.addi %add3A_110, %add3A_113 : i32
        %get3A_115 = arith.index_cast %add3A_114 : i32 to index
        %get3A_116 = tpu.vector_load %arg4[%get3A_115] {strides = array<i32>} : memref<102400xf32, #tpu.memory_space<vmem>>, vector<16xf32>,
        %pack3A_117 = tpu.pack_subelements %get3A_112, %get3A_116 {pack_format = #tpu.pack_format<interleaved>, positions = array<i32: 0, 1>} : vector<16xf32>, vector<16xf32> -> vector<32xbf16>
        %bitcast3A_118 = vector.bitcast %pack3A_117 : vector<32xbf16> to vector<16xf32>
        %mul3A_119 = arith.constant 16 : i32
        %mul3A_120 = arith.muli %scan3A_106, %mul3A_119 : i32
        %swap3A_121 = arith.index_cast %mul3A_120 : i32 to index
        %swap3A_122 = tpu.vector_load %arg6[%swap3A_121] {strides = array<i32>} : memref<10240xf32, #tpu.memory_space<vmem>>, vector<16xf32>,
        tpu.vector_store %arg6[%swap3A_121], %bitcast3A_118 {strides = array<i32>} : memref<10240xf32, #tpu.memory_space<vmem>>, vector<16xf32>,
        %scan3A_123 = arith.constant 3 : i32
        %scan3A_124 = arith.addi %scan3A_74, %scan3A_123 : i32
        %mul3A_125 = arith.constant 32 : i32
        %mul3A_126 = arith.muli %scan3A_124, %mul3A_125 : i32
        %add3A_127 = arith.constant 61440 : i32
        %add3A_128 = arith.addi %add3A_127, %mul3A_126 : i32
        %get3A_129 = arith.index_cast %add3A_128 : i32 to index
        %get3A_130 = tpu.vector_load %arg4[%get3A_129] {strides = array<i32>} : memref<102400xf32, #tpu.memory_space<vmem>>, vector<16xf32>,
        %add3A_131 = arith.constant 16 : i32
        %add3A_132 = arith.addi %add3A_128, %add3A_131 : i32
        %get3A_133 = arith.index_cast %add3A_132 : i32 to index
        %get3A_134 = tpu.vector_load %arg4[%get3A_133] {strides = array<i32>} : memref<102400xf32, #tpu.memory_space<vmem>>, vector<16xf32>,
        %pack3A_135 = tpu.pack_subelements %get3A_130, %get3A_134 {pack_format = #tpu.pack_format<interleaved>, positions = array<i32: 0, 1>} : vector<16xf32>, vector<16xf32> -> vector<32xbf16>
        %bitcast3A_136 = vector.bitcast %pack3A_135 : vector<32xbf16> to vector<16xf32>
        %mul3A_137 = arith.constant 16 : i32
        %mul3A_138 = arith.muli %scan3A_124, %mul3A_137 : i32
        %swap3A_139 = arith.index_cast %mul3A_138 : i32 to index
        %swap3A_140 = tpu.vector_load %arg6[%swap3A_139] {strides = array<i32>} : memref<10240xf32, #tpu.memory_space<vmem>>, vector<16xf32>,
        tpu.vector_store %arg6[%swap3A_139], %bitcast3A_136 {strides = array<i32>} : memref<10240xf32, #tpu.memory_space<vmem>>, vector<16xf32>,
        %scan3A_141 = arith.constant 4 : i32
        %scan3A_142 = arith.addi %scan3A_74, %scan3A_141 : i32
        %mul3A_143 = arith.constant 32 : i32
        %mul3A_144 = arith.muli %scan3A_142, %mul3A_143 : i32
        %add3A_145 = arith.constant 61440 : i32
        %add3A_146 = arith.addi %add3A_145, %mul3A_144 : i32
        %get3A_147 = arith.index_cast %add3A_146 : i32 to index
        %get3A_148 = tpu.vector_load %arg4[%get3A_147] {strides = array<i32>} : memref<102400xf32, #tpu.memory_space<vmem>>, vector<16xf32>,
        %add3A_149 = arith.constant 16 : i32
        %add3A_150 = arith.addi %add3A_146, %add3A_149 : i32
        %get3A_151 = arith.index_cast %add3A_150 : i32 to index
        %get3A_152 = tpu.vector_load %arg4[%get3A_151] {strides = array<i32>} : memref<102400xf32, #tpu.memory_space<vmem>>, vector<16xf32>,
        %pack3A_153 = tpu.pack_subelements %get3A_148, %get3A_152 {pack_format = #tpu.pack_format<interleaved>, positions = array<i32: 0, 1>} : vector<16xf32>, vector<16xf32> -> vector<32xbf16>
        %bitcast3A_154 = vector.bitcast %pack3A_153 : vector<32xbf16> to vector<16xf32>
        %mul3A_155 = arith.constant 16 : i32
        %mul3A_156 = arith.muli %scan3A_142, %mul3A_155 : i32
        %swap3A_157 = arith.index_cast %mul3A_156 : i32 to index
        %swap3A_158 = tpu.vector_load %arg6[%swap3A_157] {strides = array<i32>} : memref<10240xf32, #tpu.memory_space<vmem>>, vector<16xf32>,
        tpu.vector_store %arg6[%swap3A_157], %bitcast3A_154 {strides = array<i32>} : memref<10240xf32, #tpu.memory_space<vmem>>, vector<16xf32>,
        %scan3A_159 = arith.constant 5 : i32
        %scan3A_160 = arith.addi %scan3A_74, %scan3A_159 : i32
        %mul3A_161 = arith.constant 32 : i32
        %mul3A_162 = arith.muli %scan3A_160, %mul3A_161 : i32
        %add3A_163 = arith.constant 61440 : i32
        %add3A_164 = arith.addi %add3A_163, %mul3A_162 : i32
        %get3A_165 = arith.index_cast %add3A_164 : i32 to index
        %get3A_166 = tpu.vector_load %arg4[%get3A_165] {strides = array<i32>} : memref<102400xf32, #tpu.memory_space<vmem>>, vector<16xf32>,
        %add3A_167 = arith.constant 16 : i32
        %add3A_168 = arith.addi %add3A_164, %add3A_167 : i32
        %get3A_169 = arith.index_cast %add3A_168 : i32 to index
        %get3A_170 = tpu.vector_load %arg4[%get3A_169] {strides = array<i32>} : memref<102400xf32, #tpu.memory_space<vmem>>, vector<16xf32>,
        %pack3A_171 = tpu.pack_subelements %get3A_166, %get3A_170 {pack_format = #tpu.pack_format<interleaved>, positions = array<i32: 0, 1>} : vector<16xf32>, vector<16xf32> -> vector<32xbf16>
        %bitcast3A_172 = vector.bitcast %pack3A_171 : vector<32xbf16> to vector<16xf32>
        %mul3A_173 = arith.constant 16 : i32
        %mul3A_174 = arith.muli %scan3A_160, %mul3A_173 : i32
        %swap3A_175 = arith.index_cast %mul3A_174 : i32 to index
        %swap3A_176 = tpu.vector_load %arg6[%swap3A_175] {strides = array<i32>} : memref<10240xf32, #tpu.memory_space<vmem>>, vector<16xf32>,
        tpu.vector_store %arg6[%swap3A_175], %bitcast3A_172 {strides = array<i32>} : memref<10240xf32, #tpu.memory_space<vmem>>, vector<16xf32>,
        %scan3A_177 = arith.constant 6 : i32
        %scan3A_178 = arith.addi %scan3A_74, %scan3A_177 : i32
        %mul3A_179 = arith.constant 32 : i32
        %mul3A_180 = arith.muli %scan3A_178, %mul3A_179 : i32
        %add3A_181 = arith.constant 61440 : i32
        %add3A_182 = arith.addi %add3A_181, %mul3A_180 : i32
        %get3A_183 = arith.index_cast %add3A_182 : i32 to index
        %get3A_184 = tpu.vector_load %arg4[%get3A_183] {strides = array<i32>} : memref<102400xf32, #tpu.memory_space<vmem>>, vector<16xf32>,
        %add3A_185 = arith.constant 16 : i32
        %add3A_186 = arith.addi %add3A_182, %add3A_185 : i32
        %get3A_187 = arith.index_cast %add3A_186 : i32 to index
        %get3A_188 = tpu.vector_load %arg4[%get3A_187] {strides = array<i32>} : memref<102400xf32, #tpu.memory_space<vmem>>, vector<16xf32>,
        %pack3A_189 = tpu.pack_subelements %get3A_184, %get3A_188 {pack_format = #tpu.pack_format<interleaved>, positions = array<i32: 0, 1>} : vector<16xf32>, vector<16xf32> -> vector<32xbf16>
        %bitcast3A_190 = vector.bitcast %pack3A_189 : vector<32xbf16> to vector<16xf32>
        %mul3A_191 = arith.constant 16 : i32
        %mul3A_192 = arith.muli %scan3A_178, %mul3A_191 : i32
        %swap3A_193 = arith.index_cast %mul3A_192 : i32 to index
        %swap3A_194 = tpu.vector_load %arg6[%swap3A_193] {strides = array<i32>} : memref<10240xf32, #tpu.memory_space<vmem>>, vector<16xf32>,
        tpu.vector_store %arg6[%swap3A_193], %bitcast3A_190 {strides = array<i32>} : memref<10240xf32, #tpu.memory_space<vmem>>, vector<16xf32>,
        %scan3A_195 = arith.constant 7 : i32
        %scan3A_196 = arith.addi %scan3A_74, %scan3A_195 : i32
        %mul3A_197 = arith.constant 32 : i32
        %mul3A_198 = arith.muli %scan3A_196, %mul3A_197 : i32
        %add3A_199 = arith.constant 61440 : i32
        %add3A_200 = arith.addi %add3A_199, %mul3A_198 : i32
        %get3A_201 = arith.index_cast %add3A_200 : i32 to index
        %get3A_202 = tpu.vector_load %arg4[%get3A_201] {strides = array<i32>} : memref<102400xf32, #tpu.memory_space<vmem>>, vector<16xf32>,
        %add3A_203 = arith.constant 16 : i32
        %add3A_204 = arith.addi %add3A_200, %add3A_203 : i32
        %get3A_205 = arith.index_cast %add3A_204 : i32 to index
        %get3A_206 = tpu.vector_load %arg4[%get3A_205] {strides = array<i32>} : memref<102400xf32, #tpu.memory_space<vmem>>, vector<16xf32>,
        %pack3A_207 = tpu.pack_subelements %get3A_202, %get3A_206 {pack_format = #tpu.pack_format<interleaved>, positions = array<i32: 0, 1>} : vector<16xf32>, vector<16xf32> -> vector<32xbf16>
        %bitcast3A_208 = vector.bitcast %pack3A_207 : vector<32xbf16> to vector<16xf32>
        %mul3A_209 = arith.constant 16 : i32
        %mul3A_210 = arith.muli %scan3A_196, %mul3A_209 : i32
        %swap3A_211 = arith.index_cast %mul3A_210 : i32 to index
        %swap3A_212 = tpu.vector_load %arg6[%swap3A_211] {strides = array<i32>} : memref<10240xf32, #tpu.memory_space<vmem>>, vector<16xf32>,
        tpu.vector_store %arg6[%swap3A_211], %bitcast3A_208 {strides = array<i32>} : memref<10240xf32, #tpu.memory_space<vmem>>, vector<16xf32>,
      }
      %scan3A_59 = arith.constant 640 : i32
      %mul3A_60 = arith.constant 51200 : i32
      %mul3A_61 = arith.muli %add3A_9, %mul3A_60 : i32
      %add3A_62 = arith.constant 30720 : i32
      %add3A_63 = arith.addi %mul3A_61, %add3A_62 : i32
      "tpu.region"() ({
        %run_scoped3A = tpu.sem_alloc : memref<!tpu.dma_semaphore, #tpu.memory_space<semaphore_mem>>
        %dma_start3A_74 = tpu.memref_slice %arg3[%add3A_63] : memref<2560000xf32, #tpu.memory_space<hbm>> -> memref<10240xf32, #tpu.memory_space<hbm>>
        %dma_start3A_75 = tpu.memref_slice %arg3[%add3A_63] : memref<2560000xf32, #tpu.memory_space<hbm>> -> memref<10240xf32, #tpu.memory_space<hbm>>
        tpu.enqueue_dma source(%arg6 : memref<10240xf32, #tpu.memory_space<vmem>>) target(%dma_start3A_75 : memref<10240xf32, #tpu.memory_space<hbm>>) target_semaphore(%run_scoped3A : memref<!tpu.dma_semaphore, #tpu.memory_space<semaphore_mem>>)
        %dma_wait3A_76 = tpu.memref_slice %arg3[%add3A_63] : memref<2560000xf32, #tpu.memory_space<hbm>> -> memref<10240xf32, #tpu.memory_space<hbm>>
        %dma_wait3A_77 = tpu.memref_slice %arg3[%add3A_63] : memref<2560000xf32, #tpu.memory_space<hbm>> -> memref<10240xf32, #tpu.memory_space<hbm>>
        tpu.wait_dma2 semaphore(%run_scoped3A : memref<!tpu.dma_semaphore, #tpu.memory_space<semaphore_mem>>) src(%arg6 : memref<10240xf32, #tpu.memory_space<vmem>>) dst(%dma_wait3A_77 : memref<10240xf32, #tpu.memory_space<hbm>>)
        tpu.yield
      }) : () -> ()
      %scan3A_64 = arith.constant 0 : i32
      %scan3A_65 = arith.constant 0 : i32
      %scan3A_66 = arith.constant 640 : i32
      %scan3A_67 = arith.addi %scan3A_65, %scan3A_66 : i32
      %scan3A_68 = arith.constant 8 : i32
      scf.for %scan3A_74 = %scan3A_65 to %scan3A_67 step %scan3A_68  : i32 {
        %mul3A_75 = arith.constant 32 : i32
        %mul3A_76 = arith.muli %scan3A_74, %mul3A_75 : i32
        %add3A_77 = arith.constant 81920 : i32
        %add3A_78 = arith.addi %add3A_77, %mul3A_76 : i32
        %get3A = arith.index_cast %add3A_78 : i32 to index
        %get3A_79 = tpu.vector_load %arg4[%get3A] {strides = array<i32>} : memref<102400xf32, #tpu.memory_space<vmem>>, vector<16xf32>,
        %add3A_80 = arith.constant 16 : i32
        %add3A_81 = arith.addi %add3A_78, %add3A_80 : i32
        %get3A_82 = arith.index_cast %add3A_81 : i32 to index
        %get3A_83 = tpu.vector_load %arg4[%get3A_82] {strides = array<i32>} : memref<102400xf32, #tpu.memory_space<vmem>>, vector<16xf32>,
        %pack3A = tpu.pack_subelements %get3A_79, %get3A_83 {pack_format = #tpu.pack_format<interleaved>, positions = array<i32: 0, 1>} : vector<16xf32>, vector<16xf32> -> vector<32xbf16>
        %bitcast3A = vector.bitcast %pack3A : vector<32xbf16> to vector<16xf32>
        %mul3A_84 = arith.constant 16 : i32
        %mul3A_85 = arith.muli %scan3A_74, %mul3A_84 : i32
        %swap3A = arith.index_cast %mul3A_85 : i32 to index
        %swap3A_86 = tpu.vector_load %arg6[%swap3A] {strides = array<i32>} : memref<10240xf32, #tpu.memory_space<vmem>>, vector<16xf32>,
        tpu.vector_store %arg6[%swap3A], %bitcast3A {strides = array<i32>} : memref<10240xf32, #tpu.memory_space<vmem>>, vector<16xf32>,
        %scan3A_87 = arith.constant 1 : i32
        %scan3A_88 = arith.addi %scan3A_74, %scan3A_87 : i32
        %mul3A_89 = arith.constant 32 : i32
        %mul3A_90 = arith.muli %scan3A_88, %mul3A_89 : i32
        %add3A_91 = arith.constant 81920 : i32
        %add3A_92 = arith.addi %add3A_91, %mul3A_90 : i32
        %get3A_93 = arith.index_cast %add3A_92 : i32 to index
        %get3A_94 = tpu.vector_load %arg4[%get3A_93] {strides = array<i32>} : memref<102400xf32, #tpu.memory_space<vmem>>, vector<16xf32>,
        %add3A_95 = arith.constant 16 : i32
        %add3A_96 = arith.addi %add3A_92, %add3A_95 : i32
        %get3A_97 = arith.index_cast %add3A_96 : i32 to index
        %get3A_98 = tpu.vector_load %arg4[%get3A_97] {strides = array<i32>} : memref<102400xf32, #tpu.memory_space<vmem>>, vector<16xf32>,
        %pack3A_99 = tpu.pack_subelements %get3A_94, %get3A_98 {pack_format = #tpu.pack_format<interleaved>, positions = array<i32: 0, 1>} : vector<16xf32>, vector<16xf32> -> vector<32xbf16>
        %bitcast3A_100 = vector.bitcast %pack3A_99 : vector<32xbf16> to vector<16xf32>
        %mul3A_101 = arith.constant 16 : i32
        %mul3A_102 = arith.muli %scan3A_88, %mul3A_101 : i32
        %swap3A_103 = arith.index_cast %mul3A_102 : i32 to index
        %swap3A_104 = tpu.vector_load %arg6[%swap3A_103] {strides = array<i32>} : memref<10240xf32, #tpu.memory_space<vmem>>, vector<16xf32>,
        tpu.vector_store %arg6[%swap3A_103], %bitcast3A_100 {strides = array<i32>} : memref<10240xf32, #tpu.memory_space<vmem>>, vector<16xf32>,
        %scan3A_105 = arith.constant 2 : i32
        %scan3A_106 = arith.addi %scan3A_74, %scan3A_105 : i32
        %mul3A_107 = arith.constant 32 : i32
        %mul3A_108 = arith.muli %scan3A_106, %mul3A_107 : i32
        %add3A_109 = arith.constant 81920 : i32
        %add3A_110 = arith.addi %add3A_109, %mul3A_108 : i32
        %get3A_111 = arith.index_cast %add3A_110 : i32 to index
        %get3A_112 = tpu.vector_load %arg4[%get3A_111] {strides = array<i32>} : memref<102400xf32, #tpu.memory_space<vmem>>, vector<16xf32>,
        %add3A_113 = arith.constant 16 : i32
        %add3A_114 = arith.addi %add3A_110, %add3A_113 : i32
        %get3A_115 = arith.index_cast %add3A_114 : i32 to index
        %get3A_116 = tpu.vector_load %arg4[%get3A_115] {strides = array<i32>} : memref<102400xf32, #tpu.memory_space<vmem>>, vector<16xf32>,
        %pack3A_117 = tpu.pack_subelements %get3A_112, %get3A_116 {pack_format = #tpu.pack_format<interleaved>, positions = array<i32: 0, 1>} : vector<16xf32>, vector<16xf32> -> vector<32xbf16>
        %bitcast3A_118 = vector.bitcast %pack3A_117 : vector<32xbf16> to vector<16xf32>
        %mul3A_119 = arith.constant 16 : i32
        %mul3A_120 = arith.muli %scan3A_106, %mul3A_119 : i32
        %swap3A_121 = arith.index_cast %mul3A_120 : i32 to index
        %swap3A_122 = tpu.vector_load %arg6[%swap3A_121] {strides = array<i32>} : memref<10240xf32, #tpu.memory_space<vmem>>, vector<16xf32>,
        tpu.vector_store %arg6[%swap3A_121], %bitcast3A_118 {strides = array<i32>} : memref<10240xf32, #tpu.memory_space<vmem>>, vector<16xf32>,
        %scan3A_123 = arith.constant 3 : i32
        %scan3A_124 = arith.addi %scan3A_74, %scan3A_123 : i32
        %mul3A_125 = arith.constant 32 : i32
        %mul3A_126 = arith.muli %scan3A_124, %mul3A_125 : i32
        %add3A_127 = arith.constant 81920 : i32
        %add3A_128 = arith.addi %add3A_127, %mul3A_126 : i32
        %get3A_129 = arith.index_cast %add3A_128 : i32 to index
        %get3A_130 = tpu.vector_load %arg4[%get3A_129] {strides = array<i32>} : memref<102400xf32, #tpu.memory_space<vmem>>, vector<16xf32>,
        %add3A_131 = arith.constant 16 : i32
        %add3A_132 = arith.addi %add3A_128, %add3A_131 : i32
        %get3A_133 = arith.index_cast %add3A_132 : i32 to index
        %get3A_134 = tpu.vector_load %arg4[%get3A_133] {strides = array<i32>} : memref<102400xf32, #tpu.memory_space<vmem>>, vector<16xf32>,
        %pack3A_135 = tpu.pack_subelements %get3A_130, %get3A_134 {pack_format = #tpu.pack_format<interleaved>, positions = array<i32: 0, 1>} : vector<16xf32>, vector<16xf32> -> vector<32xbf16>
        %bitcast3A_136 = vector.bitcast %pack3A_135 : vector<32xbf16> to vector<16xf32>
        %mul3A_137 = arith.constant 16 : i32
        %mul3A_138 = arith.muli %scan3A_124, %mul3A_137 : i32
        %swap3A_139 = arith.index_cast %mul3A_138 : i32 to index
        %swap3A_140 = tpu.vector_load %arg6[%swap3A_139] {strides = array<i32>} : memref<10240xf32, #tpu.memory_space<vmem>>, vector<16xf32>,
        tpu.vector_store %arg6[%swap3A_139], %bitcast3A_136 {strides = array<i32>} : memref<10240xf32, #tpu.memory_space<vmem>>, vector<16xf32>,
        %scan3A_141 = arith.constant 4 : i32
        %scan3A_142 = arith.addi %scan3A_74, %scan3A_141 : i32
        %mul3A_143 = arith.constant 32 : i32
        %mul3A_144 = arith.muli %scan3A_142, %mul3A_143 : i32
        %add3A_145 = arith.constant 81920 : i32
        %add3A_146 = arith.addi %add3A_145, %mul3A_144 : i32
        %get3A_147 = arith.index_cast %add3A_146 : i32 to index
        %get3A_148 = tpu.vector_load %arg4[%get3A_147] {strides = array<i32>} : memref<102400xf32, #tpu.memory_space<vmem>>, vector<16xf32>,
        %add3A_149 = arith.constant 16 : i32
        %add3A_150 = arith.addi %add3A_146, %add3A_149 : i32
        %get3A_151 = arith.index_cast %add3A_150 : i32 to index
        %get3A_152 = tpu.vector_load %arg4[%get3A_151] {strides = array<i32>} : memref<102400xf32, #tpu.memory_space<vmem>>, vector<16xf32>,
        %pack3A_153 = tpu.pack_subelements %get3A_148, %get3A_152 {pack_format = #tpu.pack_format<interleaved>, positions = array<i32: 0, 1>} : vector<16xf32>, vector<16xf32> -> vector<32xbf16>
        %bitcast3A_154 = vector.bitcast %pack3A_153 : vector<32xbf16> to vector<16xf32>
        %mul3A_155 = arith.constant 16 : i32
        %mul3A_156 = arith.muli %scan3A_142, %mul3A_155 : i32
        %swap3A_157 = arith.index_cast %mul3A_156 : i32 to index
        %swap3A_158 = tpu.vector_load %arg6[%swap3A_157] {strides = array<i32>} : memref<10240xf32, #tpu.memory_space<vmem>>, vector<16xf32>,
        tpu.vector_store %arg6[%swap3A_157], %bitcast3A_154 {strides = array<i32>} : memref<10240xf32, #tpu.memory_space<vmem>>, vector<16xf32>,
        %scan3A_159 = arith.constant 5 : i32
        %scan3A_160 = arith.addi %scan3A_74, %scan3A_159 : i32
        %mul3A_161 = arith.constant 32 : i32
        %mul3A_162 = arith.muli %scan3A_160, %mul3A_161 : i32
        %add3A_163 = arith.constant 81920 : i32
        %add3A_164 = arith.addi %add3A_163, %mul3A_162 : i32
        %get3A_165 = arith.index_cast %add3A_164 : i32 to index
        %get3A_166 = tpu.vector_load %arg4[%get3A_165] {strides = array<i32>} : memref<102400xf32, #tpu.memory_space<vmem>>, vector<16xf32>,
        %add3A_167 = arith.constant 16 : i32
        %add3A_168 = arith.addi %add3A_164, %add3A_167 : i32
        %get3A_169 = arith.index_cast %add3A_168 : i32 to index
        %get3A_170 = tpu.vector_load %arg4[%get3A_169] {strides = array<i32>} : memref<102400xf32, #tpu.memory_space<vmem>>, vector<16xf32>,
        %pack3A_171 = tpu.pack_subelements %get3A_166, %get3A_170 {pack_format = #tpu.pack_format<interleaved>, positions = array<i32: 0, 1>} : vector<16xf32>, vector<16xf32> -> vector<32xbf16>
        %bitcast3A_172 = vector.bitcast %pack3A_171 : vector<32xbf16> to vector<16xf32>
        %mul3A_173 = arith.constant 16 : i32
        %mul3A_174 = arith.muli %scan3A_160, %mul3A_173 : i32
        %swap3A_175 = arith.index_cast %mul3A_174 : i32 to index
        %swap3A_176 = tpu.vector_load %arg6[%swap3A_175] {strides = array<i32>} : memref<10240xf32, #tpu.memory_space<vmem>>, vector<16xf32>,
        tpu.vector_store %arg6[%swap3A_175], %bitcast3A_172 {strides = array<i32>} : memref<10240xf32, #tpu.memory_space<vmem>>, vector<16xf32>,
        %scan3A_177 = arith.constant 6 : i32
        %scan3A_178 = arith.addi %scan3A_74, %scan3A_177 : i32
        %mul3A_179 = arith.constant 32 : i32
        %mul3A_180 = arith.muli %scan3A_178, %mul3A_179 : i32
        %add3A_181 = arith.constant 81920 : i32
        %add3A_182 = arith.addi %add3A_181, %mul3A_180 : i32
        %get3A_183 = arith.index_cast %add3A_182 : i32 to index
        %get3A_184 = tpu.vector_load %arg4[%get3A_183] {strides = array<i32>} : memref<102400xf32, #tpu.memory_space<vmem>>, vector<16xf32>,
        %add3A_185 = arith.constant 16 : i32
        %add3A_186 = arith.addi %add3A_182, %add3A_185 : i32
        %get3A_187 = arith.index_cast %add3A_186 : i32 to index
        %get3A_188 = tpu.vector_load %arg4[%get3A_187] {strides = array<i32>} : memref<102400xf32, #tpu.memory_space<vmem>>, vector<16xf32>,
        %pack3A_189 = tpu.pack_subelements %get3A_184, %get3A_188 {pack_format = #tpu.pack_format<interleaved>, positions = array<i32: 0, 1>} : vector<16xf32>, vector<16xf32> -> vector<32xbf16>
        %bitcast3A_190 = vector.bitcast %pack3A_189 : vector<32xbf16> to vector<16xf32>
        %mul3A_191 = arith.constant 16 : i32
        %mul3A_192 = arith.muli %scan3A_178, %mul3A_191 : i32
        %swap3A_193 = arith.index_cast %mul3A_192 : i32 to index
        %swap3A_194 = tpu.vector_load %arg6[%swap3A_193] {strides = array<i32>} : memref<10240xf32, #tpu.memory_space<vmem>>, vector<16xf32>,
        tpu.vector_store %arg6[%swap3A_193], %bitcast3A_190 {strides = array<i32>} : memref<10240xf32, #tpu.memory_space<vmem>>, vector<16xf32>,
        %scan3A_195 = arith.constant 7 : i32
        %scan3A_196 = arith.addi %scan3A_74, %scan3A_195 : i32
        %mul3A_197 = arith.constant 32 : i32
        %mul3A_198 = arith.muli %scan3A_196, %mul3A_197 : i32
        %add3A_199 = arith.constant 81920 : i32
        %add3A_200 = arith.addi %add3A_199, %mul3A_198 : i32
        %get3A_201 = arith.index_cast %add3A_200 : i32 to index
        %get3A_202 = tpu.vector_load %arg4[%get3A_201] {strides = array<i32>} : memref<102400xf32, #tpu.memory_space<vmem>>, vector<16xf32>,
        %add3A_203 = arith.constant 16 : i32
        %add3A_204 = arith.addi %add3A_200, %add3A_203 : i32
        %get3A_205 = arith.index_cast %add3A_204 : i32 to index
        %get3A_206 = tpu.vector_load %arg4[%get3A_205] {strides = array<i32>} : memref<102400xf32, #tpu.memory_space<vmem>>, vector<16xf32>,
        %pack3A_207 = tpu.pack_subelements %get3A_202, %get3A_206 {pack_format = #tpu.pack_format<interleaved>, positions = array<i32: 0, 1>} : vector<16xf32>, vector<16xf32> -> vector<32xbf16>
        %bitcast3A_208 = vector.bitcast %pack3A_207 : vector<32xbf16> to vector<16xf32>
        %mul3A_209 = arith.constant 16 : i32
        %mul3A_210 = arith.muli %scan3A_196, %mul3A_209 : i32
        %swap3A_211 = arith.index_cast %mul3A_210 : i32 to index
        %swap3A_212 = tpu.vector_load %arg6[%swap3A_211] {strides = array<i32>} : memref<10240xf32, #tpu.memory_space<vmem>>, vector<16xf32>,
        tpu.vector_store %arg6[%swap3A_211], %bitcast3A_208 {strides = array<i32>} : memref<10240xf32, #tpu.memory_space<vmem>>, vector<16xf32>,
      }
      %scan3A_69 = arith.constant 640 : i32
      %mul3A_70 = arith.constant 51200 : i32
      %mul3A_71 = arith.muli %add3A_9, %mul3A_70 : i32
      %add3A_72 = arith.constant 40960 : i32
      %add3A_73 = arith.addi %mul3A_71, %add3A_72 : i32
      "tpu.region"() ({
        %run_scoped3A = tpu.sem_alloc : memref<!tpu.dma_semaphore, #tpu.memory_space<semaphore_mem>>
        %dma_start3A_74 = tpu.memref_slice %arg3[%add3A_73] : memref<2560000xf32, #tpu.memory_space<hbm>> -> memref<10240xf32, #tpu.memory_space<hbm>>
        %dma_start3A_75 = tpu.memref_slice %arg3[%add3A_73] : memref<2560000xf32, #tpu.memory_space<hbm>> -> memref<10240xf32, #tpu.memory_space<hbm>>
        tpu.enqueue_dma source(%arg6 : memref<10240xf32, #tpu.memory_space<vmem>>) target(%dma_start3A_75 : memref<10240xf32, #tpu.memory_space<hbm>>) target_semaphore(%run_scoped3A : memref<!tpu.dma_semaphore, #tpu.memory_space<semaphore_mem>>)
        %dma_wait3A_76 = tpu.memref_slice %arg3[%add3A_73] : memref<2560000xf32, #tpu.memory_space<hbm>> -> memref<10240xf32, #tpu.memory_space<hbm>>
        %dma_wait3A_77 = tpu.memref_slice %arg3[%add3A_73] : memref<2560000xf32, #tpu.memory_space<hbm>> -> memref<10240xf32, #tpu.memory_space<hbm>>
        tpu.wait_dma2 semaphore(%run_scoped3A : memref<!tpu.dma_semaphore, #tpu.memory_space<semaphore_mem>>) src(%arg6 : memref<10240xf32, #tpu.memory_space<vmem>>) dst(%dma_wait3A_77 : memref<10240xf32, #tpu.memory_space<hbm>>)
        tpu.yield
      }) : () -> ()
    } else {
    }
    return
  }
}

module attributes {stable_mosaic.version = 14 : i64} {
  func.func @body(%arg0: i32, %arg1: memref<50x2048xf32, #tpu.memory_space<vmem>>, %arg2: memref<2048x64xf32, #tpu.memory_space<vmem>>, %arg3: memref<2048x64xf32, #tpu.memory_space<vmem>>, %arg4: memref<50x64xf32, #tpu.memory_space<vmem>>) attributes {dimension_semantics = [#tpu.dimension_semantics<arbitrary>], iteration_bounds = array<i64: 25>, scalar_prefetch = 0 : i64, scratch_operands = 0 : i64, tpu.core_type = #tpu.core_type<tc>, window_params = [{transform_indices = @transform_0, window_bounds = array<i64: 50, 2048>}, {transform_indices = @transform_1, window_bounds = array<i64: 2048, 64>}, {transform_indices = @transform_2, window_bounds = array<i64: 2048, 64>}, {pipeline_mode = #tpu.pipeline_mode<synchronous>, transform_indices = @transform_3, window_bounds = array<i64: 50, 64>}]} {
    %get3A = arith.constant 0 : index
    %get3A_0 = arith.constant 0 : index
    %get3A_1 = vector.load %arg1[%get3A, %get3A_0] : memref<50x2048xf32, #tpu.memory_space<vmem>>, vector<50x2048xf32>
    %bitcast_convert_type3A = tpu.bitcast %get3A_1 : vector<50x2048xf32> -> vector<50x2048xi32>
    %shift_left3A = arith.constant 16 : i32
    %shift_left3A_2 = vector.broadcast %shift_left3A : i32 to vector<50x2048xi32>
    %shift_left3A_3 = arith.shli %bitcast_convert_type3A, %shift_left3A_2 : vector<50x2048xi32>
    %bitcast_convert_type3A_4 = tpu.bitcast %shift_left3A_3 : vector<50x2048xi32> -> vector<50x2048xf32>
    %and3A = arith.constant -65536 : i32
    %and3A_5 = vector.broadcast %and3A : i32 to vector<50x2048xi32>
    %and3A_6 = arith.andi %bitcast_convert_type3A, %and3A_5 : vector<50x2048xi32>
    %bitcast_convert_type3A_7 = tpu.bitcast %and3A_6 : vector<50x2048xi32> -> vector<50x2048xf32>
    %get3A_8 = arith.constant 0 : index
    %get3A_9 = arith.constant 0 : index
    %get3A_10 = vector.load %arg2[%get3A_8, %get3A_9] : memref<2048x64xf32, #tpu.memory_space<vmem>>, vector<2048x64xf32>
    %get3A_11 = arith.constant 0 : index
    %get3A_12 = arith.constant 0 : index
    %get3A_13 = vector.load %arg3[%get3A_11, %get3A_12] : memref<2048x64xf32, #tpu.memory_space<vmem>>, vector<2048x64xf32>
    %mul3A = arith.constant 2048 : i32
    %mul3A_14 = arith.muli %arg0, %mul3A : i32
    %add3A = arith.constant 51200 : i32
    %add3A_15 = arith.addi %add3A, %mul3A_14 : i32
    %iota3A = tpu.iota {dimensions = array<i32: 0>} : vector<2048x64xi32>
    %add3A_16 = vector.broadcast %add3A_15 : i32 to vector<2048x64xi32>
    %add3A_17 = arith.addi %add3A_16, %iota3A : vector<2048x64xi32>
    %lt3A = arith.constant 100000 : i32
    %lt3A_18 = vector.broadcast %lt3A : i32 to vector<2048x64xi32>
    %lt3A_19 = arith.cmpi slt, %add3A_17, %lt3A_18 : vector<2048x64xi32>
    %jit3A = arith.constant 0.000000e+00 : f32
    %broadcast_in_dim3A = vector.broadcast %jit3A : f32 to vector<2048x64xf32>
    %select_n3A = arith.select %lt3A_19, %get3A_13, %broadcast_in_dim3A : vector<2048x64xi1>, vector<2048x64xf32>
    %dot_general3A = arith.constant dense<0.000000e+00> : vector<50x64xf32>
    %dot_general3A_20 = tpu.matmul %bitcast_convert_type3A_4, %get3A_10, %dot_general3A {dimension_numbers = #tpu.dot_dimension_numbers<[1], [0], [0], [1], [0, 0, 1, 1], [], []>, transpose_lhs_hint = false} : vector<50x2048xf32>, vector<2048x64xf32>, vector<50x64xf32> -> vector<50x64xf32>
    %dot_general3A_21 = arith.constant dense<0.000000e+00> : vector<50x64xf32>
    %dot_general3A_22 = tpu.matmul %bitcast_convert_type3A_7, %select_n3A, %dot_general3A_21 {dimension_numbers = #tpu.dot_dimension_numbers<[1], [0], [0], [1], [0, 0, 1, 1], [], []>, transpose_lhs_hint = false} : vector<50x2048xf32>, vector<2048x64xf32>, vector<50x64xf32> -> vector<50x64xf32>
    %add3A_23 = arith.addf %dot_general3A_20, %dot_general3A_22 : vector<50x64xf32>
    %eq3A = arith.constant 0 : i32
    %eq3A_24 = arith.cmpi eq, %arg0, %eq3A : i32
    %convert_element_type3A = arith.extui %eq3A_24 : i1 to i32
    %cond3A = arith.constant 0 : i32
    %cond3A_25 = arith.cmpi ne, %convert_element_type3A, %cond3A : i32
    scf.if %cond3A_25 {
      %broadcast_in_dim3A_32 = arith.constant 0.000000e+00 : f32
      %broadcast_in_dim3A_33 = vector.broadcast %broadcast_in_dim3A_32 : f32 to vector<50x64xf32>
      %swap3A_34 = arith.constant 0 : index
      %swap3A_35 = arith.constant 0 : index
      %swap3A_36 = vector.load %arg4[%swap3A_34, %swap3A_35] : memref<50x64xf32, #tpu.memory_space<vmem>>, vector<50x64xf32>
      tpu.vector_store %arg4[%swap3A_34, %swap3A_35], %broadcast_in_dim3A_33 {strides = array<i32>} : memref<50x64xf32, #tpu.memory_space<vmem>>, vector<50x64xf32>,
    } else {
    }
    %get3A_26 = arith.constant 0 : index
    %get3A_27 = arith.constant 0 : index
    %get3A_28 = vector.load %arg4[%get3A_26, %get3A_27] : memref<50x64xf32, #tpu.memory_space<vmem>>, vector<50x64xf32>
    %add3A_29 = arith.addf %get3A_28, %add3A_23 : vector<50x64xf32>
    %swap3A = arith.constant 0 : index
    %swap3A_30 = arith.constant 0 : index
    %swap3A_31 = vector.load %arg4[%swap3A, %swap3A_30] : memref<50x64xf32, #tpu.memory_space<vmem>>, vector<50x64xf32>
    tpu.vector_store %arg4[%swap3A, %swap3A_30], %add3A_29 {strides = array<i32>} : memref<50x64xf32, #tpu.memory_space<vmem>>, vector<50x64xf32>,
    return
  }
  func.func @transform_0(%arg0: i32) -> (i32, i32) {
    %c0_i32 = arith.constant 0 : i32
    %c0_i32_0 = arith.constant 0 : i32
    return %c0_i32, %arg0 : i32, i32
  }
  func.func @transform_1(%arg0: i32) -> (i32, i32) {
    %c0_i32 = arith.constant 0 : i32
    %c0_i32_0 = arith.constant 0 : i32
    return %arg0, %c0_i32 : i32, i32
  }
  func.func @transform_2(%arg0: i32) -> (i32, i32) {
    %add3A = arith.constant 25 : i32
    %add3A_0 = arith.addi %arg0, %add3A : i32
    %min3A = arith.constant 48 : i32
    %min3A_1 = arith.minsi %add3A_0, %min3A : i32
    %c0_i32 = arith.constant 0 : i32
    %c0_i32_2 = arith.constant 0 : i32
    return %min3A_1, %c0_i32 : i32, i32
  }
  func.func @transform_3(%arg0: i32) -> (i32, i32) {
    %c0_i32 = arith.constant 0 : i32
    %c0_i32_0 = arith.constant 0 : i32
    %c0_i32_1 = arith.constant 0 : i32
    return %c0_i32, %c0_i32_0 : i32, i32
  }
}

module attributes {stable_mosaic.version = 14 : i64} {
  func.func @body(%arg0: i32, %arg1: memref<50x64xf32, #tpu.memory_space<vmem>>, %arg2: memref<16384x64xf32, #tpu.memory_space<vmem>>, %arg3: memref<1x16384xf32, #tpu.memory_space<vmem>>, %arg4: memref<50x16384xf32, #tpu.memory_space<vmem>>) attributes {dimension_semantics = [#tpu.dimension_semantics<parallel>], iteration_bounds = array<i64: 7>, scalar_prefetch = 0 : i64, scratch_operands = 0 : i64, tpu.core_type = #tpu.core_type<tc>, window_params = [{pipeline_mode = #tpu.pipeline_mode<synchronous>, transform_indices = @transform_0, window_bounds = array<i64: 50, 64>}, {transform_indices = @transform_1, window_bounds = array<i64: 16384, 64>}, {transform_indices = @transform_2, window_bounds = array<i64: 1, 16384>}, {transform_indices = @transform_3, window_bounds = array<i64: 50, 16384>}]} {
    %get3A = arith.constant 0 : index
    %get3A_0 = arith.constant 0 : index
    %get3A_1 = vector.load %arg1[%get3A, %get3A_0] : memref<50x64xf32, #tpu.memory_space<vmem>>, vector<50x64xf32>
    %get3A_2 = arith.constant 0 : index
    %get3A_3 = arith.constant 0 : index
    %get3A_4 = vector.load %arg2[%get3A_2, %get3A_3] : memref<16384x64xf32, #tpu.memory_space<vmem>>, vector<16384x64xf32>
    %get3A_5 = arith.constant 0 : index
    %get3A_6 = arith.constant 0 : index
    %get3A_7 = vector.load %arg3[%get3A_5, %get3A_6] : memref<1x16384xf32, #tpu.memory_space<vmem>>, vector<1x16384xf32>
    %dot_general3A = arith.constant dense<0.000000e+00> : vector<50x16384xf32>
    %dot_general3A_8 = tpu.matmul %get3A_1, %get3A_4, %dot_general3A {dimension_numbers = #tpu.dot_dimension_numbers<[1], [1], [0], [0], [0, 0, 1, 0], [], []>, transpose_lhs_hint = false} : vector<50x64xf32>, vector<16384x64xf32>, vector<50x16384xf32> -> vector<50x16384xf32>
    %add3A = vector.broadcast %get3A_7 : vector<1x16384xf32> to vector<50x16384xf32>
    %add3A_9 = arith.addf %dot_general3A_8, %add3A : vector<50x16384xf32>
    %swap3A = arith.constant 0 : index
    %swap3A_10 = arith.constant 0 : index
    %swap3A_11 = vector.load %arg4[%swap3A, %swap3A_10] : memref<50x16384xf32, #tpu.memory_space<vmem>>, vector<50x16384xf32>
    tpu.vector_store %arg4[%swap3A, %swap3A_10], %add3A_9 {strides = array<i32>} : memref<50x16384xf32, #tpu.memory_space<vmem>>, vector<50x16384xf32>,
    return
  }
  func.func @transform_0(%arg0: i32) -> (i32, i32) {
    %c0_i32 = arith.constant 0 : i32
    %c0_i32_0 = arith.constant 0 : i32
    %c0_i32_1 = arith.constant 0 : i32
    return %c0_i32, %c0_i32_0 : i32, i32
  }
  func.func @transform_1(%arg0: i32) -> (i32, i32) {
    %c0_i32 = arith.constant 0 : i32
    %c0_i32_0 = arith.constant 0 : i32
    return %arg0, %c0_i32 : i32, i32
  }
  func.func @transform_2(%arg0: i32) -> (i32, i32) {
    %c0_i32 = arith.constant 0 : i32
    %c0_i32_0 = arith.constant 0 : i32
    return %c0_i32, %arg0 : i32, i32
  }
  func.func @transform_3(%arg0: i32) -> (i32, i32) {
    %c0_i32 = arith.constant 0 : i32
    %c0_i32_0 = arith.constant 0 : i32
    return %c0_i32, %arg0 : i32, i32
  }
}

</mosaic_0001>

<sc_bundles>
// kernel: kernel.5.cloned.1.call-start
scs
__scs_entry_jumppad:
0x0: {  	(pc) =	sbr.rel $0x88, $3  }
0x1: {  	(tag) =	ssettag $0x0;
	lr =	simm.s32 $0x1  }
0x2: {  	[smem:$0x3F9D] =	sst lr;
	_ =	strace $0xD0000000  }
0x3: {  	_ = 	snop  }
0x4: {  	_ = 	snop  }
0x5: {  	_ = 	snop  }
0x6: {  	_ = 	snop  }
0x7: {  	_ = 	snop  }
__scs_overlays_trampoline_lowered:
0x8: {  	[smem:$0x3FAC] =	sst s0  }
0x9: {  	[smem:$0x3FAD] =	sst s1  }
0xa: {  	[smem:$0x3FAE] =	sst s2  }
0xb: {  	[smem:$0x3FAF] =	sst s3  }
0xc: {  	[smem:$0x3FB0] =	sst s4  }
0xd: {  	[smem:$0x3FB1] =	sst s5  }
0xe: {  	[smem:$0x3FB2] =	sst s6  }
0xf: {  	[smem:$0x3FB3] =	sst s7  }
0x10: {  	[smem:$0x3FB4] =	sst s8  }
0x11: {  	[smem:$0x3FB5] =	sst s9;
	s0 =	simm.s32 @!p0 $0x0  }
0x12: {  	s1 =	sld [smem:$0x3F9B];
	s0 =	simm.s32 @p0 $0x1  }
0x13: {  	[smem:$0x3FB6] =	sst s0;
	s0 =	simm.s32 @!p1 $0x0  }
0x14: {  	s2 =	sld [smem:$0x3F9A];
	s0 =	simm.s32 @p1 $0x1  }
0x15: {  	[smem:$0x3FB7] =	sst s0;
	s0 =	simm.s32 @!p2 $0x0  }
0x16: {  	s3 =	sld [smem:$0x3FDB];
	s0 =	simm.s32 @p2 $0x1  }
0x17: {  	s4 =	simm.s32 $0x1BF5;
	[smem:$0x3FB9] =	sst s0  }
0x18: {  	s0 =	sld [smem:$0x3F9C];
	_ =	swait.ge [sflag:s4], $0x0  }
0x19: {  	s7 =	sld [smem:$0x3F9D]  }
0x1a: {  	s8 =	sadd.s32 $0xFFFFE003, lr  }
0x1b: {  	s9 =	sadd.s32 $0xFFFFFEF7, lr;
	s5 =	simm.s32 $0xFFFFFFFF;
	p2 =	slt.u32 s8, $0xFFFFF086  }
0x1c: {  	p1 =	slt.u32 s9, $0xF7A;
	s5 =	simm.s32 @!p2 $0x0  }
0x1d: {  	s5 =	simm.s32 @p1 $0x1;
	p0 =	seq.s32 s7, s2  }
0x1e: {  	s7 =	smul.u32 @!p0 $0xF7A, s2;
	p2 =	seq.s32 @!p0 s5, $0x0  }
0x1f: {  	s9 =	smul.u32 $0xF7A, s1;
	s8 =	simm.s32 @!p0 $0x1BF5;
	p2 =	por !p2, p0  }
0x20: {  	[sflag:s8] =	ssyncset.s32 @!p0 $0xFFFFF086;
	s6 =	sadd.s32 @!p0 s3, s7;
	s7 =	simm.s32 @!p0 $0x108  }
0x21: {  	s3 =	sadd.s32 s3, s9;
	s6 =	sadd.s32 @!p0 $0x88, s6;
	s7 =	simm.s32 @p2 $0x1082  }
0x22: {  	[simem:s7], [sflag:s8] =	dma.local @!p0 [hbm:s6], $0xF7A  }
0x23: {  	s9 =	sor.u32 $0xD0000000, s2;
	s6 =	simm.s32 $0x108;
	_ =	swait.ge @!p0 [sflag:s8], $0x0  }
0x24: {  	s3 =	sadd.s32 $0x88, s3;
	s6 =	simm.s32 @!p1 $0x1082;
	[sflag:s4] =	ssyncset.s32 $0xFFFFF086  }
0x25: {  	[simem:s6], [sflag:s4] =	dma.local [hbm:s3], $0xF7A  }
0x26: {  	[smem:$0x3F9D] =	sst s1;
	(tag) =	ssettag s2;
	_ =	strace s9  }
0x27: {  	s1 =	sld [smem:$0x3FAD]  }
0x28: {  	s2 =	sld [smem:$0x3FAE]  }
0x29: {  	s4 =	sld [smem:$0x3FB0]  }
0x2a: {  	p0 =	seq.s32 s5, $0x0;
	s5 =	sld [smem:$0x3FB1]  }
0x2b: {  	s6 =	sld [smem:$0x3FB2]  }
0x2c: {  	s7 =	sld [smem:$0x3FB3]  }
0x2d: {  	s3 =	simm.s32 $0x108;
	s8 =	sld [smem:$0x3FB4]  }
0x2e: {  	s3 =	simm.s32 @!p0 $0x1082;
	s9 =	sld [smem:$0x3FB5]  }
0x2f: {  	lr =	sadd.s32 s0, s3;
	s0 =	sld [smem:$0x3FAC]  }
0x30: {  	s3 =	sld [smem:$0x3FAF]  }
0x31: {  	[smem:$0x3FB8] =	sst s10  }
0x32: {  	s10 =	sld [smem:$0x3FB6];
	_ =	sdelay $0x3  }
0x33: {  	p0 =	seq.s32 s10, $0x1;
	s10 =	sld [smem:$0x3FB8];
	_ =	sdelay $0x3  }
0x34: {  	[smem:$0x3FB8] =	sst s10  }
0x35: {  	s10 =	sld [smem:$0x3FB7];
	_ =	sdelay $0x3  }
0x36: {  	p1 =	seq.s32 s10, $0x1;
	s10 =	sld [smem:$0x3FB8];
	_ =	sdelay $0x3  }
0x37: {  	[smem:$0x3FB8] =	sst s10  }
0x38: {  	s10 =	sld [smem:$0x3FB9]  }
0x39: {  	_ = 	snop;
	(pc) =	sbr.ind lr, $3  }
0x3a: {  	_ = 	snop  }
0x3b: {  	_ = 	snop  }
0x3c: {  	p2 =	seq.s32 s10, $0x1;
	s10 =	sld [smem:$0x3FB8]  }
0x3d: {  	_ =	shalt  }
0x3e: {  	_ =	shalt  }
0x3f: {  	_ =	shalt  }
0x40: {  	_ =	shalt  }
0x41: {  	_ =	shalt  }
0x42: {  	_ =	shalt  }
0x43: {  	_ =	shalt  }
0x44: {  	_ =	shalt  }
0x45: {  	_ =	shalt  }
0x46: {  	_ =	shalt  }
0x47: {  	_ =	shalt  }
0x48: {  	_ =	shalt  }
0x49: {  	_ =	shalt  }
0x4a: {  	_ =	shalt  }
0x4b: {  	_ =	shalt  }
0x4c: {  	_ =	shalt  }
0x4d: {  	_ =	shalt  }
0x4e: {  	_ =	shalt  }
0x4f: {  	_ =	shalt  }
0x50: {  	_ =	shalt  }
0x51: {  	_ =	shalt  }
0x52: {  	_ =	shalt  }
0x53: {  	_ =	shalt  }
0x54: {  	_ =	shalt  }
0x55: {  	_ =	shalt  }
0x56: {  	_ =	shalt  }
0x57: {  	_ =	shalt  }
0x58: {  	_ =	shalt  }
0x59: {  	_ =	shalt  }
0x5a: {  	_ =	shalt  }
0x5b: {  	_ =	shalt  }
0x5c: {  	_ =	shalt  }
0x5d: {  	_ =	shalt  }
0x5e: {  	_ =	shalt  }
0x5f: {  	_ =	shalt  }
0x60: {  	_ =	shalt  }
0x61: {  	_ =	shalt  }
0x62: {  	_ =	shalt  }
0x63: {  	_ =	shalt  }
0x64: {  	_ =	shalt  }
0x65: {  	_ =	shalt  }
0x66: {  	_ =	shalt  }
0x67: {  	_ =	shalt  }
0x68: {  	_ =	shalt  }
0x69: {  	_ =	shalt  }
0x6a: {  	_ =	shalt  }
0x6b: {  	_ =	shalt  }
0x6c: {  	_ =	shalt  }
0x6d: {  	_ =	shalt  }
0x6e: {  	_ =	shalt  }
0x6f: {  	_ =	shalt  }
0x70: {  	_ =	shalt  }
0x71: {  	_ =	shalt  }
0x72: {  	_ =	shalt  }
0x73: {  	_ =	shalt  }
0x74: {  	_ =	shalt  }
0x75: {  	_ =	shalt  }
0x76: {  	_ =	shalt  }
0x77: {  	_ =	shalt  }
0x78: {  	_ =	shalt  }
0x79: {  	_ =	shalt  }
0x7a: {  	_ =	shalt  }
0x7b: {  	_ =	shalt  }
0x7c: {  	_ =	shalt  }
0x7d: {  	_ =	shalt  }
0x7e: {  	_ =	shalt  }
0x7f: {  	_ =	shalt  }
0x80: {  	_ =	shalt  }
0x81: {  	_ =	shalt  }
0x82: {  	_ =	shalt  }
0x83: {  	_ =	shalt  }
0x84: {  	_ =	shalt  }
0x85: {  	_ =	shalt  }
0x86: {  	_ =	shalt  }
0x87: {  	_ =	shalt  }
.Lfunc_end0:
.L_simem_size_0:
called_computation_lowered:
.L_overlay_start_0:
0x88: {  	s2 =	sld [smem:$0x3FD9]  }
0x89: {  	s3 =	sld [smem:$0x3FFE];
	_ =	sdelay $0x1  }
0x8a: {  	s1 =	srdreg.scid  }
0x8b: {  	s0 =	sand.u32 $0x1, s1  }
0x8c: {  	s17 =	sshll.u32 s0, $0xA;
	s2 =	sadd.s32 s3, s2  }
0x8d: {  	s2 =	sadd.s32 s2, s17  }
0x8e: {  	[smem:$0x3FC4] =	sst s2  }
0x8f: {  	_ = 	snop  }
0x90: {  	s2 =	sld [smem:$0x3FD0];
	(tm) =	ssettm $0x1  }
0x91: {  	s18 =	sld [smem:$0x3FFB];
	_ =	sdelay $0x3  }
0x92: {  	_ =	strace s18  }
0x93: {  	s3 =	sld [smem:$0x3FFC];
	_ =	sdelay $0x3  }
0x94: {  	_ =	strace s3  }
0x95: {  	s3 =	sld [smem:$0x3FFD];
	_ =	sdelay $0x3  }
0x96: {  	_ =	strace s3  }
0x97: {  	_ =	strace $0x8FFFFFFF  }
0x98: {  	s19 =	sld [smem:$0x3FDB];
	_ =	sdelay $0x1  }
0x99: {  	s4 =	simm.s32 $_scs_section_size  }
0x9a: {  	s5 =	simm.s32 $_size__tile_overlayer_lowered;
	s6 =	simm.s32 $_tile_overlayer_lowered  }
0x9b: {  	s22 =	simm.s32 $0x1BFF;
	s21 =	sshll.u32 s6, $0x1;
	s3 =	sadd.s32 s4, s19  }
0x9c: {  	s7 =	simm.s32 $0x0;
	s20 =	sshll.u32 s5, $0x1;
	s5 =	sadd.s32 s21, s3  }
0x9d: {  	[timem:s7], [sflag:s22] =	dma.local [hbm:s5], s20  }
0x9e: {  	_ =	swait.ge [sflag:s22], s20  }
0x9f: {  	s4 =	ssub.s32 $0x0, s20;
	[sflag:s22] =	ssyncset.done $0x0  }
0xa0: {  	[sflag:s22] =	ssyncadd.s32 s4;
	_ =	sdelay $0x1  }
0xa1: {  	s23 =	simm.s32 $0x1B8B  }
0xa2: {  	_ =	swait.ge [sflag:s23], $0x1  }
0xa3: {  	[sflag:s23] =	ssyncset.done $0x0  }
0xa4: {  	s25 =	simm.s32 $0x1B8E;
	s24 =	sld [smem:$0x3FFE];
	[sflag:s23] =	ssyncadd.s32 $0xFFFFFFFF  }
0xa5: {  	s26 =	simm.s32 $execute0_lowered;
	[smem:$0x3FD2] =	sst s25  }
0xa6: {  	s5 =	sshll.u32 s26, $0x1;
	_ =	strace $0x80000046;
	[dreg:$0x1] =	wrdreg $0xFFFFFFFF  }
0xa7: {  	s28 =	simm.s32 $_size_execute0_lowered;
	s3 =	sadd.s32 s3, s5;
	[dreg:$0x0] =	wrdreg $0x0  }
0xa8: {  	s5 =	sshll.u32 s28, $0x1;
	[dreg:$0x2] =	wrdreg s3  }
0xa9: {  	[dreg:$0x3] =	wrdreg s5  }
0xaa: {  	[dreg:$0x4] =	wrdreg $0xC0  }
0xab: {  	_ =	task [dreg:s7], $0x5FFFF  }
0xac: {  	[dreg:$0x1] =	wrdreg $0xFFFFFFFF  }
0xad: {  	[dreg:$0x0] =	wrdreg $0x60  }
0xae: {  	[dreg:$0x2] =	wrdreg s24  }
0xaf: {  	[dreg:$0x3] =	wrdreg s2  }
0xb0: {  	[dreg:$0x4] =	wrdreg $0x9  }
0xb1: {  	_ =	task.clear_ibuf [dreg:s7], $0x5FFFF;
	_ =	strace $0x90000046  }
0xb2: {  	s29 =	simm.s32 $0x9;
	_ =	strace $0x80000048  }
0xb3: {  	_ =	swait.ge [sflag:s29], $0x1  }
0xb4: {  	[sflag:s29] =	ssyncadd.s32 $0xFFFFFFFF  }
0xb5: {  	_ =	strace $0x90000048  }
0xb6: {  	_ =	sfence  }
0xb7: {  	s30 =	sld [smem:$0x0];
	_ =	sdelay $0x2  }
0xb8: {  	s31 =	sshll.u32 s1, $0xD;
	s1 =	sshrl.u32 s1, $0x2  }
0xb9: {  	s3 =	sand.u32 $0x4000, s31;
	s1 =	sadd.s32 s1, s30  }
0xba: {  	s0 =	sor.u32 s3, s0;
	s1 =	sshll.u32 s1, $0x11  }
0xbb: {  	s0 =	sor.u32 s1, s0  }
0xbc: {  	s0 =	sadd.s32 $0x8F2B, s0  }
0xbd: {  	[sflag:s0] =	ssyncadd.remote.s32 $0x1  }
0xbe: {  	_ =	sfence.sel $0xFFFF  }
0xbf: {  	[dreg:$0x0] =	wrdreg $0xFFFFFFFF;
	(pc) =	sbr.abs _section_cstart, $3  }
0xc0: {  	[dreg:$0x1] =	wrdreg $0xFFFFFFFF  }
0xc1: {  	_ =	task.clear_ibuf [dreg:s7], $0x2FFFF;
	_ =	strace $0x9FFFFFFF  }
0xc2: {  	(tm) =	ssettm $0x7FFFFFFF  }
0xc3: {  	_ =	shalt  }
tec
execute0_lowered:
.L_overlay_start_1:
0x0: {  	(tag) =	ssettag $0x1  }
0x1: {  	s3 =	rddreg [dreg:$0x0]  }
0x2: {  	s1 =	srdreg.scid;
	s0 =	stileid.u32  }
0x3: {  	s9 =	rddreg [dreg:$0x1];
	s2 =	simm.s32 $0x0;
	s16 =	simm.s32 $0x19000  }
0x4: {  	s17 =	simm.s32 $0x1;
	s18 =	simm.s32 $0x1D000;
	s19 =	simm.s32 $0x2  }
0x5: {  	s20 =	simm.s32 $0x0;
	s4 =	sand.u32 $0x1, s1;
	s1 =	rddreg [dreg:$0x2]  }
0x6: {  	s5 =	sshll.u32 s0, $0x1;
	[smem:$0x7FF] =	sst s2;
	s10 =	sadd.s32 $0x2200, s3  }
0x7: {  	p0 =	sgt.u32 s0, $0x8;
	s5 =	sor.u32 s4, s5;
	_ =	strace $0x80000047  }
0x8: {  	s4 =	ssub.s32 $0x2, s4;
	s6 =	smul.u32 $0xC800, s5;
	s11 =	sor.u32 $0x20, s5  }
0x9: {  	s7 =	sshrl.u32 s4, $0x1;
	s5 =	sshll.u32 s5, $0xB;
	s8 =	smul.u32 $0xC800, s11  }
0xa: {  	s15 =	ssub.s32 s4, s7;
	s4 =	sadd.s32 s10, s5;
	s11 =	sshll.u32 s11, $0xB  }
.Ltmp0:
0xb: {  	s31 =	sshrl.u32 s6, $0x3;
	s10 =	sadd.s32 s10, s11;
	(pc) =	sbr.rel .LBB2_1-.Ltmp0, $4  }
0xc: {  	s15 =	smax.u32 s15, $0x1;
	s3 =	sadd.s32 s9, s31;
	s12 =	sshrl.u32 s8, $0x3  }
0xd: {  	s5 =	sadd.s32 $0x500, s3;
	s6 =	sadd.s32 $0xA00, s3;
	s9 =	sadd.s32 s9, s12  }
0xe: {  	s7 =	sadd.s32 $0xF00, s3;
	s8 =	sadd.s32 $0x1400, s3;
	s11 =	sadd.s32 $0x500, s9  }
0xf: {  	v0 =	vimm.f32 $0.0e+00;
	v1 =	vimm.s32 $0x0;
	v2 =	vimm.f32 $6.103515630e-05;
	s12 =	sadd.s32 $0xA00, s9;
	s13 =	sadd.s32 $0xF00, s9;
	s14 =	sadd.s32 $0x1400, s9  }
.LBB2_30:
0x10: {  	v3 =	vld [tilespmem:s21+$0xE0]  }
0x11: {  	v4 =	vld [tilespmem:s21+$0xF0];
	_ =	sdelay $0x4  }
0x12: {  	v3 =	vpack.i.f32.bf16 v4, v3  }
0x13: {  	[tilespmem:s23+$0x30] =	vst v3  }
0x14: {  	[hbm4b:s14+s2] =	stream.linear.scatter [tilespmem:s18], [sflag:$0x2], $0x2800, $0x38;
	[tilespmem:$0x1F800] =	vst v63  }
0x15: {  	_ =	swait.ge [sflag:s19], $0x2800  }
0x16: {  	[sflag:s19] =	ssyncset.done $0x0  }
0x17: {  	[sflag:s19] =	ssyncadd.s32 $0xFFFFD800  }
.LBB2_31:
0x18: {  	s20 =	sadd.s32 $0x1, s20  }
0x19: {  	p1 =	sne.s32 s20, s15  }
.Ltmp1:
0x1a: {  	_ = 	snop;
	(pc) =	sbr.rel @!p1 .LBB2_32-.Ltmp1, $1  }
0x1b: {  	_ =	sdelay $0x3  }
.LBB2_1:
0x1c: {  	[tilespmem:s16], [sflag:$0x1] =	stream.linear.gather [hbm4b:s4+s2], $0x4000, $0x38;
	[tilespmem:$0x1F800] =	vst v63  }
0x1d: {  	s21 =	simm.s32 $0x40  }
0x1e: {  	[tilespmem:s21+$0xFFFFFFC0] =	vst v0  }
0x1f: {  	[tilespmem:s21+$0x30] =	vst v0  }
0x20: {  	[tilespmem:s21+$0x20] =	vst v0  }
0x21: {  	[tilespmem:s21+$0x10] =	vst v0  }
0x22: {  	[tilespmem:s21+$0x0] =	vst v0  }
0x23: {  	[tilespmem:s21+$0xFFFFFFF0] =	vst v0  }
0x24: {  	s22 =	simm.s32 $0x0;
	[tilespmem:s21+$0xFFFFFFE0] =	vst v0  }
.LBB2_2:
0x25: {  	s22 =	sadd.s32 $0x8, s22;
	[tilespmem:s21+$0xFFFFFFD0] =	vst v0;
	s21 =	sadd.s32 $0x80, s21  }
0x26: {  	[tilespmem:s21+$0xFFFFFFC0] =	vst v0;
	p1 =	slt.u32 s22, $0x18F8  }
0x27: {  	[tilespmem:s21+$0x30] =	vst v0  }
.Ltmp2:
0x28: {  	[tilespmem:s21+$0x20] =	vst v0;
	(pc) =	sbr.rel @p1 .LBB2_2-.Ltmp2, $4  }
0x29: {  	[tilespmem:s21+$0x10] =	vst v0  }
0x2a: {  	[tilespmem:s21+$0x0] =	vst v0  }
0x2b: {  	[tilespmem:s21+$0xFFFFFFF0] =	vst v0  }
0x2c: {  	[tilespmem:s21+$0xFFFFFFE0] =	vst v0  }
0x2d: {  	[tilespmem:s21+$0xFFFFFFD0] =	vst v0  }
0x2e: {  	_ =	swait.ge [sflag:s17], $0x4000  }
0x2f: {  	[sflag:s17] =	ssyncset.done $0x0  }
0x30: {  	s23 =	simm.s32 $0xFFFFFFF8;
	s24 =	simm.s32 $0x19040;
	[sflag:s17] =	ssyncadd.s32 $0xFFFFC000  }
.LBB2_4:
0x31: {  	v3 =	vld [tilespmem:s24+$0xFFFFFFC0];
	_ =	sdelay $0x4  }
0x32: {  	vm0 =	vgt.s32 v3, $0xC7FF;
	v4 =	vadd.s32 $0xFFFF3800, v3  }
0x33: {  	v3 =	vsel vm0, v4, v3  }
0x34: {  	v5 =	vsel vm0, $0x10, v1;
	v4 =	vand.u32 $0xF, v3;
	v3 =	vshll.u32 v3, $0x1  }
0x35: {  	v4 =	vor.u32 v5, v4;
	v3 =	vand.u32 $0xFFFFFFE0, v3  }
0x36: {  	v3 =	vor.u32 v3, v4;
	_ =	sdelay $0x4  }
0x37: {  	[tilespmem:v3+s2+$0x0] =	vst.idx.add.f32.msk $0xffff, v2  }
0x38: {  	v3 =	vld [tilespmem:s24+$0xFFFFFFD0];
	_ =	sdelay $0x4  }
0x39: {  	vm9 =	vgt.s32 v3, $0xC7FF;
	v50 =	vadd.s32 $0xFFFF3800, v3  }
0x3a: {  	v3 =	vsel vm9, v50, v3  }
0x3b: {  	v51 =	vsel vm9, $0x10, v1;
	v4 =	vand.u32 $0xF, v3;
	v3 =	vshll.u32 v3, $0x1  }
0x3c: {  	v4 =	vor.u32 v51, v4;
	v3 =	vand.u32 $0xFFFFFFE0, v3  }
0x3d: {  	v3 =	vor.u32 v3, v4;
	_ =	sdelay $0x4  }
0x3e: {  	[tilespmem:v3+s2+$0x0] =	vst.idx.add.f32.msk $0xffff, v2  }
0x3f: {  	v3 =	vld [tilespmem:s24+$0xFFFFFFE0];
	_ =	sdelay $0x4  }
0x40: {  	vm10 =	vgt.s32 v3, $0xC7FF;
	v52 =	vadd.s32 $0xFFFF3800, v3  }
0x41: {  	v3 =	vsel vm10, v52, v3  }
0x42: {  	v53 =	vsel vm10, $0x10, v1;
	v4 =	vand.u32 $0xF, v3;
	v3 =	vshll.u32 v3, $0x1  }
0x43: {  	v4 =	vor.u32 v53, v4;
	v3 =	vand.u32 $0xFFFFFFE0, v3  }
0x44: {  	v3 =	vor.u32 v3, v4;
	_ =	sdelay $0x4  }
0x45: {  	[tilespmem:v3+s2+$0x0] =	vst.idx.add.f32.msk $0xffff, v2  }
0x46: {  	v3 =	vld [tilespmem:s24+$0xFFFFFFF0];
	_ =	sdelay $0x4  }
0x47: {  	vm11 =	vgt.s32 v3, $0xC7FF;
	v54 =	vadd.s32 $0xFFFF3800, v3  }
0x48: {  	v3 =	vsel vm11, v54, v3  }
0x49: {  	v55 =	vsel vm11, $0x10, v1;
	v4 =	vand.u32 $0xF, v3;
	v3 =	vshll.u32 v3, $0x1  }
0x4a: {  	v4 =	vor.u32 v55, v4;
	v3 =	vand.u32 $0xFFFFFFE0, v3  }
0x4b: {  	v3 =	vor.u32 v3, v4;
	_ =	sdelay $0x4  }
0x4c: {  	[tilespmem:v3+s2+$0x0] =	vst.idx.add.f32.msk $0xffff, v2  }
0x4d: {  	v3 =	vld [tilespmem:s24+$0x0];
	_ =	sdelay $0x4  }
0x4e: {  	vm12 =	vgt.s32 v3, $0xC7FF;
	v56 =	vadd.s32 $0xFFFF3800, v3  }
0x4f: {  	v3 =	vsel vm12, v56, v3  }
0x50: {  	v57 =	vsel vm12, $0x10, v1;
	v4 =	vand.u32 $0xF, v3;
	v3 =	vshll.u32 v3, $0x1  }
0x51: {  	v4 =	vor.u32 v57, v4;
	v3 =	vand.u32 $0xFFFFFFE0, v3  }
0x52: {  	v3 =	vor.u32 v3, v4;
	_ =	sdelay $0x4  }
0x53: {  	[tilespmem:v3+s2+$0x0] =	vst.idx.add.f32.msk $0xffff, v2  }
0x54: {  	v3 =	vld [tilespmem:s24+$0x10];
	_ =	sdelay $0x4  }
0x55: {  	vm13 =	vgt.s32 v3, $0xC7FF;
	v58 =	vadd.s32 $0xFFFF3800, v3  }
0x56: {  	v3 =	vsel vm13, v58, v3  }
0x57: {  	v59 =	vsel vm13, $0x10, v1;
	v4 =	vand.u32 $0xF, v3;
	v3 =	vshll.u32 v3, $0x1  }
0x58: {  	v4 =	vor.u32 v59, v4;
	v3 =	vand.u32 $0xFFFFFFE0, v3  }
0x59: {  	v3 =	vor.u32 v3, v4;
	_ =	sdelay $0x4  }
0x5a: {  	[tilespmem:v3+s2+$0x0] =	vst.idx.add.f32.msk $0xffff, v2  }
0x5b: {  	v3 =	vld [tilespmem:s24+$0x20];
	_ =	sdelay $0x4  }
0x5c: {  	vm14 =	vgt.s32 v3, $0xC7FF;
	v60 =	vadd.s32 $0xFFFF3800, v3  }
0x5d: {  	v3 =	vsel vm14, v60, v3  }
0x5e: {  	v61 =	vsel vm14, $0x10, v1;
	v4 =	vand.u32 $0xF, v3;
	v3 =	vshll.u32 v3, $0x1  }
0x5f: {  	v4 =	vor.u32 v61, v4;
	v3 =	vand.u32 $0xFFFFFFE0, v3  }
0x60: {  	v3 =	vor.u32 v3, v4;
	_ =	sdelay $0x4  }
0x61: {  	[tilespmem:v3+s2+$0x0] =	vst.idx.add.f32.msk $0xffff, v2  }
0x62: {  	v3 =	vld [tilespmem:s24+$0x30];
	_ =	sdelay $0x4  }
0x63: {  	vm15 =	vgt.s32 v3, $0xC7FF;
	v62 =	vadd.s32 $0xFFFF3800, v3  }
0x64: {  	v3 =	vsel vm15, v62, v3  }
0x65: {  	v63 =	vsel vm15, $0x10, v1;
	v4 =	vand.u32 $0xF, v3;
	v3 =	vshll.u32 v3, $0x1  }
0x66: {  	s23 =	sadd.s32 $0x8, s23;
	v4 =	vor.u32 v63, v4;
	v3 =	vand.u32 $0xFFFFFFE0, v3  }
0x67: {  	p1 =	slt.u32 s23, $0x3F8;
	v3 =	vor.u32 v3, v4  }
.Ltmp3:
0x68: {  	_ = 	snop;
	(pc) =	sbr.rel @p1 .LBB2_4-.Ltmp3, $2  }
0x69: {  	_ =	sdelay $0x2  }
0x6a: {  	s22 =	simm.s32 $0x1D040;
	s21 =	simm.s32 $0x80;
	s24 =	sadd.s32 $0x80, s24;
	[tilespmem:v3+s2+$0x0] =	vst.idx.add.f32.msk $0xffff, v2  }
0x6b: {  	v3 =	vld [tilespmem:s21+$0xFFFFFF80]  }
0x6c: {  	v4 =	vld [tilespmem:s21+$0xFFFFFF90];
	_ =	sdelay $0x4  }
0x6d: {  	v3 =	vpack.i.f32.bf16 v4, v3  }
0x6e: {  	[tilespmem:s22+$0xFFFFFFC0] =	vst v3  }
0x6f: {  	v3 =	vld [tilespmem:s21+$0xFFFFFFB0]  }
0x70: {  	v58 =	vld [tilespmem:s21+$0xFFFFFFA0];
	_ =	sdelay $0x4  }
0x71: {  	v3 =	vpack.i.f32.bf16 v3, v58  }
0x72: {  	[tilespmem:s22+$0xFFFFFFD0] =	vst v3  }
0x73: {  	v3 =	vld [tilespmem:s21+$0xFFFFFFC0]  }
0x74: {  	v59 =	vld [tilespmem:s21+$0xFFFFFFD0];
	_ =	sdelay $0x4  }
0x75: {  	v3 =	vpack.i.f32.bf16 v59, v3  }
0x76: {  	[tilespmem:s22+$0xFFFFFFE0] =	vst v3  }
0x77: {  	v3 =	vld [tilespmem:s21+$0xFFFFFFE0]  }
0x78: {  	v60 =	vld [tilespmem:s21+$0xFFFFFFF0];
	_ =	sdelay $0x4  }
0x79: {  	v3 =	vpack.i.f32.bf16 v60, v3  }
0x7a: {  	[tilespmem:s22+$0xFFFFFFF0] =	vst v3  }
0x7b: {  	v3 =	vld [tilespmem:s21+$0x0]  }
0x7c: {  	v61 =	vld [tilespmem:s21+$0x10];
	_ =	sdelay $0x4  }
0x7d: {  	v3 =	vpack.i.f32.bf16 v61, v3  }
0x7e: {  	[tilespmem:s22+$0x0] =	vst v3  }
0x7f: {  	v3 =	vld [tilespmem:s21+$0x20]  }
0x80: {  	v62 =	vld [tilespmem:s21+$0x30];
	_ =	sdelay $0x4  }
0x81: {  	v3 =	vpack.i.f32.bf16 v62, v3  }
0x82: {  	[tilespmem:s22+$0x10] =	vst v3  }
0x83: {  	v3 =	vld [tilespmem:s21+$0x40]  }
0x84: {  	v63 =	vld [tilespmem:s21+$0x50];
	_ =	sdelay $0x4  }
0x85: {  	v3 =	vpack.i.f32.bf16 v63, v3  }
0x86: {  	s24 =	simm.s32 $0x0;
	s25 =	simm.s32 $0x80;
	s23 =	simm.s32 $0x1D040;
	[tilespmem:s22+$0x20] =	vst v3  }
.LBB2_6:
0x87: {  	s24 =	sadd.s32 $0x8, s24;
	v3 =	vld [tilespmem:s21+$0x60];
	s22 =	sadd.s32 $0x80, s22;
	s25 =	sadd.s32 $0x100, s25  }
0x88: {  	p1 =	slt.u32 s24, $0x278;
	v4 =	vld [tilespmem:s21+$0x70];
	s21 =	smov.u32 s25;
	_ =	sdelay $0x4  }
0x89: {  	v3 =	vpack.i.f32.bf16 v4, v3  }
0x8a: {  	[tilespmem:s23+$0x30] =	vst v3;
	s23 =	smov.u32 s22  }
0x8b: {  	v3 =	vld [tilespmem:s25+$0xFFFFFF80]  }
0x8c: {  	v4 =	vld [tilespmem:s25+$0xFFFFFF90];
	_ =	sdelay $0x4  }
0x8d: {  	v3 =	vpack.i.f32.bf16 v4, v3  }
0x8e: {  	[tilespmem:s22+$0xFFFFFFC0] =	vst v3  }
0x8f: {  	v3 =	vld [tilespmem:s25+$0xFFFFFFB0]  }
0x90: {  	v4 =	vld [tilespmem:s25+$0xFFFFFFA0];
	_ =	sdelay $0x4  }
0x91: {  	v3 =	vpack.i.f32.bf16 v3, v4  }
0x92: {  	[tilespmem:s22+$0xFFFFFFD0] =	vst v3  }
0x93: {  	v3 =	vld [tilespmem:s25+$0xFFFFFFC0]  }
0x94: {  	v4 =	vld [tilespmem:s25+$0xFFFFFFD0];
	_ =	sdelay $0x4  }
0x95: {  	v3 =	vpack.i.f32.bf16 v4, v3  }
0x96: {  	[tilespmem:s22+$0xFFFFFFE0] =	vst v3  }
0x97: {  	v3 =	vld [tilespmem:s25+$0xFFFFFFE0]  }
0x98: {  	v4 =	vld [tilespmem:s25+$0xFFFFFFF0];
	_ =	sdelay $0x4  }
0x99: {  	v3 =	vpack.i.f32.bf16 v4, v3  }
0x9a: {  	[tilespmem:s22+$0xFFFFFFF0] =	vst v3  }
0x9b: {  	v3 =	vld [tilespmem:s25+$0x0]  }
0x9c: {  	v4 =	vld [tilespmem:s25+$0x10];
	_ =	sdelay $0x4  }
0x9d: {  	v3 =	vpack.i.f32.bf16 v4, v3  }
0x9e: {  	[tilespmem:s22+$0x0] =	vst v3  }
0x9f: {  	v3 =	vld [tilespmem:s25+$0x20]  }
0xa0: {  	v4 =	vld [tilespmem:s25+$0x30];
	_ =	sdelay $0x4  }
0xa1: {  	v3 =	vpack.i.f32.bf16 v4, v3  }
0xa2: {  	[tilespmem:s22+$0x10] =	vst v3  }
0xa3: {  	v3 =	vld [tilespmem:s25+$0x40]  }
0xa4: {  	v4 =	vld [tilespmem:s25+$0x50];
	_ =	sdelay $0x1  }
.Ltmp4:
0xa5: {  	(pc) =	sbr.rel @p1 .LBB2_6-.Ltmp4, $3  }
0xa6: {  	_ =	sdelay $0x1  }
0xa7: {  	v3 =	vpack.i.f32.bf16 v4, v3  }
0xa8: {  	[tilespmem:s22+$0x20] =	vst v3  }
0xa9: {  	v3 =	vld [tilespmem:s21+$0x60]  }
0xaa: {  	v4 =	vld [tilespmem:s21+$0x70];
	_ =	sdelay $0x4  }
0xab: {  	v3 =	vpack.i.f32.bf16 v4, v3  }
0xac: {  	[tilespmem:s23+$0x30] =	vst v3  }
0xad: {  	[hbm4b:s3+s2] =	stream.linear.scatter [tilespmem:s18], [sflag:$0x2], $0x2800, $0x38;
	[tilespmem:$0x1F800] =	vst v63  }
0xae: {  	_ =	swait.ge [sflag:s19], $0x2800  }
0xaf: {  	[sflag:s19] =	ssyncset.done $0x0  }
0xb0: {  	s21 =	simm.s32 $0x5000;
	[sflag:s19] =	ssyncadd.s32 $0xFFFFD800  }
0xb1: {  	v3 =	vld [tilespmem:s21+$0x0]  }
0xb2: {  	v57 =	vld [tilespmem:s21+$0x10];
	_ =	sdelay $0x4  }
0xb3: {  	s22 =	simm.s32 $0x1D040;
	v3 =	vpack.i.f32.bf16 v57, v3  }
0xb4: {  	[tilespmem:s22+$0xFFFFFFC0] =	vst v3  }
0xb5: {  	v3 =	vld [tilespmem:s21+$0x30]  }
0xb6: {  	v58 =	vld [tilespmem:s21+$0x20];
	_ =	sdelay $0x4  }
0xb7: {  	v3 =	vpack.i.f32.bf16 v3, v58  }
0xb8: {  	[tilespmem:s22+$0xFFFFFFD0] =	vst v3  }
0xb9: {  	v3 =	vld [tilespmem:s21+$0x40]  }
0xba: {  	v59 =	vld [tilespmem:s21+$0x50];
	_ =	sdelay $0x4  }
0xbb: {  	v3 =	vpack.i.f32.bf16 v59, v3  }
0xbc: {  	[tilespmem:s22+$0xFFFFFFE0] =	vst v3  }
0xbd: {  	v3 =	vld [tilespmem:s21+$0x60]  }
0xbe: {  	v60 =	vld [tilespmem:s21+$0x70];
	_ =	sdelay $0x4  }
0xbf: {  	v3 =	vpack.i.f32.bf16 v60, v3  }
0xc0: {  	[tilespmem:s22+$0xFFFFFFF0] =	vst v3  }
0xc1: {  	v3 =	vld [tilespmem:s21+$0x80]  }
0xc2: {  	v61 =	vld [tilespmem:s21+$0x90];
	_ =	sdelay $0x4  }
0xc3: {  	v3 =	vpack.i.f32.bf16 v61, v3  }
0xc4: {  	[tilespmem:s22+$0x0] =	vst v3  }
0xc5: {  	v3 =	vld [tilespmem:s21+$0xA0]  }
0xc6: {  	v62 =	vld [tilespmem:s21+$0xB0];
	_ =	sdelay $0x4  }
0xc7: {  	v3 =	vpack.i.f32.bf16 v62, v3  }
0xc8: {  	[tilespmem:s22+$0x10] =	vst v3  }
0xc9: {  	v3 =	vld [tilespmem:s21+$0xC0]  }
0xca: {  	v63 =	vld [tilespmem:s21+$0xD0];
	_ =	sdelay $0x4  }
0xcb: {  	v3 =	vpack.i.f32.bf16 v63, v3  }
0xcc: {  	s24 =	simm.s32 $0x0;
	s25 =	simm.s32 $0x5000;
	s23 =	simm.s32 $0x1D040;
	[tilespmem:s22+$0x20] =	vst v3  }
.LBB2_8:
0xcd: {  	s24 =	sadd.s32 $0x8, s24;
	v3 =	vld [tilespmem:s21+$0xE0];
	s25 =	sadd.s32 $0x100, s25;
	s22 =	sadd.s32 $0x80, s22  }
0xce: {  	p1 =	slt.u32 s24, $0x278;
	v4 =	vld [tilespmem:s21+$0xF0];
	s21 =	smov.u32 s25;
	_ =	sdelay $0x4  }
0xcf: {  	v3 =	vpack.i.f32.bf16 v4, v3  }
0xd0: {  	[tilespmem:s23+$0x30] =	vst v3;
	s23 =	smov.u32 s22  }
0xd1: {  	v3 =	vld [tilespmem:s25+$0x0]  }
0xd2: {  	v4 =	vld [tilespmem:s25+$0x10];
	_ =	sdelay $0x4  }
0xd3: {  	v3 =	vpack.i.f32.bf16 v4, v3  }
0xd4: {  	[tilespmem:s22+$0xFFFFFFC0] =	vst v3  }
0xd5: {  	v3 =	vld [tilespmem:s25+$0x30]  }
0xd6: {  	v4 =	vld [tilespmem:s25+$0x20];
	_ =	sdelay $0x4  }
0xd7: {  	v3 =	vpack.i.f32.bf16 v3, v4  }
0xd8: {  	[tilespmem:s22+$0xFFFFFFD0] =	vst v3  }
0xd9: {  	v3 =	vld [tilespmem:s25+$0x40]  }
0xda: {  	v4 =	vld [tilespmem:s25+$0x50];
	_ =	sdelay $0x4  }
0xdb: {  	v3 =	vpack.i.f32.bf16 v4, v3  }
0xdc: {  	[tilespmem:s22+$0xFFFFFFE0] =	vst v3  }
0xdd: {  	v3 =	vld [tilespmem:s25+$0x60]  }
0xde: {  	v4 =	vld [tilespmem:s25+$0x70];
	_ =	sdelay $0x4  }
0xdf: {  	v3 =	vpack.i.f32.bf16 v4, v3  }
0xe0: {  	[tilespmem:s22+$0xFFFFFFF0] =	vst v3  }
0xe1: {  	v3 =	vld [tilespmem:s25+$0x80]  }
0xe2: {  	v4 =	vld [tilespmem:s25+$0x90];
	_ =	sdelay $0x4  }
0xe3: {  	v3 =	vpack.i.f32.bf16 v4, v3  }
0xe4: {  	[tilespmem:s22+$0x0] =	vst v3  }
0xe5: {  	v3 =	vld [tilespmem:s25+$0xA0]  }
0xe6: {  	v4 =	vld [tilespmem:s25+$0xB0];
	_ =	sdelay $0x4  }
0xe7: {  	v3 =	vpack.i.f32.bf16 v4, v3  }
0xe8: {  	[tilespmem:s22+$0x10] =	vst v3  }
0xe9: {  	v3 =	vld [tilespmem:s25+$0xC0]  }
0xea: {  	v4 =	vld [tilespmem:s25+$0xD0];
	_ =	sdelay $0x1  }
.Ltmp5:
0xeb: {  	(pc) =	sbr.rel @p1 .LBB2_8-.Ltmp5, $3  }
0xec: {  	_ =	sdelay $0x1  }
0xed: {  	v3 =	vpack.i.f32.bf16 v4, v3  }
0xee: {  	[tilespmem:s22+$0x20] =	vst v3  }
0xef: {  	v3 =	vld [tilespmem:s21+$0xE0]  }
0xf0: {  	v4 =	vld [tilespmem:s21+$0xF0];
	_ =	sdelay $0x4  }
0xf1: {  	v3 =	vpack.i.f32.bf16 v4, v3  }
0xf2: {  	[tilespmem:s23+$0x30] =	vst v3  }
0xf3: {  	[hbm4b:s5+s2] =	stream.linear.scatter [tilespmem:s18], [sflag:$0x2], $0x2800, $0x38;
	[tilespmem:$0x1F800] =	vst v63  }
0xf4: {  	_ =	swait.ge [sflag:s19], $0x2800  }
0xf5: {  	[sflag:s19] =	ssyncset.done $0x0  }
0xf6: {  	s21 =	simm.s32 $0xA000;
	[sflag:s19] =	ssyncadd.s32 $0xFFFFD800  }
0xf7: {  	v3 =	vld [tilespmem:s21+$0x0]  }
0xf8: {  	v57 =	vld [tilespmem:s21+$0x10];
	_ =	sdelay $0x4  }
0xf9: {  	s22 =	simm.s32 $0x1D040;
	v3 =	vpack.i.f32.bf16 v57, v3  }
0xfa: {  	[tilespmem:s22+$0xFFFFFFC0] =	vst v3  }
0xfb: {  	v3 =	vld [tilespmem:s21+$0x30]  }
0xfc: {  	v58 =	vld [tilespmem:s21+$0x20];
	_ =	sdelay $0x4  }
0xfd: {  	v3 =	vpack.i.f32.bf16 v3, v58  }
0xfe: {  	[tilespmem:s22+$0xFFFFFFD0] =	vst v3  }
0xff: {  	v3 =	vld [tilespmem:s21+$0x40]  }
0x100: {  	v59 =	vld [tilespmem:s21+$0x50];
	_ =	sdelay $0x4  }
0x101: {  	v3 =	vpack.i.f32.bf16 v59, v3  }
0x102: {  	[tilespmem:s22+$0xFFFFFFE0] =	vst v3  }
0x103: {  	v3 =	vld [tilespmem:s21+$0x60]  }
0x104: {  	v60 =	vld [tilespmem:s21+$0x70];
	_ =	sdelay $0x4  }
0x105: {  	v3 =	vpack.i.f32.bf16 v60, v3  }
0x106: {  	[tilespmem:s22+$0xFFFFFFF0] =	vst v3  }
0x107: {  	v3 =	vld [tilespmem:s21+$0x80]  }
0x108: {  	v61 =	vld [tilespmem:s21+$0x90];
	_ =	sdelay $0x4  }
0x109: {  	v3 =	vpack.i.f32.bf16 v61, v3  }
0x10a: {  	[tilespmem:s22+$0x0] =	vst v3  }
0x10b: {  	v3 =	vld [tilespmem:s21+$0xA0]  }
0x10c: {  	v62 =	vld [tilespmem:s21+$0xB0];
	_ =	sdelay $0x4  }
0x10d: {  	v3 =	vpack.i.f32.bf16 v62, v3  }
0x10e: {  	[tilespmem:s22+$0x10] =	vst v3  }
0x10f: {  	v3 =	vld [tilespmem:s21+$0xC0]  }
0x110: {  	v63 =	vld [tilespmem:s21+$0xD0];
	_ =	sdelay $0x4  }
0x111: {  	v3 =	vpack.i.f32.bf16 v63, v3  }
0x112: {  	s24 =	simm.s32 $0x0;
	s25 =	simm.s32 $0xA000;
	s23 =	simm.s32 $0x1D040;
	[tilespmem:s22+$0x20] =	vst v3  }
.LBB2_10:
0x113: {  	s24 =	sadd.s32 $0x8, s24;
	v3 =	vld [tilespmem:s21+$0xE0];
	s25 =	sadd.s32 $0x100, s25;
	s22 =	sadd.s32 $0x80, s22  }
0x114: {  	p1 =	slt.u32 s24, $0x278;
	v4 =	vld [tilespmem:s21+$0xF0];
	s21 =	smov.u32 s25;
	_ =	sdelay $0x4  }
0x115: {  	v3 =	vpack.i.f32.bf16 v4, v3  }
0x116: {  	[tilespmem:s23+$0x30] =	vst v3;
	s23 =	smov.u32 s22  }
0x117: {  	v3 =	vld [tilespmem:s25+$0x0]  }
0x118: {  	v4 =	vld [tilespmem:s25+$0x10];
	_ =	sdelay $0x4  }
0x119: {  	v3 =	vpack.i.f32.bf16 v4, v3  }
0x11a: {  	[tilespmem:s22+$0xFFFFFFC0] =	vst v3  }
0x11b: {  	v3 =	vld [tilespmem:s25+$0x30]  }
0x11c: {  	v4 =	vld [tilespmem:s25+$0x20];
	_ =	sdelay $0x4  }
0x11d: {  	v3 =	vpack.i.f32.bf16 v3, v4  }
0x11e: {  	[tilespmem:s22+$0xFFFFFFD0] =	vst v3  }
0x11f: {  	v3 =	vld [tilespmem:s25+$0x40]  }
0x120: {  	v4 =	vld [tilespmem:s25+$0x50];
	_ =	sdelay $0x4  }
0x121: {  	v3 =	vpack.i.f32.bf16 v4, v3  }
0x122: {  	[tilespmem:s22+$0xFFFFFFE0] =	vst v3  }
0x123: {  	v3 =	vld [tilespmem:s25+$0x60]  }
0x124: {  	v4 =	vld [tilespmem:s25+$0x70];
	_ =	sdelay $0x4  }
0x125: {  	v3 =	vpack.i.f32.bf16 v4, v3  }
0x126: {  	[tilespmem:s22+$0xFFFFFFF0] =	vst v3  }
0x127: {  	v3 =	vld [tilespmem:s25+$0x80]  }
0x128: {  	v4 =	vld [tilespmem:s25+$0x90];
	_ =	sdelay $0x4  }
0x129: {  	v3 =	vpack.i.f32.bf16 v4, v3  }
0x12a: {  	[tilespmem:s22+$0x0] =	vst v3  }
0x12b: {  	v3 =	vld [tilespmem:s25+$0xA0]  }
0x12c: {  	v4 =	vld [tilespmem:s25+$0xB0];
	_ =	sdelay $0x4  }
0x12d: {  	v3 =	vpack.i.f32.bf16 v4, v3  }
0x12e: {  	[tilespmem:s22+$0x10] =	vst v3  }
0x12f: {  	v3 =	vld [tilespmem:s25+$0xC0]  }
0x130: {  	v4 =	vld [tilespmem:s25+$0xD0];
	_ =	sdelay $0x1  }
.Ltmp6:
0x131: {  	(pc) =	sbr.rel @p1 .LBB2_10-.Ltmp6, $3  }
0x132: {  	_ =	sdelay $0x1  }
0x133: {  	v3 =	vpack.i.f32.bf16 v4, v3  }
0x134: {  	[tilespmem:s22+$0x20] =	vst v3  }
0x135: {  	v3 =	vld [tilespmem:s21+$0xE0]  }
0x136: {  	v4 =	vld [tilespmem:s21+$0xF0];
	_ =	sdelay $0x4  }
0x137: {  	v3 =	vpack.i.f32.bf16 v4, v3  }
0x138: {  	[tilespmem:s23+$0x30] =	vst v3  }
0x139: {  	[hbm4b:s6+s2] =	stream.linear.scatter [tilespmem:s18], [sflag:$0x2], $0x2800, $0x38;
	[tilespmem:$0x1F800] =	vst v63  }
0x13a: {  	_ =	swait.ge [sflag:s19], $0x2800  }
0x13b: {  	[sflag:s19] =	ssyncset.done $0x0  }
0x13c: {  	s21 =	simm.s32 $0xF000;
	[sflag:s19] =	ssyncadd.s32 $0xFFFFD800  }
0x13d: {  	v3 =	vld [tilespmem:s21+$0x0]  }
0x13e: {  	v57 =	vld [tilespmem:s21+$0x10];
	_ =	sdelay $0x4  }
0x13f: {  	s22 =	simm.s32 $0x1D040;
	v3 =	vpack.i.f32.bf16 v57, v3  }
0x140: {  	[tilespmem:s22+$0xFFFFFFC0] =	vst v3  }
0x141: {  	v3 =	vld [tilespmem:s21+$0x30]  }
0x142: {  	v58 =	vld [tilespmem:s21+$0x20];
	_ =	sdelay $0x4  }
0x143: {  	v3 =	vpack.i.f32.bf16 v3, v58  }
0x144: {  	[tilespmem:s22+$0xFFFFFFD0] =	vst v3  }
0x145: {  	v3 =	vld [tilespmem:s21+$0x40]  }
0x146: {  	v59 =	vld [tilespmem:s21+$0x50];
	_ =	sdelay $0x4  }
0x147: {  	v3 =	vpack.i.f32.bf16 v59, v3  }
0x148: {  	[tilespmem:s22+$0xFFFFFFE0] =	vst v3  }
0x149: {  	v3 =	vld [tilespmem:s21+$0x60]  }
0x14a: {  	v60 =	vld [tilespmem:s21+$0x70];
	_ =	sdelay $0x4  }
0x14b: {  	v3 =	vpack.i.f32.bf16 v60, v3  }
0x14c: {  	[tilespmem:s22+$0xFFFFFFF0] =	vst v3  }
0x14d: {  	v3 =	vld [tilespmem:s21+$0x80]  }
0x14e: {  	v61 =	vld [tilespmem:s21+$0x90];
	_ =	sdelay $0x4  }
0x14f: {  	v3 =	vpack.i.f32.bf16 v61, v3  }
0x150: {  	[tilespmem:s22+$0x0] =	vst v3  }
0x151: {  	v3 =	vld [tilespmem:s21+$0xA0]  }
0x152: {  	v62 =	vld [tilespmem:s21+$0xB0];
	_ =	sdelay $0x4  }
0x153: {  	v3 =	vpack.i.f32.bf16 v62, v3  }
0x154: {  	[tilespmem:s22+$0x10] =	vst v3  }
0x155: {  	v3 =	vld [tilespmem:s21+$0xC0]  }
0x156: {  	v63 =	vld [tilespmem:s21+$0xD0];
	_ =	sdelay $0x4  }
0x157: {  	v3 =	vpack.i.f32.bf16 v63, v3  }
0x158: {  	s24 =	simm.s32 $0x0;
	s25 =	simm.s32 $0xF000;
	s23 =	simm.s32 $0x1D040;
	[tilespmem:s22+$0x20] =	vst v3  }
.LBB2_12:
0x159: {  	s24 =	sadd.s32 $0x8, s24;
	v3 =	vld [tilespmem:s21+$0xE0];
	s25 =	sadd.s32 $0x100, s25;
	s22 =	sadd.s32 $0x80, s22  }
0x15a: {  	p1 =	slt.u32 s24, $0x278;
	v4 =	vld [tilespmem:s21+$0xF0];
	s21 =	smov.u32 s25;
	_ =	sdelay $0x4  }
0x15b: {  	v3 =	vpack.i.f32.bf16 v4, v3  }
0x15c: {  	[tilespmem:s23+$0x30] =	vst v3;
	s23 =	smov.u32 s22  }
0x15d: {  	v3 =	vld [tilespmem:s25+$0x0]  }
0x15e: {  	v4 =	vld [tilespmem:s25+$0x10];
	_ =	sdelay $0x4  }
0x15f: {  	v3 =	vpack.i.f32.bf16 v4, v3  }
0x160: {  	[tilespmem:s22+$0xFFFFFFC0] =	vst v3  }
0x161: {  	v3 =	vld [tilespmem:s25+$0x30]  }
0x162: {  	v4 =	vld [tilespmem:s25+$0x20];
	_ =	sdelay $0x4  }
0x163: {  	v3 =	vpack.i.f32.bf16 v3, v4  }
0x164: {  	[tilespmem:s22+$0xFFFFFFD0] =	vst v3  }
0x165: {  	v3 =	vld [tilespmem:s25+$0x40]  }
0x166: {  	v4 =	vld [tilespmem:s25+$0x50];
	_ =	sdelay $0x4  }
0x167: {  	v3 =	vpack.i.f32.bf16 v4, v3  }
0x168: {  	[tilespmem:s22+$0xFFFFFFE0] =	vst v3  }
0x169: {  	v3 =	vld [tilespmem:s25+$0x60]  }
0x16a: {  	v4 =	vld [tilespmem:s25+$0x70];
	_ =	sdelay $0x4  }
0x16b: {  	v3 =	vpack.i.f32.bf16 v4, v3  }
0x16c: {  	[tilespmem:s22+$0xFFFFFFF0] =	vst v3  }
0x16d: {  	v3 =	vld [tilespmem:s25+$0x80]  }
0x16e: {  	v4 =	vld [tilespmem:s25+$0x90];
	_ =	sdelay $0x4  }
0x16f: {  	v3 =	vpack.i.f32.bf16 v4, v3  }
0x170: {  	[tilespmem:s22+$0x0] =	vst v3  }
0x171: {  	v3 =	vld [tilespmem:s25+$0xA0]  }
0x172: {  	v4 =	vld [tilespmem:s25+$0xB0];
	_ =	sdelay $0x4  }
0x173: {  	v3 =	vpack.i.f32.bf16 v4, v3  }
0x174: {  	[tilespmem:s22+$0x10] =	vst v3  }
0x175: {  	v3 =	vld [tilespmem:s25+$0xC0]  }
0x176: {  	v4 =	vld [tilespmem:s25+$0xD0];
	_ =	sdelay $0x1  }
.Ltmp7:
0x177: {  	(pc) =	sbr.rel @p1 .LBB2_12-.Ltmp7, $3  }
0x178: {  	_ =	sdelay $0x1  }
0x179: {  	v3 =	vpack.i.f32.bf16 v4, v3  }
0x17a: {  	[tilespmem:s22+$0x20] =	vst v3  }
0x17b: {  	v3 =	vld [tilespmem:s21+$0xE0]  }
0x17c: {  	v4 =	vld [tilespmem:s21+$0xF0];
	_ =	sdelay $0x4  }
0x17d: {  	v3 =	vpack.i.f32.bf16 v4, v3  }
0x17e: {  	[tilespmem:s23+$0x30] =	vst v3  }
0x17f: {  	[hbm4b:s7+s2] =	stream.linear.scatter [tilespmem:s18], [sflag:$0x2], $0x2800, $0x38;
	[tilespmem:$0x1F800] =	vst v63  }
0x180: {  	_ =	swait.ge [sflag:s19], $0x2800  }
0x181: {  	[sflag:s19] =	ssyncset.done $0x0  }
0x182: {  	s21 =	simm.s32 $0x14000;
	[sflag:s19] =	ssyncadd.s32 $0xFFFFD800  }
0x183: {  	v3 =	vld [tilespmem:s21+$0x0]  }
0x184: {  	v57 =	vld [tilespmem:s21+$0x10];
	_ =	sdelay $0x4  }
0x185: {  	s22 =	simm.s32 $0x1D040;
	v3 =	vpack.i.f32.bf16 v57, v3  }
0x186: {  	[tilespmem:s22+$0xFFFFFFC0] =	vst v3  }
0x187: {  	v3 =	vld [tilespmem:s21+$0x30]  }
0x188: {  	v58 =	vld [tilespmem:s21+$0x20];
	_ =	sdelay $0x4  }
0x189: {  	v3 =	vpack.i.f32.bf16 v3, v58  }
0x18a: {  	[tilespmem:s22+$0xFFFFFFD0] =	vst v3  }
0x18b: {  	v3 =	vld [tilespmem:s21+$0x40]  }
0x18c: {  	v59 =	vld [tilespmem:s21+$0x50];
	_ =	sdelay $0x4  }
0x18d: {  	v3 =	vpack.i.f32.bf16 v59, v3  }
0x18e: {  	[tilespmem:s22+$0xFFFFFFE0] =	vst v3  }
0x18f: {  	v3 =	vld [tilespmem:s21+$0x60]  }
0x190: {  	v60 =	vld [tilespmem:s21+$0x70];
	_ =	sdelay $0x4  }
0x191: {  	v3 =	vpack.i.f32.bf16 v60, v3  }
0x192: {  	[tilespmem:s22+$0xFFFFFFF0] =	vst v3  }
0x193: {  	v3 =	vld [tilespmem:s21+$0x80]  }
0x194: {  	v61 =	vld [tilespmem:s21+$0x90];
	_ =	sdelay $0x4  }
0x195: {  	v3 =	vpack.i.f32.bf16 v61, v3  }
0x196: {  	[tilespmem:s22+$0x0] =	vst v3  }
0x197: {  	v3 =	vld [tilespmem:s21+$0xA0]  }
0x198: {  	v62 =	vld [tilespmem:s21+$0xB0];
	_ =	sdelay $0x4  }
0x199: {  	v3 =	vpack.i.f32.bf16 v62, v3  }
0x19a: {  	[tilespmem:s22+$0x10] =	vst v3  }
0x19b: {  	v3 =	vld [tilespmem:s21+$0xC0]  }
0x19c: {  	v63 =	vld [tilespmem:s21+$0xD0];
	_ =	sdelay $0x4  }
0x19d: {  	v3 =	vpack.i.f32.bf16 v63, v3  }
0x19e: {  	s24 =	simm.s32 $0x0;
	s25 =	simm.s32 $0x14000;
	s23 =	simm.s32 $0x1D040;
	[tilespmem:s22+$0x20] =	vst v3  }
.LBB2_14:
0x19f: {  	s24 =	sadd.s32 $0x8, s24;
	v3 =	vld [tilespmem:s21+$0xE0];
	s25 =	sadd.s32 $0x100, s25;
	s22 =	sadd.s32 $0x80, s22  }
0x1a0: {  	p1 =	slt.u32 s24, $0x278;
	v4 =	vld [tilespmem:s21+$0xF0];
	s21 =	smov.u32 s25;
	_ =	sdelay $0x4  }
0x1a1: {  	v3 =	vpack.i.f32.bf16 v4, v3  }
0x1a2: {  	[tilespmem:s23+$0x30] =	vst v3;
	s23 =	smov.u32 s22  }
0x1a3: {  	v3 =	vld [tilespmem:s25+$0x0]  }
0x1a4: {  	v4 =	vld [tilespmem:s25+$0x10];
	_ =	sdelay $0x4  }
0x1a5: {  	v3 =	vpack.i.f32.bf16 v4, v3  }
0x1a6: {  	[tilespmem:s22+$0xFFFFFFC0] =	vst v3  }
0x1a7: {  	v3 =	vld [tilespmem:s25+$0x30]  }
0x1a8: {  	v4 =	vld [tilespmem:s25+$0x20];
	_ =	sdelay $0x4  }
0x1a9: {  	v3 =	vpack.i.f32.bf16 v3, v4  }
0x1aa: {  	[tilespmem:s22+$0xFFFFFFD0] =	vst v3  }
0x1ab: {  	v3 =	vld [tilespmem:s25+$0x40]  }
0x1ac: {  	v4 =	vld [tilespmem:s25+$0x50];
	_ =	sdelay $0x4  }
0x1ad: {  	v3 =	vpack.i.f32.bf16 v4, v3  }
0x1ae: {  	[tilespmem:s22+$0xFFFFFFE0] =	vst v3  }
0x1af: {  	v3 =	vld [tilespmem:s25+$0x60]  }
0x1b0: {  	v4 =	vld [tilespmem:s25+$0x70];
	_ =	sdelay $0x4  }
0x1b1: {  	v3 =	vpack.i.f32.bf16 v4, v3  }
0x1b2: {  	[tilespmem:s22+$0xFFFFFFF0] =	vst v3  }
0x1b3: {  	v3 =	vld [tilespmem:s25+$0x80]  }
0x1b4: {  	v4 =	vld [tilespmem:s25+$0x90];
	_ =	sdelay $0x4  }
0x1b5: {  	v3 =	vpack.i.f32.bf16 v4, v3  }
0x1b6: {  	[tilespmem:s22+$0x0] =	vst v3  }
0x1b7: {  	v3 =	vld [tilespmem:s25+$0xA0]  }
0x1b8: {  	v4 =	vld [tilespmem:s25+$0xB0];
	_ =	sdelay $0x4  }
0x1b9: {  	v3 =	vpack.i.f32.bf16 v4, v3  }
0x1ba: {  	[tilespmem:s22+$0x10] =	vst v3  }
0x1bb: {  	v3 =	vld [tilespmem:s25+$0xC0]  }
0x1bc: {  	v4 =	vld [tilespmem:s25+$0xD0];
	_ =	sdelay $0x1  }
.Ltmp8:
0x1bd: {  	(pc) =	sbr.rel @p1 .LBB2_14-.Ltmp8, $3  }
0x1be: {  	_ =	sdelay $0x1  }
0x1bf: {  	v3 =	vpack.i.f32.bf16 v4, v3  }
0x1c0: {  	[tilespmem:s22+$0x20] =	vst v3  }
0x1c1: {  	v3 =	vld [tilespmem:s21+$0xE0]  }
0x1c2: {  	v4 =	vld [tilespmem:s21+$0xF0];
	_ =	sdelay $0x4  }
0x1c3: {  	v3 =	vpack.i.f32.bf16 v4, v3  }
0x1c4: {  	[tilespmem:s23+$0x30] =	vst v3  }
0x1c5: {  	[hbm4b:s8+s2] =	stream.linear.scatter [tilespmem:s18], [sflag:$0x2], $0x2800, $0x38;
	[tilespmem:$0x1F800] =	vst v63  }
0x1c6: {  	_ =	swait.ge [sflag:s19], $0x2800  }
0x1c7: {  	[sflag:s19] =	ssyncset.done $0x0  }
0x1c8: {  	s21 =	simm.s32 $0xFFFFFFF8;
	s22 =	simm.s32 $0x19040;
	[sflag:s19] =	ssyncadd.s32 $0xFFFFD800  }
.LBB2_16:
0x1c9: {  	v3 =	vld [tilespmem:s22+$0xFFFFFFC0];
	_ =	sdelay $0x4  }
0x1ca: {  	vm0 =	vgt.s32 v3, $0xC7FF;
	v4 =	vadd.s32 $0xFFFF3800, v3  }
0x1cb: {  	v3 =	vsel vm0, v4, v3  }
0x1cc: {  	v5 =	vsel vm0, $0x10, v1;
	v4 =	vand.u32 $0xF, v3;
	v3 =	vshll.u32 v3, $0x1  }
0x1cd: {  	v4 =	vor.u32 v5, v4;
	v3 =	vand.u32 $0xFFFFFFE0, v3  }
0x1ce: {  	v3 =	vor.u32 v3, v4;
	_ =	sdelay $0x4  }
0x1cf: {  	[tilespmem:v3+s2+$0x0] =	vst.idx.msk $0xffff, v0  }
0x1d0: {  	v3 =	vld [tilespmem:s22+$0xFFFFFFD0];
	_ =	sdelay $0x4  }
0x1d1: {  	vm9 =	vgt.s32 v3, $0xC7FF;
	v50 =	vadd.s32 $0xFFFF3800, v3  }
0x1d2: {  	v3 =	vsel vm9, v50, v3  }
0x1d3: {  	v51 =	vsel vm9, $0x10, v1;
	v4 =	vand.u32 $0xF, v3;
	v3 =	vshll.u32 v3, $0x1  }
0x1d4: {  	v4 =	vor.u32 v51, v4;
	v3 =	vand.u32 $0xFFFFFFE0, v3  }
0x1d5: {  	v3 =	vor.u32 v3, v4;
	_ =	sdelay $0x4  }
0x1d6: {  	[tilespmem:v3+s2+$0x0] =	vst.idx.msk $0xffff, v0  }
0x1d7: {  	v3 =	vld [tilespmem:s22+$0xFFFFFFE0];
	_ =	sdelay $0x4  }
0x1d8: {  	vm10 =	vgt.s32 v3, $0xC7FF;
	v52 =	vadd.s32 $0xFFFF3800, v3  }
0x1d9: {  	v3 =	vsel vm10, v52, v3  }
0x1da: {  	v53 =	vsel vm10, $0x10, v1;
	v4 =	vand.u32 $0xF, v3;
	v3 =	vshll.u32 v3, $0x1  }
0x1db: {  	v4 =	vor.u32 v53, v4;
	v3 =	vand.u32 $0xFFFFFFE0, v3  }
0x1dc: {  	v3 =	vor.u32 v3, v4;
	_ =	sdelay $0x4  }
0x1dd: {  	[tilespmem:v3+s2+$0x0] =	vst.idx.msk $0xffff, v0  }
0x1de: {  	v3 =	vld [tilespmem:s22+$0xFFFFFFF0];
	_ =	sdelay $0x4  }
0x1df: {  	vm11 =	vgt.s32 v3, $0xC7FF;
	v54 =	vadd.s32 $0xFFFF3800, v3  }
0x1e0: {  	v3 =	vsel vm11, v54, v3  }
0x1e1: {  	v55 =	vsel vm11, $0x10, v1;
	v4 =	vand.u32 $0xF, v3;
	v3 =	vshll.u32 v3, $0x1  }
0x1e2: {  	v4 =	vor.u32 v55, v4;
	v3 =	vand.u32 $0xFFFFFFE0, v3  }
0x1e3: {  	v3 =	vor.u32 v3, v4;
	_ =	sdelay $0x4  }
0x1e4: {  	[tilespmem:v3+s2+$0x0] =	vst.idx.msk $0xffff, v0  }
0x1e5: {  	v3 =	vld [tilespmem:s22+$0x0];
	_ =	sdelay $0x4  }
0x1e6: {  	vm12 =	vgt.s32 v3, $0xC7FF;
	v56 =	vadd.s32 $0xFFFF3800, v3  }
0x1e7: {  	v3 =	vsel vm12, v56, v3  }
0x1e8: {  	v57 =	vsel vm12, $0x10, v1;
	v4 =	vand.u32 $0xF, v3;
	v3 =	vshll.u32 v3, $0x1  }
0x1e9: {  	v4 =	vor.u32 v57, v4;
	v3 =	vand.u32 $0xFFFFFFE0, v3  }
0x1ea: {  	v3 =	vor.u32 v3, v4;
	_ =	sdelay $0x4  }
0x1eb: {  	[tilespmem:v3+s2+$0x0] =	vst.idx.msk $0xffff, v0  }
0x1ec: {  	v3 =	vld [tilespmem:s22+$0x10];
	_ =	sdelay $0x4  }
0x1ed: {  	vm13 =	vgt.s32 v3, $0xC7FF;
	v58 =	vadd.s32 $0xFFFF3800, v3  }
0x1ee: {  	v3 =	vsel vm13, v58, v3  }
0x1ef: {  	v59 =	vsel vm13, $0x10, v1;
	v4 =	vand.u32 $0xF, v3;
	v3 =	vshll.u32 v3, $0x1  }
0x1f0: {  	v4 =	vor.u32 v59, v4;
	v3 =	vand.u32 $0xFFFFFFE0, v3  }
0x1f1: {  	v3 =	vor.u32 v3, v4;
	_ =	sdelay $0x4  }
0x1f2: {  	[tilespmem:v3+s2+$0x0] =	vst.idx.msk $0xffff, v0  }
0x1f3: {  	v3 =	vld [tilespmem:s22+$0x20];
	_ =	sdelay $0x4  }
0x1f4: {  	vm14 =	vgt.s32 v3, $0xC7FF;
	v60 =	vadd.s32 $0xFFFF3800, v3  }
0x1f5: {  	v3 =	vsel vm14, v60, v3  }
0x1f6: {  	v61 =	vsel vm14, $0x10, v1;
	v4 =	vand.u32 $0xF, v3;
	v3 =	vshll.u32 v3, $0x1  }
0x1f7: {  	v4 =	vor.u32 v61, v4;
	v3 =	vand.u32 $0xFFFFFFE0, v3  }
0x1f8: {  	v3 =	vor.u32 v3, v4;
	_ =	sdelay $0x4  }
0x1f9: {  	[tilespmem:v3+s2+$0x0] =	vst.idx.msk $0xffff, v0  }
0x1fa: {  	v3 =	vld [tilespmem:s22+$0x30];
	_ =	sdelay $0x4  }
0x1fb: {  	vm15 =	vgt.s32 v3, $0xC7FF;
	v62 =	vadd.s32 $0xFFFF3800, v3  }
0x1fc: {  	v3 =	vsel vm15, v62, v3  }
0x1fd: {  	v63 =	vsel vm15, $0x10, v1;
	v4 =	vand.u32 $0xF, v3;
	v3 =	vshll.u32 v3, $0x1  }
0x1fe: {  	s21 =	sadd.s32 $0x8, s21;
	v4 =	vor.u32 v63, v4;
	v3 =	vand.u32 $0xFFFFFFE0, v3  }
0x1ff: {  	p1 =	slt.u32 s21, $0x3F8;
	v3 =	vor.u32 v3, v4  }
.Ltmp9:
0x200: {  	_ = 	snop;
	(pc) =	sbr.rel @p1 .LBB2_16-.Ltmp9, $2  }
0x201: {  	_ =	sdelay $0x2  }
0x202: {  	s22 =	sadd.s32 $0x80, s22;
	[tilespmem:v3+s2+$0x0] =	vst.idx.msk $0xffff, v0  }
.Ltmp10:
0x203: {  	(pc) =	sbr.rel @p0 .LBB2_31-.Ltmp10, $1  }
0x204: {  	_ =	sdelay $0x3  }
0x205: {  	[tilespmem:s16], [sflag:$0x1] =	stream.linear.gather [hbm4b:s10+s2], $0x4000, $0x38;
	[tilespmem:$0x1F800] =	vst v63  }
0x206: {  	_ =	swait.ge [sflag:s17], $0x4000  }
0x207: {  	[sflag:s17] =	ssyncset.done $0x0  }
0x208: {  	s23 =	simm.s32 $0xFFFFFFF8;
	s24 =	simm.s32 $0x19040;
	[sflag:s17] =	ssyncadd.s32 $0xFFFFC000  }
.LBB2_19:
0x209: {  	v3 =	vld [tilespmem:s24+$0xFFFFFFC0];
	_ =	sdelay $0x4  }
0x20a: {  	vm0 =	vgt.s32 v3, $0xC7FF;
	v4 =	vadd.s32 $0xFFFF3800, v3  }
0x20b: {  	v3 =	vsel vm0, v4, v3  }
0x20c: {  	v5 =	vsel vm0, $0x10, v1;
	v4 =	vand.u32 $0xF, v3;
	v3 =	vshll.u32 v3, $0x1  }
0x20d: {  	v4 =	vor.u32 v5, v4;
	v3 =	vand.u32 $0xFFFFFFE0, v3  }
0x20e: {  	v3 =	vor.u32 v3, v4;
	_ =	sdelay $0x4  }
0x20f: {  	[tilespmem:v3+s2+$0x0] =	vst.idx.add.f32.msk $0xffff, v2  }
0x210: {  	v3 =	vld [tilespmem:s24+$0xFFFFFFD0];
	_ =	sdelay $0x4  }
0x211: {  	vm9 =	vgt.s32 v3, $0xC7FF;
	v50 =	vadd.s32 $0xFFFF3800, v3  }
0x212: {  	v3 =	vsel vm9, v50, v3  }
0x213: {  	v51 =	vsel vm9, $0x10, v1;
	v4 =	vand.u32 $0xF, v3;
	v3 =	vshll.u32 v3, $0x1  }
0x214: {  	v4 =	vor.u32 v51, v4;
	v3 =	vand.u32 $0xFFFFFFE0, v3  }
0x215: {  	v3 =	vor.u32 v3, v4;
	_ =	sdelay $0x4  }
0x216: {  	[tilespmem:v3+s2+$0x0] =	vst.idx.add.f32.msk $0xffff, v2  }
0x217: {  	v3 =	vld [tilespmem:s24+$0xFFFFFFE0];
	_ =	sdelay $0x4  }
0x218: {  	vm10 =	vgt.s32 v3, $0xC7FF;
	v52 =	vadd.s32 $0xFFFF3800, v3  }
0x219: {  	v3 =	vsel vm10, v52, v3  }
0x21a: {  	v53 =	vsel vm10, $0x10, v1;
	v4 =	vand.u32 $0xF, v3;
	v3 =	vshll.u32 v3, $0x1  }
0x21b: {  	v4 =	vor.u32 v53, v4;
	v3 =	vand.u32 $0xFFFFFFE0, v3  }
0x21c: {  	v3 =	vor.u32 v3, v4;
	_ =	sdelay $0x4  }
0x21d: {  	[tilespmem:v3+s2+$0x0] =	vst.idx.add.f32.msk $0xffff, v2  }
0x21e: {  	v3 =	vld [tilespmem:s24+$0xFFFFFFF0];
	_ =	sdelay $0x4  }
0x21f: {  	vm11 =	vgt.s32 v3, $0xC7FF;
	v54 =	vadd.s32 $0xFFFF3800, v3  }
0x220: {  	v3 =	vsel vm11, v54, v3  }
0x221: {  	v55 =	vsel vm11, $0x10, v1;
	v4 =	vand.u32 $0xF, v3;
	v3 =	vshll.u32 v3, $0x1  }
0x222: {  	v4 =	vor.u32 v55, v4;
	v3 =	vand.u32 $0xFFFFFFE0, v3  }
0x223: {  	v3 =	vor.u32 v3, v4;
	_ =	sdelay $0x4  }
0x224: {  	[tilespmem:v3+s2+$0x0] =	vst.idx.add.f32.msk $0xffff, v2  }
0x225: {  	v3 =	vld [tilespmem:s24+$0x0];
	_ =	sdelay $0x4  }
0x226: {  	vm12 =	vgt.s32 v3, $0xC7FF;
	v56 =	vadd.s32 $0xFFFF3800, v3  }
0x227: {  	v3 =	vsel vm12, v56, v3  }
0x228: {  	v57 =	vsel vm12, $0x10, v1;
	v4 =	vand.u32 $0xF, v3;
	v3 =	vshll.u32 v3, $0x1  }
0x229: {  	v4 =	vor.u32 v57, v4;
	v3 =	vand.u32 $0xFFFFFFE0, v3  }
0x22a: {  	v3 =	vor.u32 v3, v4;
	_ =	sdelay $0x4  }
0x22b: {  	[tilespmem:v3+s2+$0x0] =	vst.idx.add.f32.msk $0xffff, v2  }
0x22c: {  	v3 =	vld [tilespmem:s24+$0x10];
	_ =	sdelay $0x4  }
0x22d: {  	vm13 =	vgt.s32 v3, $0xC7FF;
	v58 =	vadd.s32 $0xFFFF3800, v3  }
0x22e: {  	v3 =	vsel vm13, v58, v3  }
0x22f: {  	v59 =	vsel vm13, $0x10, v1;
	v4 =	vand.u32 $0xF, v3;
	v3 =	vshll.u32 v3, $0x1  }
0x230: {  	v4 =	vor.u32 v59, v4;
	v3 =	vand.u32 $0xFFFFFFE0, v3  }
0x231: {  	v3 =	vor.u32 v3, v4;
	_ =	sdelay $0x4  }
0x232: {  	[tilespmem:v3+s2+$0x0] =	vst.idx.add.f32.msk $0xffff, v2  }
0x233: {  	v3 =	vld [tilespmem:s24+$0x20];
	_ =	sdelay $0x4  }
0x234: {  	vm14 =	vgt.s32 v3, $0xC7FF;
	v60 =	vadd.s32 $0xFFFF3800, v3  }
0x235: {  	v3 =	vsel vm14, v60, v3  }
0x236: {  	v61 =	vsel vm14, $0x10, v1;
	v4 =	vand.u32 $0xF, v3;
	v3 =	vshll.u32 v3, $0x1  }
0x237: {  	v4 =	vor.u32 v61, v4;
	v3 =	vand.u32 $0xFFFFFFE0, v3  }
0x238: {  	v3 =	vor.u32 v3, v4;
	_ =	sdelay $0x4  }
0x239: {  	[tilespmem:v3+s2+$0x0] =	vst.idx.add.f32.msk $0xffff, v2  }
0x23a: {  	v3 =	vld [tilespmem:s24+$0x30];
	_ =	sdelay $0x4  }
0x23b: {  	vm15 =	vgt.s32 v3, $0xC7FF;
	v62 =	vadd.s32 $0xFFFF3800, v3  }
0x23c: {  	v3 =	vsel vm15, v62, v3  }
0x23d: {  	v63 =	vsel vm15, $0x10, v1;
	v4 =	vand.u32 $0xF, v3;
	v3 =	vshll.u32 v3, $0x1  }
0x23e: {  	s23 =	sadd.s32 $0x8, s23;
	v4 =	vor.u32 v63, v4;
	v3 =	vand.u32 $0xFFFFFFE0, v3  }
0x23f: {  	p1 =	slt.u32 s23, $0x3F8;
	v3 =	vor.u32 v3, v4  }
.Ltmp11:
0x240: {  	_ = 	snop;
	(pc) =	sbr.rel @p1 .LBB2_19-.Ltmp11, $2  }
0x241: {  	_ =	sdelay $0x2  }
0x242: {  	s22 =	simm.s32 $0x1D040;
	s21 =	simm.s32 $0x80;
	s24 =	sadd.s32 $0x80, s24;
	[tilespmem:v3+s2+$0x0] =	vst.idx.add.f32.msk $0xffff, v2  }
0x243: {  	v3 =	vld [tilespmem:s21+$0xFFFFFF80]  }
0x244: {  	v4 =	vld [tilespmem:s21+$0xFFFFFF90];
	_ =	sdelay $0x4  }
0x245: {  	v3 =	vpack.i.f32.bf16 v4, v3  }
0x246: {  	[tilespmem:s22+$0xFFFFFFC0] =	vst v3  }
0x247: {  	v3 =	vld [tilespmem:s21+$0xFFFFFFB0]  }
0x248: {  	v58 =	vld [tilespmem:s21+$0xFFFFFFA0];
	_ =	sdelay $0x4  }
0x249: {  	v3 =	vpack.i.f32.bf16 v3, v58  }
0x24a: {  	[tilespmem:s22+$0xFFFFFFD0] =	vst v3  }
0x24b: {  	v3 =	vld [tilespmem:s21+$0xFFFFFFC0]  }
0x24c: {  	v59 =	vld [tilespmem:s21+$0xFFFFFFD0];
	_ =	sdelay $0x4  }
0x24d: {  	v3 =	vpack.i.f32.bf16 v59, v3  }
0x24e: {  	[tilespmem:s22+$0xFFFFFFE0] =	vst v3  }
0x24f: {  	v3 =	vld [tilespmem:s21+$0xFFFFFFE0]  }
0x250: {  	v60 =	vld [tilespmem:s21+$0xFFFFFFF0];
	_ =	sdelay $0x4  }
0x251: {  	v3 =	vpack.i.f32.bf16 v60, v3  }
0x252: {  	[tilespmem:s22+$0xFFFFFFF0] =	vst v3  }
0x253: {  	v3 =	vld [tilespmem:s21+$0x0]  }
0x254: {  	v61 =	vld [tilespmem:s21+$0x10];
	_ =	sdelay $0x4  }
0x255: {  	v3 =	vpack.i.f32.bf16 v61, v3  }
0x256: {  	[tilespmem:s22+$0x0] =	vst v3  }
0x257: {  	v3 =	vld [tilespmem:s21+$0x20]  }
0x258: {  	v62 =	vld [tilespmem:s21+$0x30];
	_ =	sdelay $0x4  }
0x259: {  	v3 =	vpack.i.f32.bf16 v62, v3  }
0x25a: {  	[tilespmem:s22+$0x10] =	vst v3  }
0x25b: {  	v3 =	vld [tilespmem:s21+$0x40]  }
0x25c: {  	v63 =	vld [tilespmem:s21+$0x50];
	_ =	sdelay $0x4  }
0x25d: {  	v3 =	vpack.i.f32.bf16 v63, v3  }
0x25e: {  	s24 =	simm.s32 $0x0;
	s25 =	simm.s32 $0x80;
	s23 =	simm.s32 $0x1D040;
	[tilespmem:s22+$0x20] =	vst v3  }
.LBB2_21:
0x25f: {  	s24 =	sadd.s32 $0x8, s24;
	v3 =	vld [tilespmem:s21+$0x60];
	s22 =	sadd.s32 $0x80, s22;
	s25 =	sadd.s32 $0x100, s25  }
0x260: {  	p1 =	slt.u32 s24, $0x278;
	v4 =	vld [tilespmem:s21+$0x70];
	s21 =	smov.u32 s25;
	_ =	sdelay $0x4  }
0x261: {  	v3 =	vpack.i.f32.bf16 v4, v3  }
0x262: {  	[tilespmem:s23+$0x30] =	vst v3;
	s23 =	smov.u32 s22  }
0x263: {  	v3 =	vld [tilespmem:s25+$0xFFFFFF80]  }
0x264: {  	v4 =	vld [tilespmem:s25+$0xFFFFFF90];
	_ =	sdelay $0x4  }
0x265: {  	v3 =	vpack.i.f32.bf16 v4, v3  }
0x266: {  	[tilespmem:s22+$0xFFFFFFC0] =	vst v3  }
0x267: {  	v3 =	vld [tilespmem:s25+$0xFFFFFFB0]  }
0x268: {  	v4 =	vld [tilespmem:s25+$0xFFFFFFA0];
	_ =	sdelay $0x4  }
0x269: {  	v3 =	vpack.i.f32.bf16 v3, v4  }
0x26a: {  	[tilespmem:s22+$0xFFFFFFD0] =	vst v3  }
0x26b: {  	v3 =	vld [tilespmem:s25+$0xFFFFFFC0]  }
0x26c: {  	v4 =	vld [tilespmem:s25+$0xFFFFFFD0];
	_ =	sdelay $0x4  }
0x26d: {  	v3 =	vpack.i.f32.bf16 v4, v3  }
0x26e: {  	[tilespmem:s22+$0xFFFFFFE0] =	vst v3  }
0x26f: {  	v3 =	vld [tilespmem:s25+$0xFFFFFFE0]  }
0x270: {  	v4 =	vld [tilespmem:s25+$0xFFFFFFF0];
	_ =	sdelay $0x4  }
0x271: {  	v3 =	vpack.i.f32.bf16 v4, v3  }
0x272: {  	[tilespmem:s22+$0xFFFFFFF0] =	vst v3  }
0x273: {  	v3 =	vld [tilespmem:s25+$0x0]  }
0x274: {  	v4 =	vld [tilespmem:s25+$0x10];
	_ =	sdelay $0x4  }
0x275: {  	v3 =	vpack.i.f32.bf16 v4, v3  }
0x276: {  	[tilespmem:s22+$0x0] =	vst v3  }
0x277: {  	v3 =	vld [tilespmem:s25+$0x20]  }
0x278: {  	v4 =	vld [tilespmem:s25+$0x30];
	_ =	sdelay $0x4  }
0x279: {  	v3 =	vpack.i.f32.bf16 v4, v3  }
0x27a: {  	[tilespmem:s22+$0x10] =	vst v3  }
0x27b: {  	v3 =	vld [tilespmem:s25+$0x40]  }
0x27c: {  	v4 =	vld [tilespmem:s25+$0x50];
	_ =	sdelay $0x1  }
.Ltmp12:
0x27d: {  	(pc) =	sbr.rel @p1 .LBB2_21-.Ltmp12, $3  }
0x27e: {  	_ =	sdelay $0x1  }
0x27f: {  	v3 =	vpack.i.f32.bf16 v4, v3  }
0x280: {  	[tilespmem:s22+$0x20] =	vst v3  }
0x281: {  	v3 =	vld [tilespmem:s21+$0x60]  }
0x282: {  	v4 =	vld [tilespmem:s21+$0x70];
	_ =	sdelay $0x4  }
0x283: {  	v3 =	vpack.i.f32.bf16 v4, v3  }
0x284: {  	[tilespmem:s23+$0x30] =	vst v3  }
0x285: {  	[hbm4b:s9+s2] =	stream.linear.scatter [tilespmem:s18], [sflag:$0x2], $0x2800, $0x38;
	[tilespmem:$0x1F800] =	vst v63  }
0x286: {  	_ =	swait.ge [sflag:s19], $0x2800  }
0x287: {  	[sflag:s19] =	ssyncset.done $0x0  }
0x288: {  	s21 =	simm.s32 $0x5000;
	[sflag:s19] =	ssyncadd.s32 $0xFFFFD800  }
0x289: {  	v3 =	vld [tilespmem:s21+$0x0]  }
0x28a: {  	v57 =	vld [tilespmem:s21+$0x10];
	_ =	sdelay $0x4  }
0x28b: {  	s22 =	simm.s32 $0x1D040;
	v3 =	vpack.i.f32.bf16 v57, v3  }
0x28c: {  	[tilespmem:s22+$0xFFFFFFC0] =	vst v3  }
0x28d: {  	v3 =	vld [tilespmem:s21+$0x30]  }
0x28e: {  	v58 =	vld [tilespmem:s21+$0x20];
	_ =	sdelay $0x4  }
0x28f: {  	v3 =	vpack.i.f32.bf16 v3, v58  }
0x290: {  	[tilespmem:s22+$0xFFFFFFD0] =	vst v3  }
0x291: {  	v3 =	vld [tilespmem:s21+$0x40]  }
0x292: {  	v59 =	vld [tilespmem:s21+$0x50];
	_ =	sdelay $0x4  }
0x293: {  	v3 =	vpack.i.f32.bf16 v59, v3  }
0x294: {  	[tilespmem:s22+$0xFFFFFFE0] =	vst v3  }
0x295: {  	v3 =	vld [tilespmem:s21+$0x60]  }
0x296: {  	v60 =	vld [tilespmem:s21+$0x70];
	_ =	sdelay $0x4  }
0x297: {  	v3 =	vpack.i.f32.bf16 v60, v3  }
0x298: {  	[tilespmem:s22+$0xFFFFFFF0] =	vst v3  }
0x299: {  	v3 =	vld [tilespmem:s21+$0x80]  }
0x29a: {  	v61 =	vld [tilespmem:s21+$0x90];
	_ =	sdelay $0x4  }
0x29b: {  	v3 =	vpack.i.f32.bf16 v61, v3  }
0x29c: {  	[tilespmem:s22+$0x0] =	vst v3  }
0x29d: {  	v3 =	vld [tilespmem:s21+$0xA0]  }
0x29e: {  	v62 =	vld [tilespmem:s21+$0xB0];
	_ =	sdelay $0x4  }
0x29f: {  	v3 =	vpack.i.f32.bf16 v62, v3  }
0x2a0: {  	[tilespmem:s22+$0x10] =	vst v3  }
0x2a1: {  	v3 =	vld [tilespmem:s21+$0xC0]  }
0x2a2: {  	v63 =	vld [tilespmem:s21+$0xD0];
	_ =	sdelay $0x4  }
0x2a3: {  	v3 =	vpack.i.f32.bf16 v63, v3  }
0x2a4: {  	s24 =	simm.s32 $0x0;
	s25 =	simm.s32 $0x5000;
	s23 =	simm.s32 $0x1D040;
	[tilespmem:s22+$0x20] =	vst v3  }
.LBB2_23:
0x2a5: {  	s24 =	sadd.s32 $0x8, s24;
	v3 =	vld [tilespmem:s21+$0xE0];
	s25 =	sadd.s32 $0x100, s25;
	s22 =	sadd.s32 $0x80, s22  }
0x2a6: {  	p1 =	slt.u32 s24, $0x278;
	v4 =	vld [tilespmem:s21+$0xF0];
	s21 =	smov.u32 s25;
	_ =	sdelay $0x4  }
0x2a7: {  	v3 =	vpack.i.f32.bf16 v4, v3  }
0x2a8: {  	[tilespmem:s23+$0x30] =	vst v3;
	s23 =	smov.u32 s22  }
0x2a9: {  	v3 =	vld [tilespmem:s25+$0x0]  }
0x2aa: {  	v4 =	vld [tilespmem:s25+$0x10];
	_ =	sdelay $0x4  }
0x2ab: {  	v3 =	vpack.i.f32.bf16 v4, v3  }
0x2ac: {  	[tilespmem:s22+$0xFFFFFFC0] =	vst v3  }
0x2ad: {  	v3 =	vld [tilespmem:s25+$0x30]  }
0x2ae: {  	v4 =	vld [tilespmem:s25+$0x20];
	_ =	sdelay $0x4  }
0x2af: {  	v3 =	vpack.i.f32.bf16 v3, v4  }
0x2b0: {  	[tilespmem:s22+$0xFFFFFFD0] =	vst v3  }
0x2b1: {  	v3 =	vld [tilespmem:s25+$0x40]  }
0x2b2: {  	v4 =	vld [tilespmem:s25+$0x50];
	_ =	sdelay $0x4  }
0x2b3: {  	v3 =	vpack.i.f32.bf16 v4, v3  }
0x2b4: {  	[tilespmem:s22+$0xFFFFFFE0] =	vst v3  }
0x2b5: {  	v3 =	vld [tilespmem:s25+$0x60]  }
0x2b6: {  	v4 =	vld [tilespmem:s25+$0x70];
	_ =	sdelay $0x4  }
0x2b7: {  	v3 =	vpack.i.f32.bf16 v4, v3  }
0x2b8: {  	[tilespmem:s22+$0xFFFFFFF0] =	vst v3  }
0x2b9: {  	v3 =	vld [tilespmem:s25+$0x80]  }
0x2ba: {  	v4 =	vld [tilespmem:s25+$0x90];
	_ =	sdelay $0x4  }
0x2bb: {  	v3 =	vpack.i.f32.bf16 v4, v3  }
0x2bc: {  	[tilespmem:s22+$0x0] =	vst v3  }
0x2bd: {  	v3 =	vld [tilespmem:s25+$0xA0]  }
0x2be: {  	v4 =	vld [tilespmem:s25+$0xB0];
	_ =	sdelay $0x4  }
0x2bf: {  	v3 =	vpack.i.f32.bf16 v4, v3  }
0x2c0: {  	[tilespmem:s22+$0x10] =	vst v3  }
0x2c1: {  	v3 =	vld [tilespmem:s25+$0xC0]  }
0x2c2: {  	v4 =	vld [tilespmem:s25+$0xD0];
	_ =	sdelay $0x1  }
.Ltmp13:
0x2c3: {  	(pc) =	sbr.rel @p1 .LBB2_23-.Ltmp13, $3  }
0x2c4: {  	_ =	sdelay $0x1  }
0x2c5: {  	v3 =	vpack.i.f32.bf16 v4, v3  }
0x2c6: {  	[tilespmem:s22+$0x20] =	vst v3  }
0x2c7: {  	v3 =	vld [tilespmem:s21+$0xE0]  }
0x2c8: {  	v4 =	vld [tilespmem:s21+$0xF0];
	_ =	sdelay $0x4  }
0x2c9: {  	v3 =	vpack.i.f32.bf16 v4, v3  }
0x2ca: {  	[tilespmem:s23+$0x30] =	vst v3  }
0x2cb: {  	[hbm4b:s11+s2] =	stream.linear.scatter [tilespmem:s18], [sflag:$0x2], $0x2800, $0x38;
	[tilespmem:$0x1F800] =	vst v63  }
0x2cc: {  	_ =	swait.ge [sflag:s19], $0x2800  }
0x2cd: {  	[sflag:s19] =	ssyncset.done $0x0  }
0x2ce: {  	s21 =	simm.s32 $0xA000;
	[sflag:s19] =	ssyncadd.s32 $0xFFFFD800  }
0x2cf: {  	v3 =	vld [tilespmem:s21+$0x0]  }
0x2d0: {  	v57 =	vld [tilespmem:s21+$0x10];
	_ =	sdelay $0x4  }
0x2d1: {  	s22 =	simm.s32 $0x1D040;
	v3 =	vpack.i.f32.bf16 v57, v3  }
0x2d2: {  	[tilespmem:s22+$0xFFFFFFC0] =	vst v3  }
0x2d3: {  	v3 =	vld [tilespmem:s21+$0x30]  }
0x2d4: {  	v58 =	vld [tilespmem:s21+$0x20];
	_ =	sdelay $0x4  }
0x2d5: {  	v3 =	vpack.i.f32.bf16 v3, v58  }
0x2d6: {  	[tilespmem:s22+$0xFFFFFFD0] =	vst v3  }
0x2d7: {  	v3 =	vld [tilespmem:s21+$0x40]  }
0x2d8: {  	v59 =	vld [tilespmem:s21+$0x50];
	_ =	sdelay $0x4  }
0x2d9: {  	v3 =	vpack.i.f32.bf16 v59, v3  }
0x2da: {  	[tilespmem:s22+$0xFFFFFFE0] =	vst v3  }
0x2db: {  	v3 =	vld [tilespmem:s21+$0x60]  }
0x2dc: {  	v60 =	vld [tilespmem:s21+$0x70];
	_ =	sdelay $0x4  }
0x2dd: {  	v3 =	vpack.i.f32.bf16 v60, v3  }
0x2de: {  	[tilespmem:s22+$0xFFFFFFF0] =	vst v3  }
0x2df: {  	v3 =	vld [tilespmem:s21+$0x80]  }
0x2e0: {  	v61 =	vld [tilespmem:s21+$0x90];
	_ =	sdelay $0x4  }
0x2e1: {  	v3 =	vpack.i.f32.bf16 v61, v3  }
0x2e2: {  	[tilespmem:s22+$0x0] =	vst v3  }
0x2e3: {  	v3 =	vld [tilespmem:s21+$0xA0]  }
0x2e4: {  	v62 =	vld [tilespmem:s21+$0xB0];
	_ =	sdelay $0x4  }
0x2e5: {  	v3 =	vpack.i.f32.bf16 v62, v3  }
0x2e6: {  	[tilespmem:s22+$0x10] =	vst v3  }
0x2e7: {  	v3 =	vld [tilespmem:s21+$0xC0]  }
0x2e8: {  	v63 =	vld [tilespmem:s21+$0xD0];
	_ =	sdelay $0x4  }
0x2e9: {  	v3 =	vpack.i.f32.bf16 v63, v3  }
0x2ea: {  	s24 =	simm.s32 $0x0;
	s25 =	simm.s32 $0xA000;
	s23 =	simm.s32 $0x1D040;
	[tilespmem:s22+$0x20] =	vst v3  }
.LBB2_25:
0x2eb: {  	s24 =	sadd.s32 $0x8, s24;
	v3 =	vld [tilespmem:s21+$0xE0];
	s25 =	sadd.s32 $0x100, s25;
	s22 =	sadd.s32 $0x80, s22  }
0x2ec: {  	p1 =	slt.u32 s24, $0x278;
	v4 =	vld [tilespmem:s21+$0xF0];
	s21 =	smov.u32 s25;
	_ =	sdelay $0x4  }
0x2ed: {  	v3 =	vpack.i.f32.bf16 v4, v3  }
0x2ee: {  	[tilespmem:s23+$0x30] =	vst v3;
	s23 =	smov.u32 s22  }
0x2ef: {  	v3 =	vld [tilespmem:s25+$0x0]  }
0x2f0: {  	v4 =	vld [tilespmem:s25+$0x10];
	_ =	sdelay $0x4  }
0x2f1: {  	v3 =	vpack.i.f32.bf16 v4, v3  }
0x2f2: {  	[tilespmem:s22+$0xFFFFFFC0] =	vst v3  }
0x2f3: {  	v3 =	vld [tilespmem:s25+$0x30]  }
0x2f4: {  	v4 =	vld [tilespmem:s25+$0x20];
	_ =	sdelay $0x4  }
0x2f5: {  	v3 =	vpack.i.f32.bf16 v3, v4  }
0x2f6: {  	[tilespmem:s22+$0xFFFFFFD0] =	vst v3  }
0x2f7: {  	v3 =	vld [tilespmem:s25+$0x40]  }
0x2f8: {  	v4 =	vld [tilespmem:s25+$0x50];
	_ =	sdelay $0x4  }
0x2f9: {  	v3 =	vpack.i.f32.bf16 v4, v3  }
0x2fa: {  	[tilespmem:s22+$0xFFFFFFE0] =	vst v3  }
0x2fb: {  	v3 =	vld [tilespmem:s25+$0x60]  }
0x2fc: {  	v4 =	vld [tilespmem:s25+$0x70];
	_ =	sdelay $0x4  }
0x2fd: {  	v3 =	vpack.i.f32.bf16 v4, v3  }
0x2fe: {  	[tilespmem:s22+$0xFFFFFFF0] =	vst v3  }
0x2ff: {  	v3 =	vld [tilespmem:s25+$0x80]  }
0x300: {  	v4 =	vld [tilespmem:s25+$0x90];
	_ =	sdelay $0x4  }
0x301: {  	v3 =	vpack.i.f32.bf16 v4, v3  }
0x302: {  	[tilespmem:s22+$0x0] =	vst v3  }
0x303: {  	v3 =	vld [tilespmem:s25+$0xA0]  }
0x304: {  	v4 =	vld [tilespmem:s25+$0xB0];
	_ =	sdelay $0x4  }
0x305: {  	v3 =	vpack.i.f32.bf16 v4, v3  }
0x306: {  	[tilespmem:s22+$0x10] =	vst v3  }
0x307: {  	v3 =	vld [tilespmem:s25+$0xC0]  }
0x308: {  	v4 =	vld [tilespmem:s25+$0xD0];
	_ =	sdelay $0x1  }
.Ltmp14:
0x309: {  	(pc) =	sbr.rel @p1 .LBB2_25-.Ltmp14, $3  }
0x30a: {  	_ =	sdelay $0x1  }
0x30b: {  	v3 =	vpack.i.f32.bf16 v4, v3  }
0x30c: {  	[tilespmem:s22+$0x20] =	vst v3  }
0x30d: {  	v3 =	vld [tilespmem:s21+$0xE0]  }
0x30e: {  	v4 =	vld [tilespmem:s21+$0xF0];
	_ =	sdelay $0x4  }
0x30f: {  	v3 =	vpack.i.f32.bf16 v4, v3  }
0x310: {  	[tilespmem:s23+$0x30] =	vst v3  }
0x311: {  	[hbm4b:s12+s2] =	stream.linear.scatter [tilespmem:s18], [sflag:$0x2], $0x2800, $0x38;
	[tilespmem:$0x1F800] =	vst v63  }
0x312: {  	_ =	swait.ge [sflag:s19], $0x2800  }
0x313: {  	[sflag:s19] =	ssyncset.done $0x0  }
0x314: {  	s21 =	simm.s32 $0xF000;
	[sflag:s19] =	ssyncadd.s32 $0xFFFFD800  }
0x315: {  	v3 =	vld [tilespmem:s21+$0x0]  }
0x316: {  	v57 =	vld [tilespmem:s21+$0x10];
	_ =	sdelay $0x4  }
0x317: {  	s22 =	simm.s32 $0x1D040;
	v3 =	vpack.i.f32.bf16 v57, v3  }
0x318: {  	[tilespmem:s22+$0xFFFFFFC0] =	vst v3  }
0x319: {  	v3 =	vld [tilespmem:s21+$0x30]  }
0x31a: {  	v58 =	vld [tilespmem:s21+$0x20];
	_ =	sdelay $0x4  }
0x31b: {  	v3 =	vpack.i.f32.bf16 v3, v58  }
0x31c: {  	[tilespmem:s22+$0xFFFFFFD0] =	vst v3  }
0x31d: {  	v3 =	vld [tilespmem:s21+$0x40]  }
0x31e: {  	v59 =	vld [tilespmem:s21+$0x50];
	_ =	sdelay $0x4  }
0x31f: {  	v3 =	vpack.i.f32.bf16 v59, v3  }
0x320: {  	[tilespmem:s22+$0xFFFFFFE0] =	vst v3  }
0x321: {  	v3 =	vld [tilespmem:s21+$0x60]  }
0x322: {  	v60 =	vld [tilespmem:s21+$0x70];
	_ =	sdelay $0x4  }
0x323: {  	v3 =	vpack.i.f32.bf16 v60, v3  }
0x324: {  	[tilespmem:s22+$0xFFFFFFF0] =	vst v3  }
0x325: {  	v3 =	vld [tilespmem:s21+$0x80]  }
0x326: {  	v61 =	vld [tilespmem:s21+$0x90];
	_ =	sdelay $0x4  }
0x327: {  	v3 =	vpack.i.f32.bf16 v61, v3  }
0x328: {  	[tilespmem:s22+$0x0] =	vst v3  }
0x329: {  	v3 =	vld [tilespmem:s21+$0xA0]  }
0x32a: {  	v62 =	vld [tilespmem:s21+$0xB0];
	_ =	sdelay $0x4  }
0x32b: {  	v3 =	vpack.i.f32.bf16 v62, v3  }
0x32c: {  	[tilespmem:s22+$0x10] =	vst v3  }
0x32d: {  	v3 =	vld [tilespmem:s21+$0xC0]  }
0x32e: {  	v63 =	vld [tilespmem:s21+$0xD0];
	_ =	sdelay $0x4  }
0x32f: {  	v3 =	vpack.i.f32.bf16 v63, v3  }
0x330: {  	s24 =	simm.s32 $0x0;
	s25 =	simm.s32 $0xF000;
	s23 =	simm.s32 $0x1D040;
	[tilespmem:s22+$0x20] =	vst v3  }
.LBB2_27:
0x331: {  	s24 =	sadd.s32 $0x8, s24;
	v3 =	vld [tilespmem:s21+$0xE0];
	s25 =	sadd.s32 $0x100, s25;
	s22 =	sadd.s32 $0x80, s22  }
0x332: {  	p1 =	slt.u32 s24, $0x278;
	v4 =	vld [tilespmem:s21+$0xF0];
	s21 =	smov.u32 s25;
	_ =	sdelay $0x4  }
0x333: {  	v3 =	vpack.i.f32.bf16 v4, v3  }
0x334: {  	[tilespmem:s23+$0x30] =	vst v3;
	s23 =	smov.u32 s22  }
0x335: {  	v3 =	vld [tilespmem:s25+$0x0]  }
0x336: {  	v4 =	vld [tilespmem:s25+$0x10];
	_ =	sdelay $0x4  }
0x337: {  	v3 =	vpack.i.f32.bf16 v4, v3  }
0x338: {  	[tilespmem:s22+$0xFFFFFFC0] =	vst v3  }
0x339: {  	v3 =	vld [tilespmem:s25+$0x30]  }
0x33a: {  	v4 =	vld [tilespmem:s25+$0x20];
	_ =	sdelay $0x4  }
0x33b: {  	v3 =	vpack.i.f32.bf16 v3, v4  }
0x33c: {  	[tilespmem:s22+$0xFFFFFFD0] =	vst v3  }
0x33d: {  	v3 =	vld [tilespmem:s25+$0x40]  }
0x33e: {  	v4 =	vld [tilespmem:s25+$0x50];
	_ =	sdelay $0x4  }
0x33f: {  	v3 =	vpack.i.f32.bf16 v4, v3  }
0x340: {  	[tilespmem:s22+$0xFFFFFFE0] =	vst v3  }
0x341: {  	v3 =	vld [tilespmem:s25+$0x60]  }
0x342: {  	v4 =	vld [tilespmem:s25+$0x70];
	_ =	sdelay $0x4  }
0x343: {  	v3 =	vpack.i.f32.bf16 v4, v3  }
0x344: {  	[tilespmem:s22+$0xFFFFFFF0] =	vst v3  }
0x345: {  	v3 =	vld [tilespmem:s25+$0x80]  }
0x346: {  	v4 =	vld [tilespmem:s25+$0x90];
	_ =	sdelay $0x4  }
0x347: {  	v3 =	vpack.i.f32.bf16 v4, v3  }
0x348: {  	[tilespmem:s22+$0x0] =	vst v3  }
0x349: {  	v3 =	vld [tilespmem:s25+$0xA0]  }
0x34a: {  	v4 =	vld [tilespmem:s25+$0xB0];
	_ =	sdelay $0x4  }
0x34b: {  	v3 =	vpack.i.f32.bf16 v4, v3  }
0x34c: {  	[tilespmem:s22+$0x10] =	vst v3  }
0x34d: {  	v3 =	vld [tilespmem:s25+$0xC0]  }
0x34e: {  	v4 =	vld [tilespmem:s25+$0xD0];
	_ =	sdelay $0x1  }
.Ltmp15:
0x34f: {  	(pc) =	sbr.rel @p1 .LBB2_27-.Ltmp15, $3  }
0x350: {  	_ =	sdelay $0x1  }
0x351: {  	v3 =	vpack.i.f32.bf16 v4, v3  }
0x352: {  	[tilespmem:s22+$0x20] =	vst v3  }
0x353: {  	v3 =	vld [tilespmem:s21+$0xE0]  }
0x354: {  	v4 =	vld [tilespmem:s21+$0xF0];
	_ =	sdelay $0x4  }
0x355: {  	v3 =	vpack.i.f32.bf16 v4, v3  }
0x356: {  	[tilespmem:s23+$0x30] =	vst v3  }
0x357: {  	[hbm4b:s13+s2] =	stream.linear.scatter [tilespmem:s18], [sflag:$0x2], $0x2800, $0x38;
	[tilespmem:$0x1F800] =	vst v63  }
0x358: {  	_ =	swait.ge [sflag:s19], $0x2800  }
0x359: {  	[sflag:s19] =	ssyncset.done $0x0  }
0x35a: {  	s21 =	simm.s32 $0x14000;
	[sflag:s19] =	ssyncadd.s32 $0xFFFFD800  }
0x35b: {  	v3 =	vld [tilespmem:s21+$0x0]  }
0x35c: {  	v57 =	vld [tilespmem:s21+$0x10];
	_ =	sdelay $0x4  }
0x35d: {  	s22 =	simm.s32 $0x1D040;
	v3 =	vpack.i.f32.bf16 v57, v3  }
0x35e: {  	[tilespmem:s22+$0xFFFFFFC0] =	vst v3  }
0x35f: {  	v3 =	vld [tilespmem:s21+$0x30]  }
0x360: {  	v58 =	vld [tilespmem:s21+$0x20];
	_ =	sdelay $0x4  }
0x361: {  	v3 =	vpack.i.f32.bf16 v3, v58  }
0x362: {  	[tilespmem:s22+$0xFFFFFFD0] =	vst v3  }
0x363: {  	v3 =	vld [tilespmem:s21+$0x40]  }
0x364: {  	v59 =	vld [tilespmem:s21+$0x50];
	_ =	sdelay $0x4  }
0x365: {  	v3 =	vpack.i.f32.bf16 v59, v3  }
0x366: {  	[tilespmem:s22+$0xFFFFFFE0] =	vst v3  }
0x367: {  	v3 =	vld [tilespmem:s21+$0x60]  }
0x368: {  	v60 =	vld [tilespmem:s21+$0x70];
	_ =	sdelay $0x4  }
0x369: {  	v3 =	vpack.i.f32.bf16 v60, v3  }
0x36a: {  	[tilespmem:s22+$0xFFFFFFF0] =	vst v3  }
0x36b: {  	v3 =	vld [tilespmem:s21+$0x80]  }
0x36c: {  	v61 =	vld [tilespmem:s21+$0x90];
	_ =	sdelay $0x4  }
0x36d: {  	v3 =	vpack.i.f32.bf16 v61, v3  }
0x36e: {  	[tilespmem:s22+$0x0] =	vst v3  }
0x36f: {  	v3 =	vld [tilespmem:s21+$0xA0]  }
0x370: {  	v62 =	vld [tilespmem:s21+$0xB0];
	_ =	sdelay $0x4  }
0x371: {  	v3 =	vpack.i.f32.bf16 v62, v3  }
0x372: {  	[tilespmem:s22+$0x10] =	vst v3  }
0x373: {  	v3 =	vld [tilespmem:s21+$0xC0]  }
0x374: {  	v63 =	vld [tilespmem:s21+$0xD0];
	_ =	sdelay $0x4  }
0x375: {  	v3 =	vpack.i.f32.bf16 v63, v3  }
0x376: {  	s24 =	simm.s32 $0x0;
	s25 =	simm.s32 $0x14000;
	s23 =	simm.s32 $0x1D040;
	[tilespmem:s22+$0x20] =	vst v3  }
.LBB2_29:
0x377: {  	s24 =	sadd.s32 $0x8, s24;
	v3 =	vld [tilespmem:s21+$0xE0];
	s25 =	sadd.s32 $0x100, s25;
	s22 =	sadd.s32 $0x80, s22  }
0x378: {  	p1 =	slt.u32 s24, $0x278;
	v4 =	vld [tilespmem:s21+$0xF0];
	s21 =	smov.u32 s25;
	_ =	sdelay $0x4  }
0x379: {  	v3 =	vpack.i.f32.bf16 v4, v3  }
0x37a: {  	[tilespmem:s23+$0x30] =	vst v3;
	s23 =	smov.u32 s22  }
0x37b: {  	v3 =	vld [tilespmem:s25+$0x0]  }
0x37c: {  	v4 =	vld [tilespmem:s25+$0x10];
	_ =	sdelay $0x4  }
0x37d: {  	v3 =	vpack.i.f32.bf16 v4, v3  }
0x37e: {  	[tilespmem:s22+$0xFFFFFFC0] =	vst v3  }
0x37f: {  	v3 =	vld [tilespmem:s25+$0x30]  }
0x380: {  	v4 =	vld [tilespmem:s25+$0x20];
	_ =	sdelay $0x4  }
0x381: {  	v3 =	vpack.i.f32.bf16 v3, v4  }
0x382: {  	[tilespmem:s22+$0xFFFFFFD0] =	vst v3  }
0x383: {  	v3 =	vld [tilespmem:s25+$0x40]  }
0x384: {  	v4 =	vld [tilespmem:s25+$0x50];
	_ =	sdelay $0x4  }
0x385: {  	v3 =	vpack.i.f32.bf16 v4, v3  }
0x386: {  	[tilespmem:s22+$0xFFFFFFE0] =	vst v3  }
0x387: {  	v3 =	vld [tilespmem:s25+$0x60]  }
0x388: {  	v4 =	vld [tilespmem:s25+$0x70];
	_ =	sdelay $0x4  }
0x389: {  	v3 =	vpack.i.f32.bf16 v4, v3  }
0x38a: {  	[tilespmem:s22+$0xFFFFFFF0] =	vst v3  }
0x38b: {  	v3 =	vld [tilespmem:s25+$0x80]  }
0x38c: {  	v4 =	vld [tilespmem:s25+$0x90];
	_ =	sdelay $0x4  }
0x38d: {  	v3 =	vpack.i.f32.bf16 v4, v3  }
0x38e: {  	[tilespmem:s22+$0x0] =	vst v3  }
0x38f: {  	v3 =	vld [tilespmem:s25+$0xA0]  }
0x390: {  	v4 =	vld [tilespmem:s25+$0xB0];
	_ =	sdelay $0x4  }
0x391: {  	v3 =	vpack.i.f32.bf16 v4, v3  }
0x392: {  	[tilespmem:s22+$0x10] =	vst v3  }
0x393: {  	v3 =	vld [tilespmem:s25+$0xC0]  }
0x394: {  	v4 =	vld [tilespmem:s25+$0xD0];
	_ =	sdelay $0x1  }
.Ltmp16:
0x395: {  	(pc) =	sbr.rel @p1 .LBB2_29-.Ltmp16, $3  }
0x396: {  	_ =	sdelay $0x1  }
0x397: {  	v3 =	vpack.i.f32.bf16 v4, v3  }
0x398: {  	[tilespmem:s22+$0x20] =	vst v3  }
.Ltmp17:
0x399: {  	_ = 	snop;
	(pc) =	sbr.rel .LBB2_30-.Ltmp17, $1  }
0x39a: {  	_ =	sdelay $0x3  }
.LBB2_32:
0x39b: {  	_ =	sfence.sel $0x180000  }
0x39c: {  	[bflag:$0x0] =	sbarrier.arrive $0xFFFF  }
0x39d: {  	p0 =	sne.s32 s0, $0x0;
	_ =	strace $0x90000047  }
0x39e: {  	s0 =	sadd.s32 @!p0 $0x100000, s1;
	[bflag:$0x2] =	sbarrier.arrive $0xFFFF  }
0x39f: {  	[sflag:s0] =	ssyncadd.tile.s32 @!p0 $0x1;
	_ =	shalt  }
.Lfunc_end2:
_tile_overlayer_lowered:
.L_overlay_start_2:
0x3a0: {  	(tag) =	ssettag $0x2  }
0x3a1: {  	s0 =	rddreg [dreg:$0x0];
	s2 =	stileid.u32  }
0x3a2: {  	s1 =	rddreg [dreg:$0x1];
	p0 =	sne.s32 s2, $0x0  }
0x3a3: {  	s3 =	rddreg [dreg:$0x2];
	[bflag:$0x3] =	sbarrier.arrive $0xFFFF;
	s2 =	simm.s32 @!p0 $0x1C02  }
0x3a4: {  	[timem:s3], [sflag:s2] =	dma.local @!p0 [hbm:s0], s1  }
0x3a5: {  	s0 =	simm.s32 @!p0 $0x2  }
0x3a6: {  	_ =	swait.ge @!p0 [sflag:s0], s1  }
0x3a7: {  	s1 =	ssub.s32 @!p0 $0x0, s1;
	[sflag:s0] =	ssyncset.done @!p0 $0x0  }
0x3a8: {  	[sflag:s0] =	ssyncadd.s32 @!p0 s1  }
0x3a9: {  	[bflag:$0x3] =	sbarrier.arrive $0xFFFF  }
0x3aa: {  	_ =	shalt  }

</sc_bundles>
